<compile_context>
chip_gen: v7x
topology: tpu7x:2x2x1
jax: 0.10.2.dev20260603
libtpu: 0.0.44.dev20260713+nightly
codegen_flags: <defaults>
</compile_context>

<pallas_src>
import functools

import jax
import jax.numpy as jnp
from jax import lax
from jax.experimental import pallas as pl
from jax.experimental.pallas import tpu as pltpu
from jax.experimental.pallas import tpu_sc as plsc

S = 64.0
MARGIN = 0.5
_COS_M = 0.8775825618903728
_SIN_M = 0.479425538604203

_LANES = 16
_NBUF = 4
_WMAIN = 3072
_NMAIN = 32


def _sc_sqrt(y):
  i = plsc.bitcast(y, jnp.int32)
  r = plsc.bitcast(0x5F3759DF - (i >> 1), jnp.float32)
  for _ in range(3):
    r = r * (1.5 - 0.5 * y * r * r)
  return y * r


def _sc_stream(logits, labels, B, C):
  info = plsc.get_sparse_core_info()
  nw = info.num_cores * info.num_subcores
  rows_per_w = B // nw
  bands_per_w = rows_per_w // 8
  total = bands_per_w * _NMAIN

  c_rem = _NMAIN * _WMAIN
  wrem = C - c_rem
  mesh = plsc.VectorSubcoreMesh(core_axis_name="c", subcore_axis_name="s")

  @functools.partial(
      pl.kernel,
      out_type=jax.ShapeDtypeStruct((B, C), jnp.float32),
      mesh=mesh,
      compiler_params=pltpu.CompilerParams(needs_layout_passes=False),
      scratch_types=[
          [pltpu.VMEM((8, _WMAIN), jnp.float32) for _ in range(_NBUF)],
          pltpu.VMEM((8, wrem), jnp.float32),
          pltpu.VMEM((rows_per_w,), jnp.int32),
          [pltpu.SemaphoreType.DMA for _ in range(_NBUF)],
          [pltpu.SemaphoreType.DMA for _ in range(_NBUF)],
      ],
  )
  def k(x_hbm, lab_hbm, o_hbm, bufs, buf_r, lab_v, in_sems, out_sems):
    wid = lax.axis_index("s") * info.num_cores + lax.axis_index("c")
    base_row = wid * rows_per_w

    pltpu.sync_copy(lab_hbm.at[pl.ds(base_row, rows_per_w)], lab_v)
    lane = lax.iota(jnp.int32, _LANES)
    rowlane = lane & 7
    is_row = lane < 8

    def slab(g):
      r0 = base_row + (g >> 5) * 8
      c0 = (g & (_NMAIN - 1)) * _WMAIN
      return r0, c0

    def in_copy(g, b):
      r0, c0 = slab(g)
      return pltpu.make_async_copy(
          x_hbm.at[pl.ds(r0, 8), pl.ds(c0, _WMAIN)], bufs[b], in_sems[b])

    def out_copy(g, b):
      r0, c0 = slab(g)
      return pltpu.make_async_copy(
          bufs[b], o_hbm.at[pl.ds(r0, 8), pl.ds(c0, _WMAIN)], out_sems[b])

    def fixup(bi, bref, c0, w):
      lab16 = plsc.load_gather(lab_v, [bi * 8 + rowlane])
      lab_loc = lab16 - c0
      inrange = (lab_loc >= 0) & (lab_loc < w) & is_row
      safe_loc = jnp.where(inrange, lab_loc, 0)
      t = plsc.load_gather(bref, [rowlane, safe_loc], mask=inrange)
      fv = (t * _COS_M - _sc_sqrt(jnp.maximum(1.0 - t * t, 0.0)) * _SIN_M)
      plsc.store_scatter(bref, [rowlane, safe_loc], fv, mask=inrange)

    def scale(bref, w, unroll=8):
      for r in range(8):
        @plsc.parallel_loop(0, w // _LANES, step=1, unroll=unroll)
        def _scale_row(v):
          sl = pl.ds(v * _LANES, _LANES)
          bref[r, sl] = bref[r, sl] * S

    for b in range(2):
      in_copy(b, b).start()

    def do_round(gg, carry):
      for b in range(_NBUF):
        g = gg * _NBUF + b
        in_copy(g, b).wait()
        fixup(g >> 5, bufs[b], (g & (_NMAIN - 1)) * _WMAIN, _WMAIN)
        scale(bufs[b], _WMAIN)
        out_copy(g, b).start()
        b2 = (b + 2) % _NBUF

        @pl.when(g + 2 < total)
        def _prefetch():
          @pl.when(g >= 2)
          def _drain():
            out_copy(g - 2, b2).wait()
          in_copy(g + 2, b2).start()
      return carry

    lax.fori_loop(0, total // _NBUF, do_round, 0)
    for b in range(_NBUF):
      g_last = total - _NBUF + b
      out_copy(g_last, g_last % _NBUF).wait()

    def do_edges(bi, carry):
      r0 = base_row + bi * 8
      pltpu.sync_copy(x_hbm.at[pl.ds(r0, 8), pl.ds(c_rem, wrem)], buf_r)
      fixup(bi, buf_r, c_rem, wrem)
      scale(buf_r, wrem, unroll=2)
      pltpu.sync_copy(buf_r, o_hbm.at[pl.ds(r0, 8), pl.ds(c_rem, wrem)])
      return carry

    lax.fori_loop(0, bands_per_w, do_edges, 0)

  return k(logits, labels)


def kernel(logits, labels, embeddings):
  B, C = logits.shape
  out = _sc_stream(logits, labels, B, C)
  return (out, None)

# --- scband reference (transcript-rebuilt; emitter-appended) ---
"""Pipeline reference for scband-arc-face-46755013984745 (READ-ONLY COPY).

The authoritative reference and input builder live on the scoring server;
editing this copy changes nothing except your own understanding.
"""

import jax, jax.numpy as jnp
import numpy as np

S = 64.0
MARGIN = 0.5
B = 1024
C = 100000
D = 128

def setup_inputs(seed: int = 0):
    key = jax.random.key(seed)
    k1, k2, k3 = jax.random.split(key, 3)
    # logits are cosine similarities, strictly inside (-1, 1)
    logits = jax.random.uniform(k1, (B, C), dtype=jnp.float32, minval=-0.999, maxval=0.999)
    labels = jax.random.randint(k2, (B,), 0, C, dtype=jnp.int32)
    embeddings = jax.random.normal(k3, (B, D), dtype=jnp.float32)
    return {"logits": logits, "labels": labels, "embeddings": embeddings}

def reference(logits, labels, embeddings):
    # index = where(labels != -1); margin applied only at valid rows' target class
    valid = labels != -1
    safe_labels = jnp.where(valid, labels, 0)
    rows = jnp.arange(logits.shape[0])
    # torch does logits.arccos_() in-place under no_grad
    theta = jnp.arccos(logits)
    # target_logit.arccos_(); final_target_logit = target_logit + margin; scatter back
    add = jnp.where(valid, jnp.float32(MARGIN), jnp.float32(0.0))
    new_theta = theta.at[rows, safe_labels].add(add)
    transformed = jnp.cos(new_theta)
    # the arccos/scatter/cos happen under no_grad in torch -> straight-through for grad
    out = (logits + jax.lax.stop_gradient(transformed - logits)) * S
    return (out, None)

if __name__ == "__main__":
    import jax
    _d = setup_inputs()
    print(jax.jit(kernel)(*tuple(_d.values())))

</pallas_src>

<mosaic_0001>
#map = affine_map<(d0, d1) -> (0, 0)>
#map1 = affine_map<(d0, d1) -> (0)>
module attributes {stable_mosaic.version = 14 : i64} {
  func.func @k(%arg0: i32, %arg1: i32, %arg2: memref<1024x100000xf32, #tpu.memory_space<hbm>>, %arg3: memref<1024xi32, #tpu.memory_space<hbm>>, %arg4: memref<1024x100000xf32, #tpu.memory_space<hbm>>, %arg5: memref<8x3072xf32, #tpu.memory_space<vmem>>, %arg6: memref<8x3072xf32, #tpu.memory_space<vmem>>, %arg7: memref<8x3072xf32, #tpu.memory_space<vmem>>, %arg8: memref<8x3072xf32, #tpu.memory_space<vmem>>, %arg9: memref<8x1696xf32, #tpu.memory_space<vmem>>, %arg10: memref<32xi32, #tpu.memory_space<vmem>>, %arg11: memref<!tpu.dma_semaphore, #tpu.memory_space<semaphore_mem>>, %arg12: memref<!tpu.dma_semaphore, #tpu.memory_space<semaphore_mem>>, %arg13: memref<!tpu.dma_semaphore, #tpu.memory_space<semaphore_mem>>, %arg14: memref<!tpu.dma_semaphore, #tpu.memory_space<semaphore_mem>>, %arg15: memref<!tpu.dma_semaphore, #tpu.memory_space<semaphore_mem>>, %arg16: memref<!tpu.dma_semaphore, #tpu.memory_space<semaphore_mem>>, %arg17: memref<!tpu.dma_semaphore, #tpu.memory_space<semaphore_mem>>, %arg18: memref<!tpu.dma_semaphore, #tpu.memory_space<semaphore_mem>>) attributes {dimension_semantics = [#tpu.dimension_semantics<core_parallel>, #tpu.dimension_semantics<subcore_parallel>], iteration_bounds = array<i64: 2, 16>, scalar_prefetch = 0 : i64, scratch_operands = 14 : i64, tpu.core_type = #tpu.core_type<sc_vector_subcore>, window_params = [{transform_indices = #map}, {transform_indices = #map1}, {transform_indices = #map}]} {
    %mul3A = arith.constant 2 : i32
    %mul3A_0 = arith.muli %arg1, %mul3A : i32
    %add3A = arith.addi %mul3A_0, %arg0 : i32
    %mul3A_1 = arith.constant 32 : i32
    %mul3A_2 = arith.muli %add3A, %mul3A_1 : i32
    "tpu.region"() ({
      %run_scoped3A = tpu.sem_alloc : memref<!tpu.dma_semaphore, #tpu.memory_space<semaphore_mem>>
      %dma_start3A_52 = tpu.memref_slice %arg3[%mul3A_2] : memref<1024xi32, #tpu.memory_space<hbm>> -> memref<32xi32, #tpu.memory_space<hbm>>
      %dma_start3A_53 = tpu.memref_slice %arg3[%mul3A_2] : memref<1024xi32, #tpu.memory_space<hbm>> -> memref<32xi32, #tpu.memory_space<hbm>>
      tpu.enqueue_dma source(%dma_start3A_53 : memref<32xi32, #tpu.memory_space<hbm>>) target(%arg10 : memref<32xi32, #tpu.memory_space<vmem>>) target_semaphore(%run_scoped3A : memref<!tpu.dma_semaphore, #tpu.memory_space<semaphore_mem>>)
      %dma_wait3A_54 = tpu.memref_slice %arg3[%mul3A_2] : memref<1024xi32, #tpu.memory_space<hbm>> -> memref<32xi32, #tpu.memory_space<hbm>>
      %dma_wait3A_55 = tpu.memref_slice %arg3[%mul3A_2] : memref<1024xi32, #tpu.memory_space<hbm>> -> memref<32xi32, #tpu.memory_space<hbm>>
      tpu.wait_dma2 semaphore(%run_scoped3A : memref<!tpu.dma_semaphore, #tpu.memory_space<semaphore_mem>>) src(%dma_wait3A_55 : memref<32xi32, #tpu.memory_space<hbm>>) dst(%arg10 : memref<32xi32, #tpu.memory_space<vmem>>)
      tpu.yield
    }) : () -> ()
    %iota3A = tpu.iota {dimensions = array<i32: 0>} : vector<16xi32>
    %and3A = arith.constant 7 : i32
    %and3A_3 = vector.broadcast %and3A : i32 to vector<16xi32>
    %and3A_4 = arith.andi %iota3A, %and3A_3 : vector<16xi32>
    %lt3A = arith.constant 8 : i32
    %lt3A_5 = vector.broadcast %lt3A : i32 to vector<16xi32>
    %lt3A_6 = arith.cmpi slt, %iota3A, %lt3A_5 : vector<16xi32>
    %add3A_7 = arith.constant 0 : i32
    %add3A_8 = arith.addi %mul3A_2, %add3A_7 : i32
    %dma_start3A = arith.constant 0 : i32
    %dma_start3A_9 = tpu.memref_slice %arg2[%add3A_8, %dma_start3A] : memref<1024x100000xf32, #tpu.memory_space<hbm>> -> memref<8x3072xf32, #tpu.memory_space<hbm>>
    %dma_start3A_10 = arith.constant 0 : i32
    %dma_start3A_11 = tpu.memref_slice %arg2[%add3A_8, %dma_start3A_10] : memref<1024x100000xf32, #tpu.memory_space<hbm>> -> memref<8x3072xf32, #tpu.memory_space<hbm>>
    tpu.enqueue_dma source(%dma_start3A_11 : memref<8x3072xf32, #tpu.memory_space<hbm>>) target(%arg5 : memref<8x3072xf32, #tpu.memory_space<vmem>>) target_semaphore(%arg11 : memref<!tpu.dma_semaphore, #tpu.memory_space<semaphore_mem>>)
    %add3A_12 = arith.constant 0 : i32
    %add3A_13 = arith.addi %mul3A_2, %add3A_12 : i32
    %dma_start3A_14 = arith.constant 3072 : i32
    %dma_start3A_15 = tpu.memref_slice %arg2[%add3A_13, %dma_start3A_14] : memref<1024x100000xf32, #tpu.memory_space<hbm>> -> memref<8x3072xf32, #tpu.memory_space<hbm>>
    %dma_start3A_16 = arith.constant 3072 : i32
    %dma_start3A_17 = tpu.memref_slice %arg2[%add3A_13, %dma_start3A_16] : memref<1024x100000xf32, #tpu.memory_space<hbm>> -> memref<8x3072xf32, #tpu.memory_space<hbm>>
    tpu.enqueue_dma source(%dma_start3A_17 : memref<8x3072xf32, #tpu.memory_space<hbm>>) target(%arg6 : memref<8x3072xf32, #tpu.memory_space<vmem>>) target_semaphore(%arg12 : memref<!tpu.dma_semaphore, #tpu.memory_space<semaphore_mem>>)
    %scan3A = arith.constant 0 : i32
    %scan3A_18 = arith.constant 0 : i32
    %scan3A_19 = arith.constant 32 : i32
    %scan3A_20 = arith.addi %scan3A_18, %scan3A_19 : i32
    %scan3A_21 = arith.constant 1 : i32
    scf.for %scan3A_52 = %scan3A_18 to %scan3A_20 step %scan3A_21  : i32 {
      %mul3A_53 = arith.constant 4 : i32
      %mul3A_54 = arith.muli %scan3A_52, %mul3A_53 : i32
      %add3A_55 = arith.constant 0 : i32
      %add3A_56 = arith.addi %mul3A_54, %add3A_55 : i32
      %shift_right_arithmetic3A = arith.constant 5 : i32
      %shift_right_arithmetic3A_57 = arith.shrsi %add3A_56, %shift_right_arithmetic3A : i32
      %mul3A_58 = arith.constant 8 : i32
      %mul3A_59 = arith.muli %shift_right_arithmetic3A_57, %mul3A_58 : i32
      %add3A_60 = arith.addi %mul3A_2, %mul3A_59 : i32
      %and3A_61 = arith.constant 31 : i32
      %and3A_62 = arith.andi %add3A_56, %and3A_61 : i32
      %mul3A_63 = arith.constant 3072 : i32
      %mul3A_64 = arith.muli %and3A_62, %mul3A_63 : i32
      %dma_wait3A_65 = tpu.memref_slice %arg2[%add3A_60, %mul3A_64] : memref<1024x100000xf32, #tpu.memory_space<hbm>> -> memref<8x3072xf32, #tpu.memory_space<hbm>>
      %dma_wait3A_66 = tpu.memref_slice %arg2[%add3A_60, %mul3A_64] : memref<1024x100000xf32, #tpu.memory_space<hbm>> -> memref<8x3072xf32, #tpu.memory_space<hbm>>
      tpu.wait_dma2 semaphore(%arg11 : memref<!tpu.dma_semaphore, #tpu.memory_space<semaphore_mem>>) src(%dma_wait3A_66 : memref<8x3072xf32, #tpu.memory_space<hbm>>) dst(%arg5 : memref<8x3072xf32, #tpu.memory_space<vmem>>)
      %shift_right_arithmetic3A_67 = arith.constant 5 : i32
      %shift_right_arithmetic3A_68 = arith.shrsi %add3A_56, %shift_right_arithmetic3A_67 : i32
      %and3A_69 = arith.constant 31 : i32
      %and3A_70 = arith.andi %add3A_56, %and3A_69 : i32
      %mul3A_71 = arith.constant 3072 : i32
      %mul3A_72 = arith.muli %and3A_70, %mul3A_71 : i32
      %mul3A_73 = arith.constant 8 : i32
      %mul3A_74 = arith.muli %shift_right_arithmetic3A_68, %mul3A_73 : i32
      %add3A_75 = vector.broadcast %mul3A_74 : i32 to vector<16xi32>
      %add3A_76 = arith.addi %add3A_75, %and3A_4 : vector<16xi32>
      %gather3A = tpu.vector_load_idx %arg10[%add3A_76] : memref<32xi32, #tpu.memory_space<vmem>>[vector<16xi32>], vector<16xi32>,
      %sub3A = vector.broadcast %mul3A_72 : i32 to vector<16xi32>
      %sub3A_77 = arith.subi %gather3A, %sub3A : vector<16xi32>
      %ge3A = arith.constant 0 : i32
      %ge3A_78 = vector.broadcast %ge3A : i32 to vector<16xi32>
      %ge3A_79 = arith.cmpi sge, %sub3A_77, %ge3A_78 : vector<16xi32>
      %lt3A_80 = arith.constant 3072 : i32
      %lt3A_81 = vector.broadcast %lt3A_80 : i32 to vector<16xi32>
      %lt3A_82 = arith.cmpi slt, %sub3A_77, %lt3A_81 : vector<16xi32>
      %and3A_83 = arith.andi %ge3A_79, %lt3A_82 : vector<16xi1>
      %and3A_84 = arith.andi %and3A_83, %lt3A_6 : vector<16xi1>
      %jit3A = arith.constant 0 : i32
      %broadcast_in_dim3A = vector.broadcast %jit3A : i32 to vector<16xi32>
      %select_n3A = arith.select %and3A_84, %sub3A_77, %broadcast_in_dim3A : vector<16xi1>, vector<16xi32>
      %gather3A_85 = tpu.vector_load_idx %arg5[%and3A_4, %select_n3A] masked %and3A_84 : memref<8x3072xf32, #tpu.memory_space<vmem>>[vector<16xi32>, vector<16xi32>], vector<16xf32>, vector<16xi1>
      %mul3A_86 = arith.constant 0.87758255 : f32
      %mul3A_87 = vector.broadcast %mul3A_86 : f32 to vector<16xf32>
      %mul3A_88 = arith.mulf %gather3A_85, %mul3A_87 : vector<16xf32>
      %mul3A_89 = arith.mulf %gather3A_85, %gather3A_85 : vector<16xf32>
      %sub3A_90 = arith.constant 1.000000e+00 : f32
      %sub3A_91 = vector.broadcast %sub3A_90 : f32 to vector<16xf32>
      %sub3A_92 = arith.subf %sub3A_91, %mul3A_89 : vector<16xf32>
      %max3A = arith.constant 0.000000e+00 : f32
      %max3A_93 = vector.broadcast %max3A : f32 to vector<16xf32>
      %max3A_94 = arith.maximumf %sub3A_92, %max3A_93 : vector<16xf32>
      %bitcast3A = vector.bitcast %max3A_94 : vector<16xf32> to vector<16xi32>
      %shift_right_arithmetic3A_95 = arith.constant 1 : i32
      %shift_right_arithmetic3A_96 = vector.broadcast %shift_right_arithmetic3A_95 : i32 to vector<16xi32>
      %shift_right_arithmetic3A_97 = arith.shrsi %bitcast3A, %shift_right_arithmetic3A_96 : vector<16xi32>
      %sub3A_98 = arith.constant 1597463007 : i32
      %sub3A_99 = vector.broadcast %sub3A_98 : i32 to vector<16xi32>
      %sub3A_100 = arith.subi %sub3A_99, %shift_right_arithmetic3A_97 : vector<16xi32>
      %bitcast3A_101 = vector.bitcast %sub3A_100 : vector<16xi32> to vector<16xf32>
      %mul3A_102 = arith.constant 5.000000e-01 : f32
      %mul3A_103 = vector.broadcast %mul3A_102 : f32 to vector<16xf32>
      %mul3A_104 = arith.mulf %mul3A_103, %max3A_94 : vector<16xf32>
      %mul3A_105 = arith.mulf %mul3A_104, %bitcast3A_101 : vector<16xf32>
      %mul3A_106 = arith.mulf %mul3A_105, %bitcast3A_101 : vector<16xf32>
      %sub3A_107 = arith.constant 1.500000e+00 : f32
      %sub3A_108 = vector.broadcast %sub3A_107 : f32 to vector<16xf32>
      %sub3A_109 = arith.subf %sub3A_108, %mul3A_106 : vector<16xf32>
      %mul3A_110 = arith.mulf %bitcast3A_101, %sub3A_109 : vector<16xf32>
      %mul3A_111 = arith.constant 5.000000e-01 : f32
      %mul3A_112 = vector.broadcast %mul3A_111 : f32 to vector<16xf32>
      %mul3A_113 = arith.mulf %mul3A_112, %max3A_94 : vector<16xf32>
      %mul3A_114 = arith.mulf %mul3A_113, %mul3A_110 : vector<16xf32>
      %mul3A_115 = arith.mulf %mul3A_114, %mul3A_110 : vector<16xf32>
      %sub3A_116 = arith.constant 1.500000e+00 : f32
      %sub3A_117 = vector.broadcast %sub3A_116 : f32 to vector<16xf32>
      %sub3A_118 = arith.subf %sub3A_117, %mul3A_115 : vector<16xf32>
      %mul3A_119 = arith.mulf %mul3A_110, %sub3A_118 : vector<16xf32>
      %mul3A_120 = arith.constant 5.000000e-01 : f32
      %mul3A_121 = vector.broadcast %mul3A_120 : f32 to vector<16xf32>
      %mul3A_122 = arith.mulf %mul3A_121, %max3A_94 : vector<16xf32>
      %mul3A_123 = arith.mulf %mul3A_122, %mul3A_119 : vector<16xf32>
      %mul3A_124 = arith.mulf %mul3A_123, %mul3A_119 : vector<16xf32>
      %sub3A_125 = arith.constant 1.500000e+00 : f32
      %sub3A_126 = vector.broadcast %sub3A_125 : f32 to vector<16xf32>
      %sub3A_127 = arith.subf %sub3A_126, %mul3A_124 : vector<16xf32>
      %mul3A_128 = arith.mulf %mul3A_119, %sub3A_127 : vector<16xf32>
      %mul3A_129 = arith.mulf %max3A_94, %mul3A_128 : vector<16xf32>
      %mul3A_130 = arith.constant 0.47942555 : f32
      %mul3A_131 = vector.broadcast %mul3A_130 : f32 to vector<16xf32>
      %mul3A_132 = arith.mulf %mul3A_129, %mul3A_131 : vector<16xf32>
      %sub3A_133 = arith.subf %mul3A_88, %mul3A_132 : vector<16xf32>
      tpu.vector_store_idx %arg5[%and3A_4, %select_n3A], %sub3A_133 masked %and3A_84 : memref<8x3072xf32, #tpu.memory_space<vmem>>[vector<16xi32>, vector<16xi32>], vector<16xf32>, vector<16xi1>
      %parallel_loop3A = arith.constant 0 : i32
      %parallel_loop3A_134 = arith.constant 192 : i32
      %parallel_loop3A_135 = arith.constant 1 : i32
      scf.for %parallel_loop3A_569 = %parallel_loop3A to %parallel_loop3A_134 step %parallel_loop3A_135  : i32 {
        %parallel_loop3A_570 = arith.constant 16 : i32
        %parallel_loop3A_571 = arith.muli %parallel_loop3A_569, %parallel_loop3A_570 : i32
        %parallel_loop3A_572 = arith.constant 0 : i32
        %parallel_loop3A_573 = arith.index_cast %parallel_loop3A_572 : i32 to index
        %parallel_loop3A_574 = arith.index_cast %parallel_loop3A_571 : i32 to index
        %parallel_loop3A_575 = tpu.vector_load %arg5[%parallel_loop3A_573, %parallel_loop3A_574] {strides = array<i32>} : memref<8x3072xf32, #tpu.memory_space<vmem>>, vector<16xf32>,
        %parallel_loop3A_576 = arith.constant 6.400000e+01 : f32
        %parallel_loop3A_577 = vector.broadcast %parallel_loop3A_576 : f32 to vector<16xf32>
        %parallel_loop3A_578 = arith.mulf %parallel_loop3A_575, %parallel_loop3A_577 : vector<16xf32>
        %parallel_loop3A_579 = arith.constant 0 : i32
        %parallel_loop3A_580 = arith.index_cast %parallel_loop3A_579 : i32 to index
        %parallel_loop3A_581 = arith.index_cast %parallel_loop3A_571 : i32 to index
        %parallel_loop3A_582 = tpu.vector_load %arg5[%parallel_loop3A_580, %parallel_loop3A_581] {strides = array<i32>} : memref<8x3072xf32, #tpu.memory_space<vmem>>, vector<16xf32>,
        tpu.vector_store %arg5[%parallel_loop3A_580, %parallel_loop3A_581], %parallel_loop3A_578 {strides = array<i32>} : memref<8x3072xf32, #tpu.memory_space<vmem>>, vector<16xf32>,
      } {sc.loop_unroll_factor = 8 : i64, sc.parallel_access}
      %parallel_loop3A_136 = arith.constant 0 : i32
      %parallel_loop3A_137 = arith.constant 192 : i32
      %parallel_loop3A_138 = arith.constant 1 : i32
      scf.for %parallel_loop3A_569 = %parallel_loop3A_136 to %parallel_loop3A_137 step %parallel_loop3A_138  : i32 {
        %parallel_loop3A_570 = arith.constant 16 : i32
        %parallel_loop3A_571 = arith.muli %parallel_loop3A_569, %parallel_loop3A_570 : i32
        %parallel_loop3A_572 = arith.constant 1 : i32
        %parallel_loop3A_573 = arith.index_cast %parallel_loop3A_572 : i32 to index
        %parallel_loop3A_574 = arith.index_cast %parallel_loop3A_571 : i32 to index
        %parallel_loop3A_575 = tpu.vector_load %arg5[%parallel_loop3A_573, %parallel_loop3A_574] {strides = array<i32>} : memref<8x3072xf32, #tpu.memory_space<vmem>>, vector<16xf32>,
        %parallel_loop3A_576 = arith.constant 6.400000e+01 : f32
        %parallel_loop3A_577 = vector.broadcast %parallel_loop3A_576 : f32 to vector<16xf32>
        %parallel_loop3A_578 = arith.mulf %parallel_loop3A_575, %parallel_loop3A_577 : vector<16xf32>
        %parallel_loop3A_579 = arith.constant 1 : i32
        %parallel_loop3A_580 = arith.index_cast %parallel_loop3A_579 : i32 to index
        %parallel_loop3A_581 = arith.index_cast %parallel_loop3A_571 : i32 to index
        %parallel_loop3A_582 = tpu.vector_load %arg5[%parallel_loop3A_580, %parallel_loop3A_581] {strides = array<i32>} : memref<8x3072xf32, #tpu.memory_space<vmem>>, vector<16xf32>,
        tpu.vector_store %arg5[%parallel_loop3A_580, %parallel_loop3A_581], %parallel_loop3A_578 {strides = array<i32>} : memref<8x3072xf32, #tpu.memory_space<vmem>>, vector<16xf32>,
      } {sc.loop_unroll_factor = 8 : i64, sc.parallel_access}
      %parallel_loop3A_139 = arith.constant 0 : i32
      %parallel_loop3A_140 = arith.constant 192 : i32
      %parallel_loop3A_141 = arith.constant 1 : i32
      scf.for %parallel_loop3A_569 = %parallel_loop3A_139 to %parallel_loop3A_140 step %parallel_loop3A_141  : i32 {
        %parallel_loop3A_570 = arith.constant 16 : i32
        %parallel_loop3A_571 = arith.muli %parallel_loop3A_569, %parallel_loop3A_570 : i32
        %parallel_loop3A_572 = arith.constant 2 : i32
        %parallel_loop3A_573 = arith.index_cast %parallel_loop3A_572 : i32 to index
        %parallel_loop3A_574 = arith.index_cast %parallel_loop3A_571 : i32 to index
        %parallel_loop3A_575 = tpu.vector_load %arg5[%parallel_loop3A_573, %parallel_loop3A_574] {strides = array<i32>} : memref<8x3072xf32, #tpu.memory_space<vmem>>, vector<16xf32>,
        %parallel_loop3A_576 = arith.constant 6.400000e+01 : f32
        %parallel_loop3A_577 = vector.broadcast %parallel_loop3A_576 : f32 to vector<16xf32>
        %parallel_loop3A_578 = arith.mulf %parallel_loop3A_575, %parallel_loop3A_577 : vector<16xf32>
        %parallel_loop3A_579 = arith.constant 2 : i32
        %parallel_loop3A_580 = arith.index_cast %parallel_loop3A_579 : i32 to index
        %parallel_loop3A_581 = arith.index_cast %parallel_loop3A_571 : i32 to index
        %parallel_loop3A_582 = tpu.vector_load %arg5[%parallel_loop3A_580, %parallel_loop3A_581] {strides = array<i32>} : memref<8x3072xf32, #tpu.memory_space<vmem>>, vector<16xf32>,
        tpu.vector_store %arg5[%parallel_loop3A_580, %parallel_loop3A_581], %parallel_loop3A_578 {strides = array<i32>} : memref<8x3072xf32, #tpu.memory_space<vmem>>, vector<16xf32>,
      } {sc.loop_unroll_factor = 8 : i64, sc.parallel_access}
      %parallel_loop3A_142 = arith.constant 0 : i32
      %parallel_loop3A_143 = arith.constant 192 : i32
      %parallel_loop3A_144 = arith.constant 1 : i32
      scf.for %parallel_loop3A_569 = %parallel_loop3A_142 to %parallel_loop3A_143 step %parallel_loop3A_144  : i32 {
        %parallel_loop3A_570 = arith.constant 16 : i32
        %parallel_loop3A_571 = arith.muli %parallel_loop3A_569, %parallel_loop3A_570 : i32
        %parallel_loop3A_572 = arith.constant 3 : i32
        %parallel_loop3A_573 = arith.index_cast %parallel_loop3A_572 : i32 to index
        %parallel_loop3A_574 = arith.index_cast %parallel_loop3A_571 : i32 to index
        %parallel_loop3A_575 = tpu.vector_load %arg5[%parallel_loop3A_573, %parallel_loop3A_574] {strides = array<i32>} : memref<8x3072xf32, #tpu.memory_space<vmem>>, vector<16xf32>,
        %parallel_loop3A_576 = arith.constant 6.400000e+01 : f32
        %parallel_loop3A_577 = vector.broadcast %parallel_loop3A_576 : f32 to vector<16xf32>
        %parallel_loop3A_578 = arith.mulf %parallel_loop3A_575, %parallel_loop3A_577 : vector<16xf32>
        %parallel_loop3A_579 = arith.constant 3 : i32
        %parallel_loop3A_580 = arith.index_cast %parallel_loop3A_579 : i32 to index
        %parallel_loop3A_581 = arith.index_cast %parallel_loop3A_571 : i32 to index
        %parallel_loop3A_582 = tpu.vector_load %arg5[%parallel_loop3A_580, %parallel_loop3A_581] {strides = array<i32>} : memref<8x3072xf32, #tpu.memory_space<vmem>>, vector<16xf32>,
        tpu.vector_store %arg5[%parallel_loop3A_580, %parallel_loop3A_581], %parallel_loop3A_578 {strides = array<i32>} : memref<8x3072xf32, #tpu.memory_space<vmem>>, vector<16xf32>,
      } {sc.loop_unroll_factor = 8 : i64, sc.parallel_access}
      %parallel_loop3A_145 = arith.constant 0 : i32
      %parallel_loop3A_146 = arith.constant 192 : i32
      %parallel_loop3A_147 = arith.constant 1 : i32
      scf.for %parallel_loop3A_569 = %parallel_loop3A_145 to %parallel_loop3A_146 step %parallel_loop3A_147  : i32 {
        %parallel_loop3A_570 = arith.constant 16 : i32
        %parallel_loop3A_571 = arith.muli %parallel_loop3A_569, %parallel_loop3A_570 : i32
        %parallel_loop3A_572 = arith.constant 4 : i32
        %parallel_loop3A_573 = arith.index_cast %parallel_loop3A_572 : i32 to index
        %parallel_loop3A_574 = arith.index_cast %parallel_loop3A_571 : i32 to index
        %parallel_loop3A_575 = tpu.vector_load %arg5[%parallel_loop3A_573, %parallel_loop3A_574] {strides = array<i32>} : memref<8x3072xf32, #tpu.memory_space<vmem>>, vector<16xf32>,
        %parallel_loop3A_576 = arith.constant 6.400000e+01 : f32
        %parallel_loop3A_577 = vector.broadcast %parallel_loop3A_576 : f32 to vector<16xf32>
        %parallel_loop3A_578 = arith.mulf %parallel_loop3A_575, %parallel_loop3A_577 : vector<16xf32>
        %parallel_loop3A_579 = arith.constant 4 : i32
        %parallel_loop3A_580 = arith.index_cast %parallel_loop3A_579 : i32 to index
        %parallel_loop3A_581 = arith.index_cast %parallel_loop3A_571 : i32 to index
        %parallel_loop3A_582 = tpu.vector_load %arg5[%parallel_loop3A_580, %parallel_loop3A_581] {strides = array<i32>} : memref<8x3072xf32, #tpu.memory_space<vmem>>, vector<16xf32>,
        tpu.vector_store %arg5[%parallel_loop3A_580, %parallel_loop3A_581], %parallel_loop3A_578 {strides = array<i32>} : memref<8x3072xf32, #tpu.memory_space<vmem>>, vector<16xf32>,
      } {sc.loop_unroll_factor = 8 : i64, sc.parallel_access}
      %parallel_loop3A_148 = arith.constant 0 : i32
      %parallel_loop3A_149 = arith.constant 192 : i32
      %parallel_loop3A_150 = arith.constant 1 : i32
      scf.for %parallel_loop3A_569 = %parallel_loop3A_148 to %parallel_loop3A_149 step %parallel_loop3A_150  : i32 {
        %parallel_loop3A_570 = arith.constant 16 : i32
        %parallel_loop3A_571 = arith.muli %parallel_loop3A_569, %parallel_loop3A_570 : i32
        %parallel_loop3A_572 = arith.constant 5 : i32
        %parallel_loop3A_573 = arith.index_cast %parallel_loop3A_572 : i32 to index
        %parallel_loop3A_574 = arith.index_cast %parallel_loop3A_571 : i32 to index
        %parallel_loop3A_575 = tpu.vector_load %arg5[%parallel_loop3A_573, %parallel_loop3A_574] {strides = array<i32>} : memref<8x3072xf32, #tpu.memory_space<vmem>>, vector<16xf32>,
        %parallel_loop3A_576 = arith.constant 6.400000e+01 : f32
        %parallel_loop3A_577 = vector.broadcast %parallel_loop3A_576 : f32 to vector<16xf32>
        %parallel_loop3A_578 = arith.mulf %parallel_loop3A_575, %parallel_loop3A_577 : vector<16xf32>
        %parallel_loop3A_579 = arith.constant 5 : i32
        %parallel_loop3A_580 = arith.index_cast %parallel_loop3A_579 : i32 to index
        %parallel_loop3A_581 = arith.index_cast %parallel_loop3A_571 : i32 to index
        %parallel_loop3A_582 = tpu.vector_load %arg5[%parallel_loop3A_580, %parallel_loop3A_581] {strides = array<i32>} : memref<8x3072xf32, #tpu.memory_space<vmem>>, vector<16xf32>,
        tpu.vector_store %arg5[%parallel_loop3A_580, %parallel_loop3A_581], %parallel_loop3A_578 {strides = array<i32>} : memref<8x3072xf32, #tpu.memory_space<vmem>>, vector<16xf32>,
      } {sc.loop_unroll_factor = 8 : i64, sc.parallel_access}
      %parallel_loop3A_151 = arith.constant 0 : i32
      %parallel_loop3A_152 = arith.constant 192 : i32
      %parallel_loop3A_153 = arith.constant 1 : i32
      scf.for %parallel_loop3A_569 = %parallel_loop3A_151 to %parallel_loop3A_152 step %parallel_loop3A_153  : i32 {
        %parallel_loop3A_570 = arith.constant 16 : i32
        %parallel_loop3A_571 = arith.muli %parallel_loop3A_569, %parallel_loop3A_570 : i32
        %parallel_loop3A_572 = arith.constant 6 : i32
        %parallel_loop3A_573 = arith.index_cast %parallel_loop3A_572 : i32 to index
        %parallel_loop3A_574 = arith.index_cast %parallel_loop3A_571 : i32 to index
        %parallel_loop3A_575 = tpu.vector_load %arg5[%parallel_loop3A_573, %parallel_loop3A_574] {strides = array<i32>} : memref<8x3072xf32, #tpu.memory_space<vmem>>, vector<16xf32>,
        %parallel_loop3A_576 = arith.constant 6.400000e+01 : f32
        %parallel_loop3A_577 = vector.broadcast %parallel_loop3A_576 : f32 to vector<16xf32>
        %parallel_loop3A_578 = arith.mulf %parallel_loop3A_575, %parallel_loop3A_577 : vector<16xf32>
        %parallel_loop3A_579 = arith.constant 6 : i32
        %parallel_loop3A_580 = arith.index_cast %parallel_loop3A_579 : i32 to index
        %parallel_loop3A_581 = arith.index_cast %parallel_loop3A_571 : i32 to index
        %parallel_loop3A_582 = tpu.vector_load %arg5[%parallel_loop3A_580, %parallel_loop3A_581] {strides = array<i32>} : memref<8x3072xf32, #tpu.memory_space<vmem>>, vector<16xf32>,
        tpu.vector_store %arg5[%parallel_loop3A_580, %parallel_loop3A_581], %parallel_loop3A_578 {strides = array<i32>} : memref<8x3072xf32, #tpu.memory_space<vmem>>, vector<16xf32>,
      } {sc.loop_unroll_factor = 8 : i64, sc.parallel_access}
      %parallel_loop3A_154 = arith.constant 0 : i32
      %parallel_loop3A_155 = arith.constant 192 : i32
      %parallel_loop3A_156 = arith.constant 1 : i32
      scf.for %parallel_loop3A_569 = %parallel_loop3A_154 to %parallel_loop3A_155 step %parallel_loop3A_156  : i32 {
        %parallel_loop3A_570 = arith.constant 16 : i32
        %parallel_loop3A_571 = arith.muli %parallel_loop3A_569, %parallel_loop3A_570 : i32
        %parallel_loop3A_572 = arith.constant 7 : i32
        %parallel_loop3A_573 = arith.index_cast %parallel_loop3A_572 : i32 to index
        %parallel_loop3A_574 = arith.index_cast %parallel_loop3A_571 : i32 to index
        %parallel_loop3A_575 = tpu.vector_load %arg5[%parallel_loop3A_573, %parallel_loop3A_574] {strides = array<i32>} : memref<8x3072xf32, #tpu.memory_space<vmem>>, vector<16xf32>,
        %parallel_loop3A_576 = arith.constant 6.400000e+01 : f32
        %parallel_loop3A_577 = vector.broadcast %parallel_loop3A_576 : f32 to vector<16xf32>
        %parallel_loop3A_578 = arith.mulf %parallel_loop3A_575, %parallel_loop3A_577 : vector<16xf32>
        %parallel_loop3A_579 = arith.constant 7 : i32
        %parallel_loop3A_580 = arith.index_cast %parallel_loop3A_579 : i32 to index
        %parallel_loop3A_581 = arith.index_cast %parallel_loop3A_571 : i32 to index
        %parallel_loop3A_582 = tpu.vector_load %arg5[%parallel_loop3A_580, %parallel_loop3A_581] {strides = array<i32>} : memref<8x3072xf32, #tpu.memory_space<vmem>>, vector<16xf32>,
        tpu.vector_store %arg5[%parallel_loop3A_580, %parallel_loop3A_581], %parallel_loop3A_578 {strides = array<i32>} : memref<8x3072xf32, #tpu.memory_space<vmem>>, vector<16xf32>,
      } {sc.loop_unroll_factor = 8 : i64, sc.parallel_access}
      %shift_right_arithmetic3A_157 = arith.constant 5 : i32
      %shift_right_arithmetic3A_158 = arith.shrsi %add3A_56, %shift_right_arithmetic3A_157 : i32
      %mul3A_159 = arith.constant 8 : i32
      %mul3A_160 = arith.muli %shift_right_arithmetic3A_158, %mul3A_159 : i32
      %add3A_161 = arith.addi %mul3A_2, %mul3A_160 : i32
      %and3A_162 = arith.constant 31 : i32
      %and3A_163 = arith.andi %add3A_56, %and3A_162 : i32
      %mul3A_164 = arith.constant 3072 : i32
      %mul3A_165 = arith.muli %and3A_163, %mul3A_164 : i32
      %dma_start3A_166 = tpu.memref_slice %arg4[%add3A_161, %mul3A_165] : memref<1024x100000xf32, #tpu.memory_space<hbm>> -> memref<8x3072xf32, #tpu.memory_space<hbm>>
      %dma_start3A_167 = tpu.memref_slice %arg4[%add3A_161, %mul3A_165] : memref<1024x100000xf32, #tpu.memory_space<hbm>> -> memref<8x3072xf32, #tpu.memory_space<hbm>>
      tpu.enqueue_dma source(%arg5 : memref<8x3072xf32, #tpu.memory_space<vmem>>) target(%dma_start3A_167 : memref<8x3072xf32, #tpu.memory_space<hbm>>) target_semaphore(%arg15 : memref<!tpu.dma_semaphore, #tpu.memory_space<semaphore_mem>>)
      %add3A_168 = arith.constant 2 : i32
      %add3A_169 = arith.addi %add3A_56, %add3A_168 : i32
      %lt3A_170 = arith.constant 128 : i32
      %lt3A_171 = arith.cmpi slt, %add3A_169, %lt3A_170 : i32
      %convert_element_type3A = arith.extui %lt3A_171 : i1 to i32
      %cond3A = arith.constant 0 : i32
      %cond3A_172 = arith.cmpi ne, %convert_element_type3A, %cond3A : i32
      scf.if %cond3A_172 {
        %ge3A_569 = arith.constant 2 : i32
        %ge3A_570 = arith.cmpi sge, %add3A_56, %ge3A_569 : i32
        %convert_element_type3A_571 = arith.extui %ge3A_570 : i1 to i32
        %cond3A_572 = arith.constant 0 : i32
        %cond3A_573 = arith.cmpi ne, %convert_element_type3A_571, %cond3A_572 : i32
        scf.if %cond3A_573 {
          %sub3A_587 = arith.constant 2 : i32
          %sub3A_588 = arith.subi %add3A_56, %sub3A_587 : i32
          %shift_right_arithmetic3A_589 = arith.constant 5 : i32
          %shift_right_arithmetic3A_590 = arith.shrsi %sub3A_588, %shift_right_arithmetic3A_589 : i32
          %mul3A_591 = arith.constant 8 : i32
          %mul3A_592 = arith.muli %shift_right_arithmetic3A_590, %mul3A_591 : i32
          %add3A_593 = arith.addi %mul3A_2, %mul3A_592 : i32
          %and3A_594 = arith.constant 31 : i32
          %and3A_595 = arith.andi %sub3A_588, %and3A_594 : i32
          %mul3A_596 = arith.constant 3072 : i32
          %mul3A_597 = arith.muli %and3A_595, %mul3A_596 : i32
          %dma_wait3A_598 = tpu.memref_slice %arg4[%add3A_593, %mul3A_597] : memref<1024x100000xf32, #tpu.memory_space<hbm>> -> memref<8x3072xf32, #tpu.memory_space<hbm>>
          %dma_wait3A_599 = tpu.memref_slice %arg4[%add3A_593, %mul3A_597] : memref<1024x100000xf32, #tpu.memory_space<hbm>> -> memref<8x3072xf32, #tpu.memory_space<hbm>>
          tpu.wait_dma2 semaphore(%arg17 : memref<!tpu.dma_semaphore, #tpu.memory_space<semaphore_mem>>) src(%arg7 : memref<8x3072xf32, #tpu.memory_space<vmem>>) dst(%dma_wait3A_599 : memref<8x3072xf32, #tpu.memory_space<hbm>>)
        } else {
        }
        %add3A_574 = arith.constant 2 : i32
        %add3A_575 = arith.addi %add3A_56, %add3A_574 : i32
        %shift_right_arithmetic3A_576 = arith.constant 5 : i32
        %shift_right_arithmetic3A_577 = arith.shrsi %add3A_575, %shift_right_arithmetic3A_576 : i32
        %mul3A_578 = arith.constant 8 : i32
        %mul3A_579 = arith.muli %shift_right_arithmetic3A_577, %mul3A_578 : i32
        %add3A_580 = arith.addi %mul3A_2, %mul3A_579 : i32
        %and3A_581 = arith.constant 31 : i32
        %and3A_582 = arith.andi %add3A_575, %and3A_581 : i32
        %mul3A_583 = arith.constant 3072 : i32
        %mul3A_584 = arith.muli %and3A_582, %mul3A_583 : i32
        %dma_start3A_585 = tpu.memref_slice %arg2[%add3A_580, %mul3A_584] : memref<1024x100000xf32, #tpu.memory_space<hbm>> -> memref<8x3072xf32, #tpu.memory_space<hbm>>
        %dma_start3A_586 = tpu.memref_slice %arg2[%add3A_580, %mul3A_584] : memref<1024x100000xf32, #tpu.memory_space<hbm>> -> memref<8x3072xf32, #tpu.memory_space<hbm>>
        tpu.enqueue_dma source(%dma_start3A_586 : memref<8x3072xf32, #tpu.memory_space<hbm>>) target(%arg7 : memref<8x3072xf32, #tpu.memory_space<vmem>>) target_semaphore(%arg13 : memref<!tpu.dma_semaphore, #tpu.memory_space<semaphore_mem>>)
      } else {
      }
      %mul3A_173 = arith.constant 4 : i32
      %mul3A_174 = arith.muli %scan3A_52, %mul3A_173 : i32
      %add3A_175 = arith.constant 1 : i32
      %add3A_176 = arith.addi %mul3A_174, %add3A_175 : i32
      %shift_right_arithmetic3A_177 = arith.constant 5 : i32
      %shift_right_arithmetic3A_178 = arith.shrsi %add3A_176, %shift_right_arithmetic3A_177 : i32
      %mul3A_179 = arith.constant 8 : i32
      %mul3A_180 = arith.muli %shift_right_arithmetic3A_178, %mul3A_179 : i32
      %add3A_181 = arith.addi %mul3A_2, %mul3A_180 : i32
      %and3A_182 = arith.constant 31 : i32
      %and3A_183 = arith.andi %add3A_176, %and3A_182 : i32
      %mul3A_184 = arith.constant 3072 : i32
      %mul3A_185 = arith.muli %and3A_183, %mul3A_184 : i32
      %dma_wait3A_186 = tpu.memref_slice %arg2[%add3A_181, %mul3A_185] : memref<1024x100000xf32, #tpu.memory_space<hbm>> -> memref<8x3072xf32, #tpu.memory_space<hbm>>
      %dma_wait3A_187 = tpu.memref_slice %arg2[%add3A_181, %mul3A_185] : memref<1024x100000xf32, #tpu.memory_space<hbm>> -> memref<8x3072xf32, #tpu.memory_space<hbm>>
      tpu.wait_dma2 semaphore(%arg12 : memref<!tpu.dma_semaphore, #tpu.memory_space<semaphore_mem>>) src(%dma_wait3A_187 : memref<8x3072xf32, #tpu.memory_space<hbm>>) dst(%arg6 : memref<8x3072xf32, #tpu.memory_space<vmem>>)
      %shift_right_arithmetic3A_188 = arith.constant 5 : i32
      %shift_right_arithmetic3A_189 = arith.shrsi %add3A_176, %shift_right_arithmetic3A_188 : i32
      %and3A_190 = arith.constant 31 : i32
      %and3A_191 = arith.andi %add3A_176, %and3A_190 : i32
      %mul3A_192 = arith.constant 3072 : i32
      %mul3A_193 = arith.muli %and3A_191, %mul3A_192 : i32
      %mul3A_194 = arith.constant 8 : i32
      %mul3A_195 = arith.muli %shift_right_arithmetic3A_189, %mul3A_194 : i32
      %add3A_196 = vector.broadcast %mul3A_195 : i32 to vector<16xi32>
      %add3A_197 = arith.addi %add3A_196, %and3A_4 : vector<16xi32>
      %gather3A_198 = tpu.vector_load_idx %arg10[%add3A_197] : memref<32xi32, #tpu.memory_space<vmem>>[vector<16xi32>], vector<16xi32>,
      %sub3A_199 = vector.broadcast %mul3A_193 : i32 to vector<16xi32>
      %sub3A_200 = arith.subi %gather3A_198, %sub3A_199 : vector<16xi32>
      %ge3A_201 = arith.constant 0 : i32
      %ge3A_202 = vector.broadcast %ge3A_201 : i32 to vector<16xi32>
      %ge3A_203 = arith.cmpi sge, %sub3A_200, %ge3A_202 : vector<16xi32>
      %lt3A_204 = arith.constant 3072 : i32
      %lt3A_205 = vector.broadcast %lt3A_204 : i32 to vector<16xi32>
      %lt3A_206 = arith.cmpi slt, %sub3A_200, %lt3A_205 : vector<16xi32>
      %and3A_207 = arith.andi %ge3A_203, %lt3A_206 : vector<16xi1>
      %and3A_208 = arith.andi %and3A_207, %lt3A_6 : vector<16xi1>
      %jit3A_209 = arith.constant 0 : i32
      %broadcast_in_dim3A_210 = vector.broadcast %jit3A_209 : i32 to vector<16xi32>
      %select_n3A_211 = arith.select %and3A_208, %sub3A_200, %broadcast_in_dim3A_210 : vector<16xi1>, vector<16xi32>
      %gather3A_212 = tpu.vector_load_idx %arg6[%and3A_4, %select_n3A_211] masked %and3A_208 : memref<8x3072xf32, #tpu.memory_space<vmem>>[vector<16xi32>, vector<16xi32>], vector<16xf32>, vector<16xi1>
      %mul3A_213 = arith.constant 0.87758255 : f32
      %mul3A_214 = vector.broadcast %mul3A_213 : f32 to vector<16xf32>
      %mul3A_215 = arith.mulf %gather3A_212, %mul3A_214 : vector<16xf32>
      %mul3A_216 = arith.mulf %gather3A_212, %gather3A_212 : vector<16xf32>
      %sub3A_217 = arith.constant 1.000000e+00 : f32
      %sub3A_218 = vector.broadcast %sub3A_217 : f32 to vector<16xf32>
      %sub3A_219 = arith.subf %sub3A_218, %mul3A_216 : vector<16xf32>
      %max3A_220 = arith.constant 0.000000e+00 : f32
      %max3A_221 = vector.broadcast %max3A_220 : f32 to vector<16xf32>
      %max3A_222 = arith.maximumf %sub3A_219, %max3A_221 : vector<16xf32>
      %bitcast3A_223 = vector.bitcast %max3A_222 : vector<16xf32> to vector<16xi32>
      %shift_right_arithmetic3A_224 = arith.constant 1 : i32
      %shift_right_arithmetic3A_225 = vector.broadcast %shift_right_arithmetic3A_224 : i32 to vector<16xi32>
      %shift_right_arithmetic3A_226 = arith.shrsi %bitcast3A_223, %shift_right_arithmetic3A_225 : vector<16xi32>
      %sub3A_227 = arith.constant 1597463007 : i32
      %sub3A_228 = vector.broadcast %sub3A_227 : i32 to vector<16xi32>
      %sub3A_229 = arith.subi %sub3A_228, %shift_right_arithmetic3A_226 : vector<16xi32>
      %bitcast3A_230 = vector.bitcast %sub3A_229 : vector<16xi32> to vector<16xf32>
      %mul3A_231 = arith.constant 5.000000e-01 : f32
      %mul3A_232 = vector.broadcast %mul3A_231 : f32 to vector<16xf32>
      %mul3A_233 = arith.mulf %mul3A_232, %max3A_222 : vector<16xf32>
      %mul3A_234 = arith.mulf %mul3A_233, %bitcast3A_230 : vector<16xf32>
      %mul3A_235 = arith.mulf %mul3A_234, %bitcast3A_230 : vector<16xf32>
      %sub3A_236 = arith.constant 1.500000e+00 : f32
      %sub3A_237 = vector.broadcast %sub3A_236 : f32 to vector<16xf32>
      %sub3A_238 = arith.subf %sub3A_237, %mul3A_235 : vector<16xf32>
      %mul3A_239 = arith.mulf %bitcast3A_230, %sub3A_238 : vector<16xf32>
      %mul3A_240 = arith.constant 5.000000e-01 : f32
      %mul3A_241 = vector.broadcast %mul3A_240 : f32 to vector<16xf32>
      %mul3A_242 = arith.mulf %mul3A_241, %max3A_222 : vector<16xf32>
      %mul3A_243 = arith.mulf %mul3A_242, %mul3A_239 : vector<16xf32>
      %mul3A_244 = arith.mulf %mul3A_243, %mul3A_239 : vector<16xf32>
      %sub3A_245 = arith.constant 1.500000e+00 : f32
      %sub3A_246 = vector.broadcast %sub3A_245 : f32 to vector<16xf32>
      %sub3A_247 = arith.subf %sub3A_246, %mul3A_244 : vector<16xf32>
      %mul3A_248 = arith.mulf %mul3A_239, %sub3A_247 : vector<16xf32>
      %mul3A_249 = arith.constant 5.000000e-01 : f32
      %mul3A_250 = vector.broadcast %mul3A_249 : f32 to vector<16xf32>
      %mul3A_251 = arith.mulf %mul3A_250, %max3A_222 : vector<16xf32>
      %mul3A_252 = arith.mulf %mul3A_251, %mul3A_248 : vector<16xf32>
      %mul3A_253 = arith.mulf %mul3A_252, %mul3A_248 : vector<16xf32>
      %sub3A_254 = arith.constant 1.500000e+00 : f32
      %sub3A_255 = vector.broadcast %sub3A_254 : f32 to vector<16xf32>
      %sub3A_256 = arith.subf %sub3A_255, %mul3A_253 : vector<16xf32>
      %mul3A_257 = arith.mulf %mul3A_248, %sub3A_256 : vector<16xf32>
      %mul3A_258 = arith.mulf %max3A_222, %mul3A_257 : vector<16xf32>
      %mul3A_259 = arith.constant 0.47942555 : f32
      %mul3A_260 = vector.broadcast %mul3A_259 : f32 to vector<16xf32>
      %mul3A_261 = arith.mulf %mul3A_258, %mul3A_260 : vector<16xf32>
      %sub3A_262 = arith.subf %mul3A_215, %mul3A_261 : vector<16xf32>
      tpu.vector_store_idx %arg6[%and3A_4, %select_n3A_211], %sub3A_262 masked %and3A_208 : memref<8x3072xf32, #tpu.memory_space<vmem>>[vector<16xi32>, vector<16xi32>], vector<16xf32>, vector<16xi1>
      %parallel_loop3A_263 = arith.constant 0 : i32
      %parallel_loop3A_264 = arith.constant 192 : i32
      %parallel_loop3A_265 = arith.constant 1 : i32
      scf.for %parallel_loop3A_569 = %parallel_loop3A_263 to %parallel_loop3A_264 step %parallel_loop3A_265  : i32 {
        %parallel_loop3A_570 = arith.constant 16 : i32
        %parallel_loop3A_571 = arith.muli %parallel_loop3A_569, %parallel_loop3A_570 : i32
        %parallel_loop3A_572 = arith.constant 0 : i32
        %parallel_loop3A_573 = arith.index_cast %parallel_loop3A_572 : i32 to index
        %parallel_loop3A_574 = arith.index_cast %parallel_loop3A_571 : i32 to index
        %parallel_loop3A_575 = tpu.vector_load %arg6[%parallel_loop3A_573, %parallel_loop3A_574] {strides = array<i32>} : memref<8x3072xf32, #tpu.memory_space<vmem>>, vector<16xf32>,
        %parallel_loop3A_576 = arith.constant 6.400000e+01 : f32
        %parallel_loop3A_577 = vector.broadcast %parallel_loop3A_576 : f32 to vector<16xf32>
        %parallel_loop3A_578 = arith.mulf %parallel_loop3A_575, %parallel_loop3A_577 : vector<16xf32>
        %parallel_loop3A_579 = arith.constant 0 : i32
        %parallel_loop3A_580 = arith.index_cast %parallel_loop3A_579 : i32 to index
        %parallel_loop3A_581 = arith.index_cast %parallel_loop3A_571 : i32 to index
        %parallel_loop3A_582 = tpu.vector_load %arg6[%parallel_loop3A_580, %parallel_loop3A_581] {strides = array<i32>} : memref<8x3072xf32, #tpu.memory_space<vmem>>, vector<16xf32>,
        tpu.vector_store %arg6[%parallel_loop3A_580, %parallel_loop3A_581], %parallel_loop3A_578 {strides = array<i32>} : memref<8x3072xf32, #tpu.memory_space<vmem>>, vector<16xf32>,
      } {sc.loop_unroll_factor = 8 : i64, sc.parallel_access}
      %parallel_loop3A_266 = arith.constant 0 : i32
      %parallel_loop3A_267 = arith.constant 192 : i32
      %parallel_loop3A_268 = arith.constant 1 : i32
      scf.for %parallel_loop3A_569 = %parallel_loop3A_266 to %parallel_loop3A_267 step %parallel_loop3A_268  : i32 {
        %parallel_loop3A_570 = arith.constant 16 : i32
        %parallel_loop3A_571 = arith.muli %parallel_loop3A_569, %parallel_loop3A_570 : i32
        %parallel_loop3A_572 = arith.constant 1 : i32
        %parallel_loop3A_573 = arith.index_cast %parallel_loop3A_572 : i32 to index
        %parallel_loop3A_574 = arith.index_cast %parallel_loop3A_571 : i32 to index
        %parallel_loop3A_575 = tpu.vector_load %arg6[%parallel_loop3A_573, %parallel_loop3A_574] {strides = array<i32>} : memref<8x3072xf32, #tpu.memory_space<vmem>>, vector<16xf32>,
        %parallel_loop3A_576 = arith.constant 6.400000e+01 : f32
        %parallel_loop3A_577 = vector.broadcast %parallel_loop3A_576 : f32 to vector<16xf32>
        %parallel_loop3A_578 = arith.mulf %parallel_loop3A_575, %parallel_loop3A_577 : vector<16xf32>
        %parallel_loop3A_579 = arith.constant 1 : i32
        %parallel_loop3A_580 = arith.index_cast %parallel_loop3A_579 : i32 to index
        %parallel_loop3A_581 = arith.index_cast %parallel_loop3A_571 : i32 to index
        %parallel_loop3A_582 = tpu.vector_load %arg6[%parallel_loop3A_580, %parallel_loop3A_581] {strides = array<i32>} : memref<8x3072xf32, #tpu.memory_space<vmem>>, vector<16xf32>,
        tpu.vector_store %arg6[%parallel_loop3A_580, %parallel_loop3A_581], %parallel_loop3A_578 {strides = array<i32>} : memref<8x3072xf32, #tpu.memory_space<vmem>>, vector<16xf32>,
      } {sc.loop_unroll_factor = 8 : i64, sc.parallel_access}
      %parallel_loop3A_269 = arith.constant 0 : i32
      %parallel_loop3A_270 = arith.constant 192 : i32
      %parallel_loop3A_271 = arith.constant 1 : i32
      scf.for %parallel_loop3A_569 = %parallel_loop3A_269 to %parallel_loop3A_270 step %parallel_loop3A_271  : i32 {
        %parallel_loop3A_570 = arith.constant 16 : i32
        %parallel_loop3A_571 = arith.muli %parallel_loop3A_569, %parallel_loop3A_570 : i32
        %parallel_loop3A_572 = arith.constant 2 : i32
        %parallel_loop3A_573 = arith.index_cast %parallel_loop3A_572 : i32 to index
        %parallel_loop3A_574 = arith.index_cast %parallel_loop3A_571 : i32 to index
        %parallel_loop3A_575 = tpu.vector_load %arg6[%parallel_loop3A_573, %parallel_loop3A_574] {strides = array<i32>} : memref<8x3072xf32, #tpu.memory_space<vmem>>, vector<16xf32>,
        %parallel_loop3A_576 = arith.constant 6.400000e+01 : f32
        %parallel_loop3A_577 = vector.broadcast %parallel_loop3A_576 : f32 to vector<16xf32>
        %parallel_loop3A_578 = arith.mulf %parallel_loop3A_575, %parallel_loop3A_577 : vector<16xf32>
        %parallel_loop3A_579 = arith.constant 2 : i32
        %parallel_loop3A_580 = arith.index_cast %parallel_loop3A_579 : i32 to index
        %parallel_loop3A_581 = arith.index_cast %parallel_loop3A_571 : i32 to index
        %parallel_loop3A_582 = tpu.vector_load %arg6[%parallel_loop3A_580, %parallel_loop3A_581] {strides = array<i32>} : memref<8x3072xf32, #tpu.memory_space<vmem>>, vector<16xf32>,
        tpu.vector_store %arg6[%parallel_loop3A_580, %parallel_loop3A_581], %parallel_loop3A_578 {strides = array<i32>} : memref<8x3072xf32, #tpu.memory_space<vmem>>, vector<16xf32>,
      } {sc.loop_unroll_factor = 8 : i64, sc.parallel_access}
      %parallel_loop3A_272 = arith.constant 0 : i32
      %parallel_loop3A_273 = arith.constant 192 : i32
      %parallel_loop3A_274 = arith.constant 1 : i32
      scf.for %parallel_loop3A_569 = %parallel_loop3A_272 to %parallel_loop3A_273 step %parallel_loop3A_274  : i32 {
        %parallel_loop3A_570 = arith.constant 16 : i32
        %parallel_loop3A_571 = arith.muli %parallel_loop3A_569, %parallel_loop3A_570 : i32
        %parallel_loop3A_572 = arith.constant 3 : i32
        %parallel_loop3A_573 = arith.index_cast %parallel_loop3A_572 : i32 to index
        %parallel_loop3A_574 = arith.index_cast %parallel_loop3A_571 : i32 to index
        %parallel_loop3A_575 = tpu.vector_load %arg6[%parallel_loop3A_573, %parallel_loop3A_574] {strides = array<i32>} : memref<8x3072xf32, #tpu.memory_space<vmem>>, vector<16xf32>,
        %parallel_loop3A_576 = arith.constant 6.400000e+01 : f32
        %parallel_loop3A_577 = vector.broadcast %parallel_loop3A_576 : f32 to vector<16xf32>
        %parallel_loop3A_578 = arith.mulf %parallel_loop3A_575, %parallel_loop3A_577 : vector<16xf32>
        %parallel_loop3A_579 = arith.constant 3 : i32
        %parallel_loop3A_580 = arith.index_cast %parallel_loop3A_579 : i32 to index
        %parallel_loop3A_581 = arith.index_cast %parallel_loop3A_571 : i32 to index
        %parallel_loop3A_582 = tpu.vector_load %arg6[%parallel_loop3A_580, %parallel_loop3A_581] {strides = array<i32>} : memref<8x3072xf32, #tpu.memory_space<vmem>>, vector<16xf32>,
        tpu.vector_store %arg6[%parallel_loop3A_580, %parallel_loop3A_581], %parallel_loop3A_578 {strides = array<i32>} : memref<8x3072xf32, #tpu.memory_space<vmem>>, vector<16xf32>,
      } {sc.loop_unroll_factor = 8 : i64, sc.parallel_access}
      %parallel_loop3A_275 = arith.constant 0 : i32
      %parallel_loop3A_276 = arith.constant 192 : i32
      %parallel_loop3A_277 = arith.constant 1 : i32
      scf.for %parallel_loop3A_569 = %parallel_loop3A_275 to %parallel_loop3A_276 step %parallel_loop3A_277  : i32 {
        %parallel_loop3A_570 = arith.constant 16 : i32
        %parallel_loop3A_571 = arith.muli %parallel_loop3A_569, %parallel_loop3A_570 : i32
        %parallel_loop3A_572 = arith.constant 4 : i32
        %parallel_loop3A_573 = arith.index_cast %parallel_loop3A_572 : i32 to index
        %parallel_loop3A_574 = arith.index_cast %parallel_loop3A_571 : i32 to index
        %parallel_loop3A_575 = tpu.vector_load %arg6[%parallel_loop3A_573, %parallel_loop3A_574] {strides = array<i32>} : memref<8x3072xf32, #tpu.memory_space<vmem>>, vector<16xf32>,
        %parallel_loop3A_576 = arith.constant 6.400000e+01 : f32
        %parallel_loop3A_577 = vector.broadcast %parallel_loop3A_576 : f32 to vector<16xf32>
        %parallel_loop3A_578 = arith.mulf %parallel_loop3A_575, %parallel_loop3A_577 : vector<16xf32>
        %parallel_loop3A_579 = arith.constant 4 : i32
        %parallel_loop3A_580 = arith.index_cast %parallel_loop3A_579 : i32 to index
        %parallel_loop3A_581 = arith.index_cast %parallel_loop3A_571 : i32 to index
        %parallel_loop3A_582 = tpu.vector_load %arg6[%parallel_loop3A_580, %parallel_loop3A_581] {strides = array<i32>} : memref<8x3072xf32, #tpu.memory_space<vmem>>, vector<16xf32>,
        tpu.vector_store %arg6[%parallel_loop3A_580, %parallel_loop3A_581], %parallel_loop3A_578 {strides = array<i32>} : memref<8x3072xf32, #tpu.memory_space<vmem>>, vector<16xf32>,
      } {sc.loop_unroll_factor = 8 : i64, sc.parallel_access}
      %parallel_loop3A_278 = arith.constant 0 : i32
      %parallel_loop3A_279 = arith.constant 192 : i32
      %parallel_loop3A_280 = arith.constant 1 : i32
      scf.for %parallel_loop3A_569 = %parallel_loop3A_278 to %parallel_loop3A_279 step %parallel_loop3A_280  : i32 {
        %parallel_loop3A_570 = arith.constant 16 : i32
        %parallel_loop3A_571 = arith.muli %parallel_loop3A_569, %parallel_loop3A_570 : i32
        %parallel_loop3A_572 = arith.constant 5 : i32
        %parallel_loop3A_573 = arith.index_cast %parallel_loop3A_572 : i32 to index
        %parallel_loop3A_574 = arith.index_cast %parallel_loop3A_571 : i32 to index
        %parallel_loop3A_575 = tpu.vector_load %arg6[%parallel_loop3A_573, %parallel_loop3A_574] {strides = array<i32>} : memref<8x3072xf32, #tpu.memory_space<vmem>>, vector<16xf32>,
        %parallel_loop3A_576 = arith.constant 6.400000e+01 : f32
        %parallel_loop3A_577 = vector.broadcast %parallel_loop3A_576 : f32 to vector<16xf32>
        %parallel_loop3A_578 = arith.mulf %parallel_loop3A_575, %parallel_loop3A_577 : vector<16xf32>
        %parallel_loop3A_579 = arith.constant 5 : i32
        %parallel_loop3A_580 = arith.index_cast %parallel_loop3A_579 : i32 to index
        %parallel_loop3A_581 = arith.index_cast %parallel_loop3A_571 : i32 to index
        %parallel_loop3A_582 = tpu.vector_load %arg6[%parallel_loop3A_580, %parallel_loop3A_581] {strides = array<i32>} : memref<8x3072xf32, #tpu.memory_space<vmem>>, vector<16xf32>,
        tpu.vector_store %arg6[%parallel_loop3A_580, %parallel_loop3A_581], %parallel_loop3A_578 {strides = array<i32>} : memref<8x3072xf32, #tpu.memory_space<vmem>>, vector<16xf32>,
      } {sc.loop_unroll_factor = 8 : i64, sc.parallel_access}
      %parallel_loop3A_281 = arith.constant 0 : i32
      %parallel_loop3A_282 = arith.constant 192 : i32
      %parallel_loop3A_283 = arith.constant 1 : i32
      scf.for %parallel_loop3A_569 = %parallel_loop3A_281 to %parallel_loop3A_282 step %parallel_loop3A_283  : i32 {
        %parallel_loop3A_570 = arith.constant 16 : i32
        %parallel_loop3A_571 = arith.muli %parallel_loop3A_569, %parallel_loop3A_570 : i32
        %parallel_loop3A_572 = arith.constant 6 : i32
        %parallel_loop3A_573 = arith.index_cast %parallel_loop3A_572 : i32 to index
        %parallel_loop3A_574 = arith.index_cast %parallel_loop3A_571 : i32 to index
        %parallel_loop3A_575 = tpu.vector_load %arg6[%parallel_loop3A_573, %parallel_loop3A_574] {strides = array<i32>} : memref<8x3072xf32, #tpu.memory_space<vmem>>, vector<16xf32>,
        %parallel_loop3A_576 = arith.constant 6.400000e+01 : f32
        %parallel_loop3A_577 = vector.broadcast %parallel_loop3A_576 : f32 to vector<16xf32>
        %parallel_loop3A_578 = arith.mulf %parallel_loop3A_575, %parallel_loop3A_577 : vector<16xf32>
        %parallel_loop3A_579 = arith.constant 6 : i32
        %parallel_loop3A_580 = arith.index_cast %parallel_loop3A_579 : i32 to index
        %parallel_loop3A_581 = arith.index_cast %parallel_loop3A_571 : i32 to index
        %parallel_loop3A_582 = tpu.vector_load %arg6[%parallel_loop3A_580, %parallel_loop3A_581] {strides = array<i32>} : memref<8x3072xf32, #tpu.memory_space<vmem>>, vector<16xf32>,
        tpu.vector_store %arg6[%parallel_loop3A_580, %parallel_loop3A_581], %parallel_loop3A_578 {strides = array<i32>} : memref<8x3072xf32, #tpu.memory_space<vmem>>, vector<16xf32>,
      } {sc.loop_unroll_factor = 8 : i64, sc.parallel_access}
      %parallel_loop3A_284 = arith.constant 0 : i32
      %parallel_loop3A_285 = arith.constant 192 : i32
      %parallel_loop3A_286 = arith.constant 1 : i32
      scf.for %parallel_loop3A_569 = %parallel_loop3A_284 to %parallel_loop3A_285 step %parallel_loop3A_286  : i32 {
        %parallel_loop3A_570 = arith.constant 16 : i32
        %parallel_loop3A_571 = arith.muli %parallel_loop3A_569, %parallel_loop3A_570 : i32
        %parallel_loop3A_572 = arith.constant 7 : i32
        %parallel_loop3A_573 = arith.index_cast %parallel_loop3A_572 : i32 to index
        %parallel_loop3A_574 = arith.index_cast %parallel_loop3A_571 : i32 to index
        %parallel_loop3A_575 = tpu.vector_load %arg6[%parallel_loop3A_573, %parallel_loop3A_574] {strides = array<i32>} : memref<8x3072xf32, #tpu.memory_space<vmem>>, vector<16xf32>,
        %parallel_loop3A_576 = arith.constant 6.400000e+01 : f32
        %parallel_loop3A_577 = vector.broadcast %parallel_loop3A_576 : f32 to vector<16xf32>
        %parallel_loop3A_578 = arith.mulf %parallel_loop3A_575, %parallel_loop3A_577 : vector<16xf32>
        %parallel_loop3A_579 = arith.constant 7 : i32
        %parallel_loop3A_580 = arith.index_cast %parallel_loop3A_579 : i32 to index
        %parallel_loop3A_581 = arith.index_cast %parallel_loop3A_571 : i32 to index
        %parallel_loop3A_582 = tpu.vector_load %arg6[%parallel_loop3A_580, %parallel_loop3A_581] {strides = array<i32>} : memref<8x3072xf32, #tpu.memory_space<vmem>>, vector<16xf32>,
        tpu.vector_store %arg6[%parallel_loop3A_580, %parallel_loop3A_581], %parallel_loop3A_578 {strides = array<i32>} : memref<8x3072xf32, #tpu.memory_space<vmem>>, vector<16xf32>,
      } {sc.loop_unroll_factor = 8 : i64, sc.parallel_access}
      %shift_right_arithmetic3A_287 = arith.constant 5 : i32
      %shift_right_arithmetic3A_288 = arith.shrsi %add3A_176, %shift_right_arithmetic3A_287 : i32
      %mul3A_289 = arith.constant 8 : i32
      %mul3A_290 = arith.muli %shift_right_arithmetic3A_288, %mul3A_289 : i32
      %add3A_291 = arith.addi %mul3A_2, %mul3A_290 : i32
      %and3A_292 = arith.constant 31 : i32
      %and3A_293 = arith.andi %add3A_176, %and3A_292 : i32
      %mul3A_294 = arith.constant 3072 : i32
      %mul3A_295 = arith.muli %and3A_293, %mul3A_294 : i32
      %dma_start3A_296 = tpu.memref_slice %arg4[%add3A_291, %mul3A_295] : memref<1024x100000xf32, #tpu.memory_space<hbm>> -> memref<8x3072xf32, #tpu.memory_space<hbm>>
      %dma_start3A_297 = tpu.memref_slice %arg4[%add3A_291, %mul3A_295] : memref<1024x100000xf32, #tpu.memory_space<hbm>> -> memref<8x3072xf32, #tpu.memory_space<hbm>>
      tpu.enqueue_dma source(%arg6 : memref<8x3072xf32, #tpu.memory_space<vmem>>) target(%dma_start3A_297 : memref<8x3072xf32, #tpu.memory_space<hbm>>) target_semaphore(%arg16 : memref<!tpu.dma_semaphore, #tpu.memory_space<semaphore_mem>>)
      %add3A_298 = arith.constant 2 : i32
      %add3A_299 = arith.addi %add3A_176, %add3A_298 : i32
      %lt3A_300 = arith.constant 128 : i32
      %lt3A_301 = arith.cmpi slt, %add3A_299, %lt3A_300 : i32
      %convert_element_type3A_302 = arith.extui %lt3A_301 : i1 to i32
      %cond3A_303 = arith.constant 0 : i32
      %cond3A_304 = arith.cmpi ne, %convert_element_type3A_302, %cond3A_303 : i32
      scf.if %cond3A_304 {
        %ge3A_569 = arith.constant 2 : i32
        %ge3A_570 = arith.cmpi sge, %add3A_176, %ge3A_569 : i32
        %convert_element_type3A_571 = arith.extui %ge3A_570 : i1 to i32
        %cond3A_572 = arith.constant 0 : i32
        %cond3A_573 = arith.cmpi ne, %convert_element_type3A_571, %cond3A_572 : i32
        scf.if %cond3A_573 {
          %sub3A_587 = arith.constant 2 : i32
          %sub3A_588 = arith.subi %add3A_176, %sub3A_587 : i32
          %shift_right_arithmetic3A_589 = arith.constant 5 : i32
          %shift_right_arithmetic3A_590 = arith.shrsi %sub3A_588, %shift_right_arithmetic3A_589 : i32
          %mul3A_591 = arith.constant 8 : i32
          %mul3A_592 = arith.muli %shift_right_arithmetic3A_590, %mul3A_591 : i32
          %add3A_593 = arith.addi %mul3A_2, %mul3A_592 : i32
          %and3A_594 = arith.constant 31 : i32
          %and3A_595 = arith.andi %sub3A_588, %and3A_594 : i32
          %mul3A_596 = arith.constant 3072 : i32
          %mul3A_597 = arith.muli %and3A_595, %mul3A_596 : i32
          %dma_wait3A_598 = tpu.memref_slice %arg4[%add3A_593, %mul3A_597] : memref<1024x100000xf32, #tpu.memory_space<hbm>> -> memref<8x3072xf32, #tpu.memory_space<hbm>>
          %dma_wait3A_599 = tpu.memref_slice %arg4[%add3A_593, %mul3A_597] : memref<1024x100000xf32, #tpu.memory_space<hbm>> -> memref<8x3072xf32, #tpu.memory_space<hbm>>
          tpu.wait_dma2 semaphore(%arg18 : memref<!tpu.dma_semaphore, #tpu.memory_space<semaphore_mem>>) src(%arg8 : memref<8x3072xf32, #tpu.memory_space<vmem>>) dst(%dma_wait3A_599 : memref<8x3072xf32, #tpu.memory_space<hbm>>)
        } else {
        }
        %add3A_574 = arith.constant 2 : i32
        %add3A_575 = arith.addi %add3A_176, %add3A_574 : i32
        %shift_right_arithmetic3A_576 = arith.constant 5 : i32
        %shift_right_arithmetic3A_577 = arith.shrsi %add3A_575, %shift_right_arithmetic3A_576 : i32
        %mul3A_578 = arith.constant 8 : i32
        %mul3A_579 = arith.muli %shift_right_arithmetic3A_577, %mul3A_578 : i32
        %add3A_580 = arith.addi %mul3A_2, %mul3A_579 : i32
        %and3A_581 = arith.constant 31 : i32
        %and3A_582 = arith.andi %add3A_575, %and3A_581 : i32
        %mul3A_583 = arith.constant 3072 : i32
        %mul3A_584 = arith.muli %and3A_582, %mul3A_583 : i32
        %dma_start3A_585 = tpu.memref_slice %arg2[%add3A_580, %mul3A_584] : memref<1024x100000xf32, #tpu.memory_space<hbm>> -> memref<8x3072xf32, #tpu.memory_space<hbm>>
        %dma_start3A_586 = tpu.memref_slice %arg2[%add3A_580, %mul3A_584] : memref<1024x100000xf32, #tpu.memory_space<hbm>> -> memref<8x3072xf32, #tpu.memory_space<hbm>>
        tpu.enqueue_dma source(%dma_start3A_586 : memref<8x3072xf32, #tpu.memory_space<hbm>>) target(%arg8 : memref<8x3072xf32, #tpu.memory_space<vmem>>) target_semaphore(%arg14 : memref<!tpu.dma_semaphore, #tpu.memory_space<semaphore_mem>>)
      } else {
      }
      %mul3A_305 = arith.constant 4 : i32
      %mul3A_306 = arith.muli %scan3A_52, %mul3A_305 : i32
      %add3A_307 = arith.constant 2 : i32
      %add3A_308 = arith.addi %mul3A_306, %add3A_307 : i32
      %shift_right_arithmetic3A_309 = arith.constant 5 : i32
      %shift_right_arithmetic3A_310 = arith.shrsi %add3A_308, %shift_right_arithmetic3A_309 : i32
      %mul3A_311 = arith.constant 8 : i32
      %mul3A_312 = arith.muli %shift_right_arithmetic3A_310, %mul3A_311 : i32
      %add3A_313 = arith.addi %mul3A_2, %mul3A_312 : i32
      %and3A_314 = arith.constant 31 : i32
      %and3A_315 = arith.andi %add3A_308, %and3A_314 : i32
      %mul3A_316 = arith.constant 3072 : i32
      %mul3A_317 = arith.muli %and3A_315, %mul3A_316 : i32
      %dma_wait3A_318 = tpu.memref_slice %arg2[%add3A_313, %mul3A_317] : memref<1024x100000xf32, #tpu.memory_space<hbm>> -> memref<8x3072xf32, #tpu.memory_space<hbm>>
      %dma_wait3A_319 = tpu.memref_slice %arg2[%add3A_313, %mul3A_317] : memref<1024x100000xf32, #tpu.memory_space<hbm>> -> memref<8x3072xf32, #tpu.memory_space<hbm>>
      tpu.wait_dma2 semaphore(%arg13 : memref<!tpu.dma_semaphore, #tpu.memory_space<semaphore_mem>>) src(%dma_wait3A_319 : memref<8x3072xf32, #tpu.memory_space<hbm>>) dst(%arg7 : memref<8x3072xf32, #tpu.memory_space<vmem>>)
      %shift_right_arithmetic3A_320 = arith.constant 5 : i32
      %shift_right_arithmetic3A_321 = arith.shrsi %add3A_308, %shift_right_arithmetic3A_320 : i32
      %and3A_322 = arith.constant 31 : i32
      %and3A_323 = arith.andi %add3A_308, %and3A_322 : i32
      %mul3A_324 = arith.constant 3072 : i32
      %mul3A_325 = arith.muli %and3A_323, %mul3A_324 : i32
      %mul3A_326 = arith.constant 8 : i32
      %mul3A_327 = arith.muli %shift_right_arithmetic3A_321, %mul3A_326 : i32
      %add3A_328 = vector.broadcast %mul3A_327 : i32 to vector<16xi32>
      %add3A_329 = arith.addi %add3A_328, %and3A_4 : vector<16xi32>
      %gather3A_330 = tpu.vector_load_idx %arg10[%add3A_329] : memref<32xi32, #tpu.memory_space<vmem>>[vector<16xi32>], vector<16xi32>,
      %sub3A_331 = vector.broadcast %mul3A_325 : i32 to vector<16xi32>
      %sub3A_332 = arith.subi %gather3A_330, %sub3A_331 : vector<16xi32>
      %ge3A_333 = arith.constant 0 : i32
      %ge3A_334 = vector.broadcast %ge3A_333 : i32 to vector<16xi32>
      %ge3A_335 = arith.cmpi sge, %sub3A_332, %ge3A_334 : vector<16xi32>
      %lt3A_336 = arith.constant 3072 : i32
      %lt3A_337 = vector.broadcast %lt3A_336 : i32 to vector<16xi32>
      %lt3A_338 = arith.cmpi slt, %sub3A_332, %lt3A_337 : vector<16xi32>
      %and3A_339 = arith.andi %ge3A_335, %lt3A_338 : vector<16xi1>
      %and3A_340 = arith.andi %and3A_339, %lt3A_6 : vector<16xi1>
      %jit3A_341 = arith.constant 0 : i32
      %broadcast_in_dim3A_342 = vector.broadcast %jit3A_341 : i32 to vector<16xi32>
      %select_n3A_343 = arith.select %and3A_340, %sub3A_332, %broadcast_in_dim3A_342 : vector<16xi1>, vector<16xi32>
      %gather3A_344 = tpu.vector_load_idx %arg7[%and3A_4, %select_n3A_343] masked %and3A_340 : memref<8x3072xf32, #tpu.memory_space<vmem>>[vector<16xi32>, vector<16xi32>], vector<16xf32>, vector<16xi1>
      %mul3A_345 = arith.constant 0.87758255 : f32
      %mul3A_346 = vector.broadcast %mul3A_345 : f32 to vector<16xf32>
      %mul3A_347 = arith.mulf %gather3A_344, %mul3A_346 : vector<16xf32>
      %mul3A_348 = arith.mulf %gather3A_344, %gather3A_344 : vector<16xf32>
      %sub3A_349 = arith.constant 1.000000e+00 : f32
      %sub3A_350 = vector.broadcast %sub3A_349 : f32 to vector<16xf32>
      %sub3A_351 = arith.subf %sub3A_350, %mul3A_348 : vector<16xf32>
      %max3A_352 = arith.constant 0.000000e+00 : f32
      %max3A_353 = vector.broadcast %max3A_352 : f32 to vector<16xf32>
      %max3A_354 = arith.maximumf %sub3A_351, %max3A_353 : vector<16xf32>
      %bitcast3A_355 = vector.bitcast %max3A_354 : vector<16xf32> to vector<16xi32>
      %shift_right_arithmetic3A_356 = arith.constant 1 : i32
      %shift_right_arithmetic3A_357 = vector.broadcast %shift_right_arithmetic3A_356 : i32 to vector<16xi32>
      %shift_right_arithmetic3A_358 = arith.shrsi %bitcast3A_355, %shift_right_arithmetic3A_357 : vector<16xi32>
      %sub3A_359 = arith.constant 1597463007 : i32
      %sub3A_360 = vector.broadcast %sub3A_359 : i32 to vector<16xi32>
      %sub3A_361 = arith.subi %sub3A_360, %shift_right_arithmetic3A_358 : vector<16xi32>
      %bitcast3A_362 = vector.bitcast %sub3A_361 : vector<16xi32> to vector<16xf32>
      %mul3A_363 = arith.constant 5.000000e-01 : f32
      %mul3A_364 = vector.broadcast %mul3A_363 : f32 to vector<16xf32>
      %mul3A_365 = arith.mulf %mul3A_364, %max3A_354 : vector<16xf32>
      %mul3A_366 = arith.mulf %mul3A_365, %bitcast3A_362 : vector<16xf32>
      %mul3A_367 = arith.mulf %mul3A_366, %bitcast3A_362 : vector<16xf32>
      %sub3A_368 = arith.constant 1.500000e+00 : f32
      %sub3A_369 = vector.broadcast %sub3A_368 : f32 to vector<16xf32>
      %sub3A_370 = arith.subf %sub3A_369, %mul3A_367 : vector<16xf32>
      %mul3A_371 = arith.mulf %bitcast3A_362, %sub3A_370 : vector<16xf32>
      %mul3A_372 = arith.constant 5.000000e-01 : f32
      %mul3A_373 = vector.broadcast %mul3A_372 : f32 to vector<16xf32>
      %mul3A_374 = arith.mulf %mul3A_373, %max3A_354 : vector<16xf32>
      %mul3A_375 = arith.mulf %mul3A_374, %mul3A_371 : vector<16xf32>
      %mul3A_376 = arith.mulf %mul3A_375, %mul3A_371 : vector<16xf32>
      %sub3A_377 = arith.constant 1.500000e+00 : f32
      %sub3A_378 = vector.broadcast %sub3A_377 : f32 to vector<16xf32>
      %sub3A_379 = arith.subf %sub3A_378, %mul3A_376 : vector<16xf32>
      %mul3A_380 = arith.mulf %mul3A_371, %sub3A_379 : vector<16xf32>
      %mul3A_381 = arith.constant 5.000000e-01 : f32
      %mul3A_382 = vector.broadcast %mul3A_381 : f32 to vector<16xf32>
      %mul3A_383 = arith.mulf %mul3A_382, %max3A_354 : vector<16xf32>
      %mul3A_384 = arith.mulf %mul3A_383, %mul3A_380 : vector<16xf32>
      %mul3A_385 = arith.mulf %mul3A_384, %mul3A_380 : vector<16xf32>
      %sub3A_386 = arith.constant 1.500000e+00 : f32
      %sub3A_387 = vector.broadcast %sub3A_386 : f32 to vector<16xf32>
      %sub3A_388 = arith.subf %sub3A_387, %mul3A_385 : vector<16xf32>
      %mul3A_389 = arith.mulf %mul3A_380, %sub3A_388 : vector<16xf32>
      %mul3A_390 = arith.mulf %max3A_354, %mul3A_389 : vector<16xf32>
      %mul3A_391 = arith.constant 0.47942555 : f32
      %mul3A_392 = vector.broadcast %mul3A_391 : f32 to vector<16xf32>
      %mul3A_393 = arith.mulf %mul3A_390, %mul3A_392 : vector<16xf32>
      %sub3A_394 = arith.subf %mul3A_347, %mul3A_393 : vector<16xf32>
      tpu.vector_store_idx %arg7[%and3A_4, %select_n3A_343], %sub3A_394 masked %and3A_340 : memref<8x3072xf32, #tpu.memory_space<vmem>>[vector<16xi32>, vector<16xi32>], vector<16xf32>, vector<16xi1>
      %parallel_loop3A_395 = arith.constant 0 : i32
      %parallel_loop3A_396 = arith.constant 192 : i32
      %parallel_loop3A_397 = arith.constant 1 : i32
      scf.for %parallel_loop3A_569 = %parallel_loop3A_395 to %parallel_loop3A_396 step %parallel_loop3A_397  : i32 {
        %parallel_loop3A_570 = arith.constant 16 : i32
        %parallel_loop3A_571 = arith.muli %parallel_loop3A_569, %parallel_loop3A_570 : i32
        %parallel_loop3A_572 = arith.constant 0 : i32
        %parallel_loop3A_573 = arith.index_cast %parallel_loop3A_572 : i32 to index
        %parallel_loop3A_574 = arith.index_cast %parallel_loop3A_571 : i32 to index
        %parallel_loop3A_575 = tpu.vector_load %arg7[%parallel_loop3A_573, %parallel_loop3A_574] {strides = array<i32>} : memref<8x3072xf32, #tpu.memory_space<vmem>>, vector<16xf32>,
        %parallel_loop3A_576 = arith.constant 6.400000e+01 : f32
        %parallel_loop3A_577 = vector.broadcast %parallel_loop3A_576 : f32 to vector<16xf32>
        %parallel_loop3A_578 = arith.mulf %parallel_loop3A_575, %parallel_loop3A_577 : vector<16xf32>
        %parallel_loop3A_579 = arith.constant 0 : i32
        %parallel_loop3A_580 = arith.index_cast %parallel_loop3A_579 : i32 to index
        %parallel_loop3A_581 = arith.index_cast %parallel_loop3A_571 : i32 to index
        %parallel_loop3A_582 = tpu.vector_load %arg7[%parallel_loop3A_580, %parallel_loop3A_581] {strides = array<i32>} : memref<8x3072xf32, #tpu.memory_space<vmem>>, vector<16xf32>,
        tpu.vector_store %arg7[%parallel_loop3A_580, %parallel_loop3A_581], %parallel_loop3A_578 {strides = array<i32>} : memref<8x3072xf32, #tpu.memory_space<vmem>>, vector<16xf32>,
      } {sc.loop_unroll_factor = 8 : i64, sc.parallel_access}
      %parallel_loop3A_398 = arith.constant 0 : i32
      %parallel_loop3A_399 = arith.constant 192 : i32
      %parallel_loop3A_400 = arith.constant 1 : i32
      scf.for %parallel_loop3A_569 = %parallel_loop3A_398 to %parallel_loop3A_399 step %parallel_loop3A_400  : i32 {
        %parallel_loop3A_570 = arith.constant 16 : i32
        %parallel_loop3A_571 = arith.muli %parallel_loop3A_569, %parallel_loop3A_570 : i32
        %parallel_loop3A_572 = arith.constant 1 : i32
        %parallel_loop3A_573 = arith.index_cast %parallel_loop3A_572 : i32 to index
        %parallel_loop3A_574 = arith.index_cast %parallel_loop3A_571 : i32 to index
        %parallel_loop3A_575 = tpu.vector_load %arg7[%parallel_loop3A_573, %parallel_loop3A_574] {strides = array<i32>} : memref<8x3072xf32, #tpu.memory_space<vmem>>, vector<16xf32>,
        %parallel_loop3A_576 = arith.constant 6.400000e+01 : f32
        %parallel_loop3A_577 = vector.broadcast %parallel_loop3A_576 : f32 to vector<16xf32>
        %parallel_loop3A_578 = arith.mulf %parallel_loop3A_575, %parallel_loop3A_577 : vector<16xf32>
        %parallel_loop3A_579 = arith.constant 1 : i32
        %parallel_loop3A_580 = arith.index_cast %parallel_loop3A_579 : i32 to index
        %parallel_loop3A_581 = arith.index_cast %parallel_loop3A_571 : i32 to index
        %parallel_loop3A_582 = tpu.vector_load %arg7[%parallel_loop3A_580, %parallel_loop3A_581] {strides = array<i32>} : memref<8x3072xf32, #tpu.memory_space<vmem>>, vector<16xf32>,
        tpu.vector_store %arg7[%parallel_loop3A_580, %parallel_loop3A_581], %parallel_loop3A_578 {strides = array<i32>} : memref<8x3072xf32, #tpu.memory_space<vmem>>, vector<16xf32>,
      } {sc.loop_unroll_factor = 8 : i64, sc.parallel_access}
      %parallel_loop3A_401 = arith.constant 0 : i32
      %parallel_loop3A_402 = arith.constant 192 : i32
      %parallel_loop3A_403 = arith.constant 1 : i32
      scf.for %parallel_loop3A_569 = %parallel_loop3A_401 to %parallel_loop3A_402 step %parallel_loop3A_403  : i32 {
        %parallel_loop3A_570 = arith.constant 16 : i32
        %parallel_loop3A_571 = arith.muli %parallel_loop3A_569, %parallel_loop3A_570 : i32
        %parallel_loop3A_572 = arith.constant 2 : i32
        %parallel_loop3A_573 = arith.index_cast %parallel_loop3A_572 : i32 to index
        %parallel_loop3A_574 = arith.index_cast %parallel_loop3A_571 : i32 to index
        %parallel_loop3A_575 = tpu.vector_load %arg7[%parallel_loop3A_573, %parallel_loop3A_574] {strides = array<i32>} : memref<8x3072xf32, #tpu.memory_space<vmem>>, vector<16xf32>,
        %parallel_loop3A_576 = arith.constant 6.400000e+01 : f32
        %parallel_loop3A_577 = vector.broadcast %parallel_loop3A_576 : f32 to vector<16xf32>
        %parallel_loop3A_578 = arith.mulf %parallel_loop3A_575, %parallel_loop3A_577 : vector<16xf32>
        %parallel_loop3A_579 = arith.constant 2 : i32
        %parallel_loop3A_580 = arith.index_cast %parallel_loop3A_579 : i32 to index
        %parallel_loop3A_581 = arith.index_cast %parallel_loop3A_571 : i32 to index
        %parallel_loop3A_582 = tpu.vector_load %arg7[%parallel_loop3A_580, %parallel_loop3A_581] {strides = array<i32>} : memref<8x3072xf32, #tpu.memory_space<vmem>>, vector<16xf32>,
        tpu.vector_store %arg7[%parallel_loop3A_580, %parallel_loop3A_581], %parallel_loop3A_578 {strides = array<i32>} : memref<8x3072xf32, #tpu.memory_space<vmem>>, vector<16xf32>,
      } {sc.loop_unroll_factor = 8 : i64, sc.parallel_access}
      %parallel_loop3A_404 = arith.constant 0 : i32
      %parallel_loop3A_405 = arith.constant 192 : i32
      %parallel_loop3A_406 = arith.constant 1 : i32
      scf.for %parallel_loop3A_569 = %parallel_loop3A_404 to %parallel_loop3A_405 step %parallel_loop3A_406  : i32 {
        %parallel_loop3A_570 = arith.constant 16 : i32
        %parallel_loop3A_571 = arith.muli %parallel_loop3A_569, %parallel_loop3A_570 : i32
        %parallel_loop3A_572 = arith.constant 3 : i32
        %parallel_loop3A_573 = arith.index_cast %parallel_loop3A_572 : i32 to index
        %parallel_loop3A_574 = arith.index_cast %parallel_loop3A_571 : i32 to index
        %parallel_loop3A_575 = tpu.vector_load %arg7[%parallel_loop3A_573, %parallel_loop3A_574] {strides = array<i32>} : memref<8x3072xf32, #tpu.memory_space<vmem>>, vector<16xf32>,
        %parallel_loop3A_576 = arith.constant 6.400000e+01 : f32
        %parallel_loop3A_577 = vector.broadcast %parallel_loop3A_576 : f32 to vector<16xf32>
        %parallel_loop3A_578 = arith.mulf %parallel_loop3A_575, %parallel_loop3A_577 : vector<16xf32>
        %parallel_loop3A_579 = arith.constant 3 : i32
        %parallel_loop3A_580 = arith.index_cast %parallel_loop3A_579 : i32 to index
        %parallel_loop3A_581 = arith.index_cast %parallel_loop3A_571 : i32 to index
        %parallel_loop3A_582 = tpu.vector_load %arg7[%parallel_loop3A_580, %parallel_loop3A_581] {strides = array<i32>} : memref<8x3072xf32, #tpu.memory_space<vmem>>, vector<16xf32>,
        tpu.vector_store %arg7[%parallel_loop3A_580, %parallel_loop3A_581], %parallel_loop3A_578 {strides = array<i32>} : memref<8x3072xf32, #tpu.memory_space<vmem>>, vector<16xf32>,
      } {sc.loop_unroll_factor = 8 : i64, sc.parallel_access}
      %parallel_loop3A_407 = arith.constant 0 : i32
      %parallel_loop3A_408 = arith.constant 192 : i32
      %parallel_loop3A_409 = arith.constant 1 : i32
      scf.for %parallel_loop3A_569 = %parallel_loop3A_407 to %parallel_loop3A_408 step %parallel_loop3A_409  : i32 {
        %parallel_loop3A_570 = arith.constant 16 : i32
        %parallel_loop3A_571 = arith.muli %parallel_loop3A_569, %parallel_loop3A_570 : i32
        %parallel_loop3A_572 = arith.constant 4 : i32
        %parallel_loop3A_573 = arith.index_cast %parallel_loop3A_572 : i32 to index
        %parallel_loop3A_574 = arith.index_cast %parallel_loop3A_571 : i32 to index
        %parallel_loop3A_575 = tpu.vector_load %arg7[%parallel_loop3A_573, %parallel_loop3A_574] {strides = array<i32>} : memref<8x3072xf32, #tpu.memory_space<vmem>>, vector<16xf32>,
        %parallel_loop3A_576 = arith.constant 6.400000e+01 : f32
        %parallel_loop3A_577 = vector.broadcast %parallel_loop3A_576 : f32 to vector<16xf32>
        %parallel_loop3A_578 = arith.mulf %parallel_loop3A_575, %parallel_loop3A_577 : vector<16xf32>
        %parallel_loop3A_579 = arith.constant 4 : i32
        %parallel_loop3A_580 = arith.index_cast %parallel_loop3A_579 : i32 to index
        %parallel_loop3A_581 = arith.index_cast %parallel_loop3A_571 : i32 to index
        %parallel_loop3A_582 = tpu.vector_load %arg7[%parallel_loop3A_580, %parallel_loop3A_581] {strides = array<i32>} : memref<8x3072xf32, #tpu.memory_space<vmem>>, vector<16xf32>,
        tpu.vector_store %arg7[%parallel_loop3A_580, %parallel_loop3A_581], %parallel_loop3A_578 {strides = array<i32>} : memref<8x3072xf32, #tpu.memory_space<vmem>>, vector<16xf32>,
      } {sc.loop_unroll_factor = 8 : i64, sc.parallel_access}
      %parallel_loop3A_410 = arith.constant 0 : i32
      %parallel_loop3A_411 = arith.constant 192 : i32
      %parallel_loop3A_412 = arith.constant 1 : i32
      scf.for %parallel_loop3A_569 = %parallel_loop3A_410 to %parallel_loop3A_411 step %parallel_loop3A_412  : i32 {
        %parallel_loop3A_570 = arith.constant 16 : i32
        %parallel_loop3A_571 = arith.muli %parallel_loop3A_569, %parallel_loop3A_570 : i32
        %parallel_loop3A_572 = arith.constant 5 : i32
        %parallel_loop3A_573 = arith.index_cast %parallel_loop3A_572 : i32 to index
        %parallel_loop3A_574 = arith.index_cast %parallel_loop3A_571 : i32 to index
        %parallel_loop3A_575 = tpu.vector_load %arg7[%parallel_loop3A_573, %parallel_loop3A_574] {strides = array<i32>} : memref<8x3072xf32, #tpu.memory_space<vmem>>, vector<16xf32>,
        %parallel_loop3A_576 = arith.constant 6.400000e+01 : f32
        %parallel_loop3A_577 = vector.broadcast %parallel_loop3A_576 : f32 to vector<16xf32>
        %parallel_loop3A_578 = arith.mulf %parallel_loop3A_575, %parallel_loop3A_577 : vector<16xf32>
        %parallel_loop3A_579 = arith.constant 5 : i32
        %parallel_loop3A_580 = arith.index_cast %parallel_loop3A_579 : i32 to index
        %parallel_loop3A_581 = arith.index_cast %parallel_loop3A_571 : i32 to index
        %parallel_loop3A_582 = tpu.vector_load %arg7[%parallel_loop3A_580, %parallel_loop3A_581] {strides = array<i32>} : memref<8x3072xf32, #tpu.memory_space<vmem>>, vector<16xf32>,
        tpu.vector_store %arg7[%parallel_loop3A_580, %parallel_loop3A_581], %parallel_loop3A_578 {strides = array<i32>} : memref<8x3072xf32, #tpu.memory_space<vmem>>, vector<16xf32>,
      } {sc.loop_unroll_factor = 8 : i64, sc.parallel_access}
      %parallel_loop3A_413 = arith.constant 0 : i32
      %parallel_loop3A_414 = arith.constant 192 : i32
      %parallel_loop3A_415 = arith.constant 1 : i32
      scf.for %parallel_loop3A_569 = %parallel_loop3A_413 to %parallel_loop3A_414 step %parallel_loop3A_415  : i32 {
        %parallel_loop3A_570 = arith.constant 16 : i32
        %parallel_loop3A_571 = arith.muli %parallel_loop3A_569, %parallel_loop3A_570 : i32
        %parallel_loop3A_572 = arith.constant 6 : i32
        %parallel_loop3A_573 = arith.index_cast %parallel_loop3A_572 : i32 to index
        %parallel_loop3A_574 = arith.index_cast %parallel_loop3A_571 : i32 to index
        %parallel_loop3A_575 = tpu.vector_load %arg7[%parallel_loop3A_573, %parallel_loop3A_574] {strides = array<i32>} : memref<8x3072xf32, #tpu.memory_space<vmem>>, vector<16xf32>,
        %parallel_loop3A_576 = arith.constant 6.400000e+01 : f32
        %parallel_loop3A_577 = vector.broadcast %parallel_loop3A_576 : f32 to vector<16xf32>
        %parallel_loop3A_578 = arith.mulf %parallel_loop3A_575, %parallel_loop3A_577 : vector<16xf32>
        %parallel_loop3A_579 = arith.constant 6 : i32
        %parallel_loop3A_580 = arith.index_cast %parallel_loop3A_579 : i32 to index
        %parallel_loop3A_581 = arith.index_cast %parallel_loop3A_571 : i32 to index
        %parallel_loop3A_582 = tpu.vector_load %arg7[%parallel_loop3A_580, %parallel_loop3A_581] {strides = array<i32>} : memref<8x3072xf32, #tpu.memory_space<vmem>>, vector<16xf32>,
        tpu.vector_store %arg7[%parallel_loop3A_580, %parallel_loop3A_581], %parallel_loop3A_578 {strides = array<i32>} : memref<8x3072xf32, #tpu.memory_space<vmem>>, vector<16xf32>,
      } {sc.loop_unroll_factor = 8 : i64, sc.parallel_access}
      %parallel_loop3A_416 = arith.constant 0 : i32
      %parallel_loop3A_417 = arith.constant 192 : i32
      %parallel_loop3A_418 = arith.constant 1 : i32
      scf.for %parallel_loop3A_569 = %parallel_loop3A_416 to %parallel_loop3A_417 step %parallel_loop3A_418  : i32 {
        %parallel_loop3A_570 = arith.constant 16 : i32
        %parallel_loop3A_571 = arith.muli %parallel_loop3A_569, %parallel_loop3A_570 : i32
        %parallel_loop3A_572 = arith.constant 7 : i32
        %parallel_loop3A_573 = arith.index_cast %parallel_loop3A_572 : i32 to index
        %parallel_loop3A_574 = arith.index_cast %parallel_loop3A_571 : i32 to index
        %parallel_loop3A_575 = tpu.vector_load %arg7[%parallel_loop3A_573, %parallel_loop3A_574] {strides = array<i32>} : memref<8x3072xf32, #tpu.memory_space<vmem>>, vector<16xf32>,
        %parallel_loop3A_576 = arith.constant 6.400000e+01 : f32
        %parallel_loop3A_577 = vector.broadcast %parallel_loop3A_576 : f32 to vector<16xf32>
        %parallel_loop3A_578 = arith.mulf %parallel_loop3A_575, %parallel_loop3A_577 : vector<16xf32>
        %parallel_loop3A_579 = arith.constant 7 : i32
        %parallel_loop3A_580 = arith.index_cast %parallel_loop3A_579 : i32 to index
        %parallel_loop3A_581 = arith.index_cast %parallel_loop3A_571 : i32 to index
        %parallel_loop3A_582 = tpu.vector_load %arg7[%parallel_loop3A_580, %parallel_loop3A_581] {strides = array<i32>} : memref<8x3072xf32, #tpu.memory_space<vmem>>, vector<16xf32>,
        tpu.vector_store %arg7[%parallel_loop3A_580, %parallel_loop3A_581], %parallel_loop3A_578 {strides = array<i32>} : memref<8x3072xf32, #tpu.memory_space<vmem>>, vector<16xf32>,
      } {sc.loop_unroll_factor = 8 : i64, sc.parallel_access}
      %shift_right_arithmetic3A_419 = arith.constant 5 : i32
      %shift_right_arithmetic3A_420 = arith.shrsi %add3A_308, %shift_right_arithmetic3A_419 : i32
      %mul3A_421 = arith.constant 8 : i32
      %mul3A_422 = arith.muli %shift_right_arithmetic3A_420, %mul3A_421 : i32
      %add3A_423 = arith.addi %mul3A_2, %mul3A_422 : i32
      %and3A_424 = arith.constant 31 : i32
      %and3A_425 = arith.andi %add3A_308, %and3A_424 : i32
      %mul3A_426 = arith.constant 3072 : i32
      %mul3A_427 = arith.muli %and3A_425, %mul3A_426 : i32
      %dma_start3A_428 = tpu.memref_slice %arg4[%add3A_423, %mul3A_427] : memref<1024x100000xf32, #tpu.memory_space<hbm>> -> memref<8x3072xf32, #tpu.memory_space<hbm>>
      %dma_start3A_429 = tpu.memref_slice %arg4[%add3A_423, %mul3A_427] : memref<1024x100000xf32, #tpu.memory_space<hbm>> -> memref<8x3072xf32, #tpu.memory_space<hbm>>
      tpu.enqueue_dma source(%arg7 : memref<8x3072xf32, #tpu.memory_space<vmem>>) target(%dma_start3A_429 : memref<8x3072xf32, #tpu.memory_space<hbm>>) target_semaphore(%arg17 : memref<!tpu.dma_semaphore, #tpu.memory_space<semaphore_mem>>)
      %add3A_430 = arith.constant 2 : i32
      %add3A_431 = arith.addi %add3A_308, %add3A_430 : i32
      %lt3A_432 = arith.constant 128 : i32
      %lt3A_433 = arith.cmpi slt, %add3A_431, %lt3A_432 : i32
      %convert_element_type3A_434 = arith.extui %lt3A_433 : i1 to i32
      %cond3A_435 = arith.constant 0 : i32
      %cond3A_436 = arith.cmpi ne, %convert_element_type3A_434, %cond3A_435 : i32
      scf.if %cond3A_436 {
        %ge3A_569 = arith.constant 2 : i32
        %ge3A_570 = arith.cmpi sge, %add3A_308, %ge3A_569 : i32
        %convert_element_type3A_571 = arith.extui %ge3A_570 : i1 to i32
        %cond3A_572 = arith.constant 0 : i32
        %cond3A_573 = arith.cmpi ne, %convert_element_type3A_571, %cond3A_572 : i32
        scf.if %cond3A_573 {
          %sub3A_587 = arith.constant 2 : i32
          %sub3A_588 = arith.subi %add3A_308, %sub3A_587 : i32
          %shift_right_arithmetic3A_589 = arith.constant 5 : i32
          %shift_right_arithmetic3A_590 = arith.shrsi %sub3A_588, %shift_right_arithmetic3A_589 : i32
          %mul3A_591 = arith.constant 8 : i32
          %mul3A_592 = arith.muli %shift_right_arithmetic3A_590, %mul3A_591 : i32
          %add3A_593 = arith.addi %mul3A_2, %mul3A_592 : i32
          %and3A_594 = arith.constant 31 : i32
          %and3A_595 = arith.andi %sub3A_588, %and3A_594 : i32
          %mul3A_596 = arith.constant 3072 : i32
          %mul3A_597 = arith.muli %and3A_595, %mul3A_596 : i32
          %dma_wait3A_598 = tpu.memref_slice %arg4[%add3A_593, %mul3A_597] : memref<1024x100000xf32, #tpu.memory_space<hbm>> -> memref<8x3072xf32, #tpu.memory_space<hbm>>
          %dma_wait3A_599 = tpu.memref_slice %arg4[%add3A_593, %mul3A_597] : memref<1024x100000xf32, #tpu.memory_space<hbm>> -> memref<8x3072xf32, #tpu.memory_space<hbm>>
          tpu.wait_dma2 semaphore(%arg15 : memref<!tpu.dma_semaphore, #tpu.memory_space<semaphore_mem>>) src(%arg5 : memref<8x3072xf32, #tpu.memory_space<vmem>>) dst(%dma_wait3A_599 : memref<8x3072xf32, #tpu.memory_space<hbm>>)
        } else {
        }
        %add3A_574 = arith.constant 2 : i32
        %add3A_575 = arith.addi %add3A_308, %add3A_574 : i32
        %shift_right_arithmetic3A_576 = arith.constant 5 : i32
        %shift_right_arithmetic3A_577 = arith.shrsi %add3A_575, %shift_right_arithmetic3A_576 : i32
        %mul3A_578 = arith.constant 8 : i32
        %mul3A_579 = arith.muli %shift_right_arithmetic3A_577, %mul3A_578 : i32
        %add3A_580 = arith.addi %mul3A_2, %mul3A_579 : i32
        %and3A_581 = arith.constant 31 : i32
        %and3A_582 = arith.andi %add3A_575, %and3A_581 : i32
        %mul3A_583 = arith.constant 3072 : i32
        %mul3A_584 = arith.muli %and3A_582, %mul3A_583 : i32
        %dma_start3A_585 = tpu.memref_slice %arg2[%add3A_580, %mul3A_584] : memref<1024x100000xf32, #tpu.memory_space<hbm>> -> memref<8x3072xf32, #tpu.memory_space<hbm>>
        %dma_start3A_586 = tpu.memref_slice %arg2[%add3A_580, %mul3A_584] : memref<1024x100000xf32, #tpu.memory_space<hbm>> -> memref<8x3072xf32, #tpu.memory_space<hbm>>
        tpu.enqueue_dma source(%dma_start3A_586 : memref<8x3072xf32, #tpu.memory_space<hbm>>) target(%arg5 : memref<8x3072xf32, #tpu.memory_space<vmem>>) target_semaphore(%arg11 : memref<!tpu.dma_semaphore, #tpu.memory_space<semaphore_mem>>)
      } else {
      }
      %mul3A_437 = arith.constant 4 : i32
      %mul3A_438 = arith.muli %scan3A_52, %mul3A_437 : i32
      %add3A_439 = arith.constant 3 : i32
      %add3A_440 = arith.addi %mul3A_438, %add3A_439 : i32
      %shift_right_arithmetic3A_441 = arith.constant 5 : i32
      %shift_right_arithmetic3A_442 = arith.shrsi %add3A_440, %shift_right_arithmetic3A_441 : i32
      %mul3A_443 = arith.constant 8 : i32
      %mul3A_444 = arith.muli %shift_right_arithmetic3A_442, %mul3A_443 : i32
      %add3A_445 = arith.addi %mul3A_2, %mul3A_444 : i32
      %and3A_446 = arith.constant 31 : i32
      %and3A_447 = arith.andi %add3A_440, %and3A_446 : i32
      %mul3A_448 = arith.constant 3072 : i32
      %mul3A_449 = arith.muli %and3A_447, %mul3A_448 : i32
      %dma_wait3A_450 = tpu.memref_slice %arg2[%add3A_445, %mul3A_449] : memref<1024x100000xf32, #tpu.memory_space<hbm>> -> memref<8x3072xf32, #tpu.memory_space<hbm>>
      %dma_wait3A_451 = tpu.memref_slice %arg2[%add3A_445, %mul3A_449] : memref<1024x100000xf32, #tpu.memory_space<hbm>> -> memref<8x3072xf32, #tpu.memory_space<hbm>>
      tpu.wait_dma2 semaphore(%arg14 : memref<!tpu.dma_semaphore, #tpu.memory_space<semaphore_mem>>) src(%dma_wait3A_451 : memref<8x3072xf32, #tpu.memory_space<hbm>>) dst(%arg8 : memref<8x3072xf32, #tpu.memory_space<vmem>>)
      %shift_right_arithmetic3A_452 = arith.constant 5 : i32
      %shift_right_arithmetic3A_453 = arith.shrsi %add3A_440, %shift_right_arithmetic3A_452 : i32
      %and3A_454 = arith.constant 31 : i32
      %and3A_455 = arith.andi %add3A_440, %and3A_454 : i32
      %mul3A_456 = arith.constant 3072 : i32
      %mul3A_457 = arith.muli %and3A_455, %mul3A_456 : i32
      %mul3A_458 = arith.constant 8 : i32
      %mul3A_459 = arith.muli %shift_right_arithmetic3A_453, %mul3A_458 : i32
      %add3A_460 = vector.broadcast %mul3A_459 : i32 to vector<16xi32>
      %add3A_461 = arith.addi %add3A_460, %and3A_4 : vector<16xi32>
      %gather3A_462 = tpu.vector_load_idx %arg10[%add3A_461] : memref<32xi32, #tpu.memory_space<vmem>>[vector<16xi32>], vector<16xi32>,
      %sub3A_463 = vector.broadcast %mul3A_457 : i32 to vector<16xi32>
      %sub3A_464 = arith.subi %gather3A_462, %sub3A_463 : vector<16xi32>
      %ge3A_465 = arith.constant 0 : i32
      %ge3A_466 = vector.broadcast %ge3A_465 : i32 to vector<16xi32>
      %ge3A_467 = arith.cmpi sge, %sub3A_464, %ge3A_466 : vector<16xi32>
      %lt3A_468 = arith.constant 3072 : i32
      %lt3A_469 = vector.broadcast %lt3A_468 : i32 to vector<16xi32>
      %lt3A_470 = arith.cmpi slt, %sub3A_464, %lt3A_469 : vector<16xi32>
      %and3A_471 = arith.andi %ge3A_467, %lt3A_470 : vector<16xi1>
      %and3A_472 = arith.andi %and3A_471, %lt3A_6 : vector<16xi1>
      %jit3A_473 = arith.constant 0 : i32
      %broadcast_in_dim3A_474 = vector.broadcast %jit3A_473 : i32 to vector<16xi32>
      %select_n3A_475 = arith.select %and3A_472, %sub3A_464, %broadcast_in_dim3A_474 : vector<16xi1>, vector<16xi32>
      %gather3A_476 = tpu.vector_load_idx %arg8[%and3A_4, %select_n3A_475] masked %and3A_472 : memref<8x3072xf32, #tpu.memory_space<vmem>>[vector<16xi32>, vector<16xi32>], vector<16xf32>, vector<16xi1>
      %mul3A_477 = arith.constant 0.87758255 : f32
      %mul3A_478 = vector.broadcast %mul3A_477 : f32 to vector<16xf32>
      %mul3A_479 = arith.mulf %gather3A_476, %mul3A_478 : vector<16xf32>
      %mul3A_480 = arith.mulf %gather3A_476, %gather3A_476 : vector<16xf32>
      %sub3A_481 = arith.constant 1.000000e+00 : f32
      %sub3A_482 = vector.broadcast %sub3A_481 : f32 to vector<16xf32>
      %sub3A_483 = arith.subf %sub3A_482, %mul3A_480 : vector<16xf32>
      %max3A_484 = arith.constant 0.000000e+00 : f32
      %max3A_485 = vector.broadcast %max3A_484 : f32 to vector<16xf32>
      %max3A_486 = arith.maximumf %sub3A_483, %max3A_485 : vector<16xf32>
      %bitcast3A_487 = vector.bitcast %max3A_486 : vector<16xf32> to vector<16xi32>
      %shift_right_arithmetic3A_488 = arith.constant 1 : i32
      %shift_right_arithmetic3A_489 = vector.broadcast %shift_right_arithmetic3A_488 : i32 to vector<16xi32>
      %shift_right_arithmetic3A_490 = arith.shrsi %bitcast3A_487, %shift_right_arithmetic3A_489 : vector<16xi32>
      %sub3A_491 = arith.constant 1597463007 : i32
      %sub3A_492 = vector.broadcast %sub3A_491 : i32 to vector<16xi32>
      %sub3A_493 = arith.subi %sub3A_492, %shift_right_arithmetic3A_490 : vector<16xi32>
      %bitcast3A_494 = vector.bitcast %sub3A_493 : vector<16xi32> to vector<16xf32>
      %mul3A_495 = arith.constant 5.000000e-01 : f32
      %mul3A_496 = vector.broadcast %mul3A_495 : f32 to vector<16xf32>
      %mul3A_497 = arith.mulf %mul3A_496, %max3A_486 : vector<16xf32>
      %mul3A_498 = arith.mulf %mul3A_497, %bitcast3A_494 : vector<16xf32>
      %mul3A_499 = arith.mulf %mul3A_498, %bitcast3A_494 : vector<16xf32>
      %sub3A_500 = arith.constant 1.500000e+00 : f32
      %sub3A_501 = vector.broadcast %sub3A_500 : f32 to vector<16xf32>
      %sub3A_502 = arith.subf %sub3A_501, %mul3A_499 : vector<16xf32>
      %mul3A_503 = arith.mulf %bitcast3A_494, %sub3A_502 : vector<16xf32>
      %mul3A_504 = arith.constant 5.000000e-01 : f32
      %mul3A_505 = vector.broadcast %mul3A_504 : f32 to vector<16xf32>
      %mul3A_506 = arith.mulf %mul3A_505, %max3A_486 : vector<16xf32>
      %mul3A_507 = arith.mulf %mul3A_506, %mul3A_503 : vector<16xf32>
      %mul3A_508 = arith.mulf %mul3A_507, %mul3A_503 : vector<16xf32>
      %sub3A_509 = arith.constant 1.500000e+00 : f32
      %sub3A_510 = vector.broadcast %sub3A_509 : f32 to vector<16xf32>
      %sub3A_511 = arith.subf %sub3A_510, %mul3A_508 : vector<16xf32>
      %mul3A_512 = arith.mulf %mul3A_503, %sub3A_511 : vector<16xf32>
      %mul3A_513 = arith.constant 5.000000e-01 : f32
      %mul3A_514 = vector.broadcast %mul3A_513 : f32 to vector<16xf32>
      %mul3A_515 = arith.mulf %mul3A_514, %max3A_486 : vector<16xf32>
      %mul3A_516 = arith.mulf %mul3A_515, %mul3A_512 : vector<16xf32>
      %mul3A_517 = arith.mulf %mul3A_516, %mul3A_512 : vector<16xf32>
      %sub3A_518 = arith.constant 1.500000e+00 : f32
      %sub3A_519 = vector.broadcast %sub3A_518 : f32 to vector<16xf32>
      %sub3A_520 = arith.subf %sub3A_519, %mul3A_517 : vector<16xf32>
      %mul3A_521 = arith.mulf %mul3A_512, %sub3A_520 : vector<16xf32>
      %mul3A_522 = arith.mulf %max3A_486, %mul3A_521 : vector<16xf32>
      %mul3A_523 = arith.constant 0.47942555 : f32
      %mul3A_524 = vector.broadcast %mul3A_523 : f32 to vector<16xf32>
      %mul3A_525 = arith.mulf %mul3A_522, %mul3A_524 : vector<16xf32>
      %sub3A_526 = arith.subf %mul3A_479, %mul3A_525 : vector<16xf32>
      tpu.vector_store_idx %arg8[%and3A_4, %select_n3A_475], %sub3A_526 masked %and3A_472 : memref<8x3072xf32, #tpu.memory_space<vmem>>[vector<16xi32>, vector<16xi32>], vector<16xf32>, vector<16xi1>
      %parallel_loop3A_527 = arith.constant 0 : i32
      %parallel_loop3A_528 = arith.constant 192 : i32
      %parallel_loop3A_529 = arith.constant 1 : i32
      scf.for %parallel_loop3A_569 = %parallel_loop3A_527 to %parallel_loop3A_528 step %parallel_loop3A_529  : i32 {
        %parallel_loop3A_570 = arith.constant 16 : i32
        %parallel_loop3A_571 = arith.muli %parallel_loop3A_569, %parallel_loop3A_570 : i32
        %parallel_loop3A_572 = arith.constant 0 : i32
        %parallel_loop3A_573 = arith.index_cast %parallel_loop3A_572 : i32 to index
        %parallel_loop3A_574 = arith.index_cast %parallel_loop3A_571 : i32 to index
        %parallel_loop3A_575 = tpu.vector_load %arg8[%parallel_loop3A_573, %parallel_loop3A_574] {strides = array<i32>} : memref<8x3072xf32, #tpu.memory_space<vmem>>, vector<16xf32>,
        %parallel_loop3A_576 = arith.constant 6.400000e+01 : f32
        %parallel_loop3A_577 = vector.broadcast %parallel_loop3A_576 : f32 to vector<16xf32>
        %parallel_loop3A_578 = arith.mulf %parallel_loop3A_575, %parallel_loop3A_577 : vector<16xf32>
        %parallel_loop3A_579 = arith.constant 0 : i32
        %parallel_loop3A_580 = arith.index_cast %parallel_loop3A_579 : i32 to index
        %parallel_loop3A_581 = arith.index_cast %parallel_loop3A_571 : i32 to index
        %parallel_loop3A_582 = tpu.vector_load %arg8[%parallel_loop3A_580, %parallel_loop3A_581] {strides = array<i32>} : memref<8x3072xf32, #tpu.memory_space<vmem>>, vector<16xf32>,
        tpu.vector_store %arg8[%parallel_loop3A_580, %parallel_loop3A_581], %parallel_loop3A_578 {strides = array<i32>} : memref<8x3072xf32, #tpu.memory_space<vmem>>, vector<16xf32>,
      } {sc.loop_unroll_factor = 8 : i64, sc.parallel_access}
      %parallel_loop3A_530 = arith.constant 0 : i32
      %parallel_loop3A_531 = arith.constant 192 : i32
      %parallel_loop3A_532 = arith.constant 1 : i32
      scf.for %parallel_loop3A_569 = %parallel_loop3A_530 to %parallel_loop3A_531 step %parallel_loop3A_532  : i32 {
        %parallel_loop3A_570 = arith.constant 16 : i32
        %parallel_loop3A_571 = arith.muli %parallel_loop3A_569, %parallel_loop3A_570 : i32
        %parallel_loop3A_572 = arith.constant 1 : i32
        %parallel_loop3A_573 = arith.index_cast %parallel_loop3A_572 : i32 to index
        %parallel_loop3A_574 = arith.index_cast %parallel_loop3A_571 : i32 to index
        %parallel_loop3A_575 = tpu.vector_load %arg8[%parallel_loop3A_573, %parallel_loop3A_574] {strides = array<i32>} : memref<8x3072xf32, #tpu.memory_space<vmem>>, vector<16xf32>,
        %parallel_loop3A_576 = arith.constant 6.400000e+01 : f32
        %parallel_loop3A_577 = vector.broadcast %parallel_loop3A_576 : f32 to vector<16xf32>
        %parallel_loop3A_578 = arith.mulf %parallel_loop3A_575, %parallel_loop3A_577 : vector<16xf32>
        %parallel_loop3A_579 = arith.constant 1 : i32
        %parallel_loop3A_580 = arith.index_cast %parallel_loop3A_579 : i32 to index
        %parallel_loop3A_581 = arith.index_cast %parallel_loop3A_571 : i32 to index
        %parallel_loop3A_582 = tpu.vector_load %arg8[%parallel_loop3A_580, %parallel_loop3A_581] {strides = array<i32>} : memref<8x3072xf32, #tpu.memory_space<vmem>>, vector<16xf32>,
        tpu.vector_store %arg8[%parallel_loop3A_580, %parallel_loop3A_581], %parallel_loop3A_578 {strides = array<i32>} : memref<8x3072xf32, #tpu.memory_space<vmem>>, vector<16xf32>,
      } {sc.loop_unroll_factor = 8 : i64, sc.parallel_access}
      %parallel_loop3A_533 = arith.constant 0 : i32
      %parallel_loop3A_534 = arith.constant 192 : i32
      %parallel_loop3A_535 = arith.constant 1 : i32
      scf.for %parallel_loop3A_569 = %parallel_loop3A_533 to %parallel_loop3A_534 step %parallel_loop3A_535  : i32 {
        %parallel_loop3A_570 = arith.constant 16 : i32
        %parallel_loop3A_571 = arith.muli %parallel_loop3A_569, %parallel_loop3A_570 : i32
        %parallel_loop3A_572 = arith.constant 2 : i32
        %parallel_loop3A_573 = arith.index_cast %parallel_loop3A_572 : i32 to index
        %parallel_loop3A_574 = arith.index_cast %parallel_loop3A_571 : i32 to index
        %parallel_loop3A_575 = tpu.vector_load %arg8[%parallel_loop3A_573, %parallel_loop3A_574] {strides = array<i32>} : memref<8x3072xf32, #tpu.memory_space<vmem>>, vector<16xf32>,
        %parallel_loop3A_576 = arith.constant 6.400000e+01 : f32
        %parallel_loop3A_577 = vector.broadcast %parallel_loop3A_576 : f32 to vector<16xf32>
        %parallel_loop3A_578 = arith.mulf %parallel_loop3A_575, %parallel_loop3A_577 : vector<16xf32>
        %parallel_loop3A_579 = arith.constant 2 : i32
        %parallel_loop3A_580 = arith.index_cast %parallel_loop3A_579 : i32 to index
        %parallel_loop3A_581 = arith.index_cast %parallel_loop3A_571 : i32 to index
        %parallel_loop3A_582 = tpu.vector_load %arg8[%parallel_loop3A_580, %parallel_loop3A_581] {strides = array<i32>} : memref<8x3072xf32, #tpu.memory_space<vmem>>, vector<16xf32>,
        tpu.vector_store %arg8[%parallel_loop3A_580, %parallel_loop3A_581], %parallel_loop3A_578 {strides = array<i32>} : memref<8x3072xf32, #tpu.memory_space<vmem>>, vector<16xf32>,
      } {sc.loop_unroll_factor = 8 : i64, sc.parallel_access}
      %parallel_loop3A_536 = arith.constant 0 : i32
      %parallel_loop3A_537 = arith.constant 192 : i32
      %parallel_loop3A_538 = arith.constant 1 : i32
      scf.for %parallel_loop3A_569 = %parallel_loop3A_536 to %parallel_loop3A_537 step %parallel_loop3A_538  : i32 {
        %parallel_loop3A_570 = arith.constant 16 : i32
        %parallel_loop3A_571 = arith.muli %parallel_loop3A_569, %parallel_loop3A_570 : i32
        %parallel_loop3A_572 = arith.constant 3 : i32
        %parallel_loop3A_573 = arith.index_cast %parallel_loop3A_572 : i32 to index
        %parallel_loop3A_574 = arith.index_cast %parallel_loop3A_571 : i32 to index
        %parallel_loop3A_575 = tpu.vector_load %arg8[%parallel_loop3A_573, %parallel_loop3A_574] {strides = array<i32>} : memref<8x3072xf32, #tpu.memory_space<vmem>>, vector<16xf32>,
        %parallel_loop3A_576 = arith.constant 6.400000e+01 : f32
        %parallel_loop3A_577 = vector.broadcast %parallel_loop3A_576 : f32 to vector<16xf32>
        %parallel_loop3A_578 = arith.mulf %parallel_loop3A_575, %parallel_loop3A_577 : vector<16xf32>
        %parallel_loop3A_579 = arith.constant 3 : i32
        %parallel_loop3A_580 = arith.index_cast %parallel_loop3A_579 : i32 to index
        %parallel_loop3A_581 = arith.index_cast %parallel_loop3A_571 : i32 to index
        %parallel_loop3A_582 = tpu.vector_load %arg8[%parallel_loop3A_580, %parallel_loop3A_581] {strides = array<i32>} : memref<8x3072xf32, #tpu.memory_space<vmem>>, vector<16xf32>,
        tpu.vector_store %arg8[%parallel_loop3A_580, %parallel_loop3A_581], %parallel_loop3A_578 {strides = array<i32>} : memref<8x3072xf32, #tpu.memory_space<vmem>>, vector<16xf32>,
      } {sc.loop_unroll_factor = 8 : i64, sc.parallel_access}
      %parallel_loop3A_539 = arith.constant 0 : i32
      %parallel_loop3A_540 = arith.constant 192 : i32
      %parallel_loop3A_541 = arith.constant 1 : i32
      scf.for %parallel_loop3A_569 = %parallel_loop3A_539 to %parallel_loop3A_540 step %parallel_loop3A_541  : i32 {
        %parallel_loop3A_570 = arith.constant 16 : i32
        %parallel_loop3A_571 = arith.muli %parallel_loop3A_569, %parallel_loop3A_570 : i32
        %parallel_loop3A_572 = arith.constant 4 : i32
        %parallel_loop3A_573 = arith.index_cast %parallel_loop3A_572 : i32 to index
        %parallel_loop3A_574 = arith.index_cast %parallel_loop3A_571 : i32 to index
        %parallel_loop3A_575 = tpu.vector_load %arg8[%parallel_loop3A_573, %parallel_loop3A_574] {strides = array<i32>} : memref<8x3072xf32, #tpu.memory_space<vmem>>, vector<16xf32>,
        %parallel_loop3A_576 = arith.constant 6.400000e+01 : f32
        %parallel_loop3A_577 = vector.broadcast %parallel_loop3A_576 : f32 to vector<16xf32>
        %parallel_loop3A_578 = arith.mulf %parallel_loop3A_575, %parallel_loop3A_577 : vector<16xf32>
        %parallel_loop3A_579 = arith.constant 4 : i32
        %parallel_loop3A_580 = arith.index_cast %parallel_loop3A_579 : i32 to index
        %parallel_loop3A_581 = arith.index_cast %parallel_loop3A_571 : i32 to index
        %parallel_loop3A_582 = tpu.vector_load %arg8[%parallel_loop3A_580, %parallel_loop3A_581] {strides = array<i32>} : memref<8x3072xf32, #tpu.memory_space<vmem>>, vector<16xf32>,
        tpu.vector_store %arg8[%parallel_loop3A_580, %parallel_loop3A_581], %parallel_loop3A_578 {strides = array<i32>} : memref<8x3072xf32, #tpu.memory_space<vmem>>, vector<16xf32>,
      } {sc.loop_unroll_factor = 8 : i64, sc.parallel_access}
      %parallel_loop3A_542 = arith.constant 0 : i32
      %parallel_loop3A_543 = arith.constant 192 : i32
      %parallel_loop3A_544 = arith.constant 1 : i32
      scf.for %parallel_loop3A_569 = %parallel_loop3A_542 to %parallel_loop3A_543 step %parallel_loop3A_544  : i32 {
        %parallel_loop3A_570 = arith.constant 16 : i32
        %parallel_loop3A_571 = arith.muli %parallel_loop3A_569, %parallel_loop3A_570 : i32
        %parallel_loop3A_572 = arith.constant 5 : i32
        %parallel_loop3A_573 = arith.index_cast %parallel_loop3A_572 : i32 to index
        %parallel_loop3A_574 = arith.index_cast %parallel_loop3A_571 : i32 to index
        %parallel_loop3A_575 = tpu.vector_load %arg8[%parallel_loop3A_573, %parallel_loop3A_574] {strides = array<i32>} : memref<8x3072xf32, #tpu.memory_space<vmem>>, vector<16xf32>,
        %parallel_loop3A_576 = arith.constant 6.400000e+01 : f32
        %parallel_loop3A_577 = vector.broadcast %parallel_loop3A_576 : f32 to vector<16xf32>
        %parallel_loop3A_578 = arith.mulf %parallel_loop3A_575, %parallel_loop3A_577 : vector<16xf32>
        %parallel_loop3A_579 = arith.constant 5 : i32
        %parallel_loop3A_580 = arith.index_cast %parallel_loop3A_579 : i32 to index
        %parallel_loop3A_581 = arith.index_cast %parallel_loop3A_571 : i32 to index
        %parallel_loop3A_582 = tpu.vector_load %arg8[%parallel_loop3A_580, %parallel_loop3A_581] {strides = array<i32>} : memref<8x3072xf32, #tpu.memory_space<vmem>>, vector<16xf32>,
        tpu.vector_store %arg8[%parallel_loop3A_580, %parallel_loop3A_581], %parallel_loop3A_578 {strides = array<i32>} : memref<8x3072xf32, #tpu.memory_space<vmem>>, vector<16xf32>,
      } {sc.loop_unroll_factor = 8 : i64, sc.parallel_access}
      %parallel_loop3A_545 = arith.constant 0 : i32
      %parallel_loop3A_546 = arith.constant 192 : i32
      %parallel_loop3A_547 = arith.constant 1 : i32
      scf.for %parallel_loop3A_569 = %parallel_loop3A_545 to %parallel_loop3A_546 step %parallel_loop3A_547  : i32 {
        %parallel_loop3A_570 = arith.constant 16 : i32
        %parallel_loop3A_571 = arith.muli %parallel_loop3A_569, %parallel_loop3A_570 : i32
        %parallel_loop3A_572 = arith.constant 6 : i32
        %parallel_loop3A_573 = arith.index_cast %parallel_loop3A_572 : i32 to index
        %parallel_loop3A_574 = arith.index_cast %parallel_loop3A_571 : i32 to index
        %parallel_loop3A_575 = tpu.vector_load %arg8[%parallel_loop3A_573, %parallel_loop3A_574] {strides = array<i32>} : memref<8x3072xf32, #tpu.memory_space<vmem>>, vector<16xf32>,
        %parallel_loop3A_576 = arith.constant 6.400000e+01 : f32
        %parallel_loop3A_577 = vector.broadcast %parallel_loop3A_576 : f32 to vector<16xf32>
        %parallel_loop3A_578 = arith.mulf %parallel_loop3A_575, %parallel_loop3A_577 : vector<16xf32>
        %parallel_loop3A_579 = arith.constant 6 : i32
        %parallel_loop3A_580 = arith.index_cast %parallel_loop3A_579 : i32 to index
        %parallel_loop3A_581 = arith.index_cast %parallel_loop3A_571 : i32 to index
        %parallel_loop3A_582 = tpu.vector_load %arg8[%parallel_loop3A_580, %parallel_loop3A_581] {strides = array<i32>} : memref<8x3072xf32, #tpu.memory_space<vmem>>, vector<16xf32>,
        tpu.vector_store %arg8[%parallel_loop3A_580, %parallel_loop3A_581], %parallel_loop3A_578 {strides = array<i32>} : memref<8x3072xf32, #tpu.memory_space<vmem>>, vector<16xf32>,
      } {sc.loop_unroll_factor = 8 : i64, sc.parallel_access}
      %parallel_loop3A_548 = arith.constant 0 : i32
      %parallel_loop3A_549 = arith.constant 192 : i32
      %parallel_loop3A_550 = arith.constant 1 : i32
      scf.for %parallel_loop3A_569 = %parallel_loop3A_548 to %parallel_loop3A_549 step %parallel_loop3A_550  : i32 {
        %parallel_loop3A_570 = arith.constant 16 : i32
        %parallel_loop3A_571 = arith.muli %parallel_loop3A_569, %parallel_loop3A_570 : i32
        %parallel_loop3A_572 = arith.constant 7 : i32
        %parallel_loop3A_573 = arith.index_cast %parallel_loop3A_572 : i32 to index
        %parallel_loop3A_574 = arith.index_cast %parallel_loop3A_571 : i32 to index
        %parallel_loop3A_575 = tpu.vector_load %arg8[%parallel_loop3A_573, %parallel_loop3A_574] {strides = array<i32>} : memref<8x3072xf32, #tpu.memory_space<vmem>>, vector<16xf32>,
        %parallel_loop3A_576 = arith.constant 6.400000e+01 : f32
        %parallel_loop3A_577 = vector.broadcast %parallel_loop3A_576 : f32 to vector<16xf32>
        %parallel_loop3A_578 = arith.mulf %parallel_loop3A_575, %parallel_loop3A_577 : vector<16xf32>
        %parallel_loop3A_579 = arith.constant 7 : i32
        %parallel_loop3A_580 = arith.index_cast %parallel_loop3A_579 : i32 to index
        %parallel_loop3A_581 = arith.index_cast %parallel_loop3A_571 : i32 to index
        %parallel_loop3A_582 = tpu.vector_load %arg8[%parallel_loop3A_580, %parallel_loop3A_581] {strides = array<i32>} : memref<8x3072xf32, #tpu.memory_space<vmem>>, vector<16xf32>,
        tpu.vector_store %arg8[%parallel_loop3A_580, %parallel_loop3A_581], %parallel_loop3A_578 {strides = array<i32>} : memref<8x3072xf32, #tpu.memory_space<vmem>>, vector<16xf32>,
      } {sc.loop_unroll_factor = 8 : i64, sc.parallel_access}
      %shift_right_arithmetic3A_551 = arith.constant 5 : i32
      %shift_right_arithmetic3A_552 = arith.shrsi %add3A_440, %shift_right_arithmetic3A_551 : i32
      %mul3A_553 = arith.constant 8 : i32
      %mul3A_554 = arith.muli %shift_right_arithmetic3A_552, %mul3A_553 : i32
      %add3A_555 = arith.addi %mul3A_2, %mul3A_554 : i32
      %and3A_556 = arith.constant 31 : i32
      %and3A_557 = arith.andi %add3A_440, %and3A_556 : i32
      %mul3A_558 = arith.constant 3072 : i32
      %mul3A_559 = arith.muli %and3A_557, %mul3A_558 : i32
      %dma_start3A_560 = tpu.memref_slice %arg4[%add3A_555, %mul3A_559] : memref<1024x100000xf32, #tpu.memory_space<hbm>> -> memref<8x3072xf32, #tpu.memory_space<hbm>>
      %dma_start3A_561 = tpu.memref_slice %arg4[%add3A_555, %mul3A_559] : memref<1024x100000xf32, #tpu.memory_space<hbm>> -> memref<8x3072xf32, #tpu.memory_space<hbm>>
      tpu.enqueue_dma source(%arg8 : memref<8x3072xf32, #tpu.memory_space<vmem>>) target(%dma_start3A_561 : memref<8x3072xf32, #tpu.memory_space<hbm>>) target_semaphore(%arg18 : memref<!tpu.dma_semaphore, #tpu.memory_space<semaphore_mem>>)
      %add3A_562 = arith.constant 2 : i32
      %add3A_563 = arith.addi %add3A_440, %add3A_562 : i32
      %lt3A_564 = arith.constant 128 : i32
      %lt3A_565 = arith.cmpi slt, %add3A_563, %lt3A_564 : i32
      %convert_element_type3A_566 = arith.extui %lt3A_565 : i1 to i32
      %cond3A_567 = arith.constant 0 : i32
      %cond3A_568 = arith.cmpi ne, %convert_element_type3A_566, %cond3A_567 : i32
      scf.if %cond3A_568 {
        %ge3A_569 = arith.constant 2 : i32
        %ge3A_570 = arith.cmpi sge, %add3A_440, %ge3A_569 : i32
        %convert_element_type3A_571 = arith.extui %ge3A_570 : i1 to i32
        %cond3A_572 = arith.constant 0 : i32
        %cond3A_573 = arith.cmpi ne, %convert_element_type3A_571, %cond3A_572 : i32
        scf.if %cond3A_573 {
          %sub3A_587 = arith.constant 2 : i32
          %sub3A_588 = arith.subi %add3A_440, %sub3A_587 : i32
          %shift_right_arithmetic3A_589 = arith.constant 5 : i32
          %shift_right_arithmetic3A_590 = arith.shrsi %sub3A_588, %shift_right_arithmetic3A_589 : i32
          %mul3A_591 = arith.constant 8 : i32
          %mul3A_592 = arith.muli %shift_right_arithmetic3A_590, %mul3A_591 : i32
          %add3A_593 = arith.addi %mul3A_2, %mul3A_592 : i32
          %and3A_594 = arith.constant 31 : i32
          %and3A_595 = arith.andi %sub3A_588, %and3A_594 : i32
          %mul3A_596 = arith.constant 3072 : i32
          %mul3A_597 = arith.muli %and3A_595, %mul3A_596 : i32
          %dma_wait3A_598 = tpu.memref_slice %arg4[%add3A_593, %mul3A_597] : memref<1024x100000xf32, #tpu.memory_space<hbm>> -> memref<8x3072xf32, #tpu.memory_space<hbm>>
          %dma_wait3A_599 = tpu.memref_slice %arg4[%add3A_593, %mul3A_597] : memref<1024x100000xf32, #tpu.memory_space<hbm>> -> memref<8x3072xf32, #tpu.memory_space<hbm>>
          tpu.wait_dma2 semaphore(%arg16 : memref<!tpu.dma_semaphore, #tpu.memory_space<semaphore_mem>>) src(%arg6 : memref<8x3072xf32, #tpu.memory_space<vmem>>) dst(%dma_wait3A_599 : memref<8x3072xf32, #tpu.memory_space<hbm>>)
        } else {
        }
        %add3A_574 = arith.constant 2 : i32
        %add3A_575 = arith.addi %add3A_440, %add3A_574 : i32
        %shift_right_arithmetic3A_576 = arith.constant 5 : i32
        %shift_right_arithmetic3A_577 = arith.shrsi %add3A_575, %shift_right_arithmetic3A_576 : i32
        %mul3A_578 = arith.constant 8 : i32
        %mul3A_579 = arith.muli %shift_right_arithmetic3A_577, %mul3A_578 : i32
        %add3A_580 = arith.addi %mul3A_2, %mul3A_579 : i32
        %and3A_581 = arith.constant 31 : i32
        %and3A_582 = arith.andi %add3A_575, %and3A_581 : i32
        %mul3A_583 = arith.constant 3072 : i32
        %mul3A_584 = arith.muli %and3A_582, %mul3A_583 : i32
        %dma_start3A_585 = tpu.memref_slice %arg2[%add3A_580, %mul3A_584] : memref<1024x100000xf32, #tpu.memory_space<hbm>> -> memref<8x3072xf32, #tpu.memory_space<hbm>>
        %dma_start3A_586 = tpu.memref_slice %arg2[%add3A_580, %mul3A_584] : memref<1024x100000xf32, #tpu.memory_space<hbm>> -> memref<8x3072xf32, #tpu.memory_space<hbm>>
        tpu.enqueue_dma source(%dma_start3A_586 : memref<8x3072xf32, #tpu.memory_space<hbm>>) target(%arg6 : memref<8x3072xf32, #tpu.memory_space<vmem>>) target_semaphore(%arg12 : memref<!tpu.dma_semaphore, #tpu.memory_space<semaphore_mem>>)
      } else {
      }
    }
    %scan3A_22 = arith.constant 32 : i32
    %add3A_23 = arith.constant 24 : i32
    %add3A_24 = arith.addi %mul3A_2, %add3A_23 : i32
    %dma_wait3A = arith.constant 86016 : i32
    %dma_wait3A_25 = tpu.memref_slice %arg4[%add3A_24, %dma_wait3A] : memref<1024x100000xf32, #tpu.memory_space<hbm>> -> memref<8x3072xf32, #tpu.memory_space<hbm>>
    %dma_wait3A_26 = arith.constant 86016 : i32
    %dma_wait3A_27 = tpu.memref_slice %arg4[%add3A_24, %dma_wait3A_26] : memref<1024x100000xf32, #tpu.memory_space<hbm>> -> memref<8x3072xf32, #tpu.memory_space<hbm>>
    tpu.wait_dma2 semaphore(%arg15 : memref<!tpu.dma_semaphore, #tpu.memory_space<semaphore_mem>>) src(%arg5 : memref<8x3072xf32, #tpu.memory_space<vmem>>) dst(%dma_wait3A_27 : memref<8x3072xf32, #tpu.memory_space<hbm>>)
    %add3A_28 = arith.constant 24 : i32
    %add3A_29 = arith.addi %mul3A_2, %add3A_28 : i32
    %dma_wait3A_30 = arith.constant 89088 : i32
    %dma_wait3A_31 = tpu.memref_slice %arg4[%add3A_29, %dma_wait3A_30] : memref<1024x100000xf32, #tpu.memory_space<hbm>> -> memref<8x3072xf32, #tpu.memory_space<hbm>>
    %dma_wait3A_32 = arith.constant 89088 : i32
    %dma_wait3A_33 = tpu.memref_slice %arg4[%add3A_29, %dma_wait3A_32] : memref<1024x100000xf32, #tpu.memory_space<hbm>> -> memref<8x3072xf32, #tpu.memory_space<hbm>>
    tpu.wait_dma2 semaphore(%arg16 : memref<!tpu.dma_semaphore, #tpu.memory_space<semaphore_mem>>) src(%arg6 : memref<8x3072xf32, #tpu.memory_space<vmem>>) dst(%dma_wait3A_33 : memref<8x3072xf32, #tpu.memory_space<hbm>>)
    %add3A_34 = arith.constant 24 : i32
    %add3A_35 = arith.addi %mul3A_2, %add3A_34 : i32
    %dma_wait3A_36 = arith.constant 92160 : i32
    %dma_wait3A_37 = tpu.memref_slice %arg4[%add3A_35, %dma_wait3A_36] : memref<1024x100000xf32, #tpu.memory_space<hbm>> -> memref<8x3072xf32, #tpu.memory_space<hbm>>
    %dma_wait3A_38 = arith.constant 92160 : i32
    %dma_wait3A_39 = tpu.memref_slice %arg4[%add3A_35, %dma_wait3A_38] : memref<1024x100000xf32, #tpu.memory_space<hbm>> -> memref<8x3072xf32, #tpu.memory_space<hbm>>
    tpu.wait_dma2 semaphore(%arg17 : memref<!tpu.dma_semaphore, #tpu.memory_space<semaphore_mem>>) src(%arg7 : memref<8x3072xf32, #tpu.memory_space<vmem>>) dst(%dma_wait3A_39 : memref<8x3072xf32, #tpu.memory_space<hbm>>)
    %add3A_40 = arith.constant 24 : i32
    %add3A_41 = arith.addi %mul3A_2, %add3A_40 : i32
    %dma_wait3A_42 = arith.constant 95232 : i32
    %dma_wait3A_43 = tpu.memref_slice %arg4[%add3A_41, %dma_wait3A_42] : memref<1024x100000xf32, #tpu.memory_space<hbm>> -> memref<8x3072xf32, #tpu.memory_space<hbm>>
    %dma_wait3A_44 = arith.constant 95232 : i32
    %dma_wait3A_45 = tpu.memref_slice %arg4[%add3A_41, %dma_wait3A_44] : memref<1024x100000xf32, #tpu.memory_space<hbm>> -> memref<8x3072xf32, #tpu.memory_space<hbm>>
    tpu.wait_dma2 semaphore(%arg18 : memref<!tpu.dma_semaphore, #tpu.memory_space<semaphore_mem>>) src(%arg8 : memref<8x3072xf32, #tpu.memory_space<vmem>>) dst(%dma_wait3A_45 : memref<8x3072xf32, #tpu.memory_space<hbm>>)
    %scan3A_46 = arith.constant 0 : i32
    %scan3A_47 = arith.constant 0 : i32
    %scan3A_48 = arith.constant 4 : i32
    %scan3A_49 = arith.addi %scan3A_47, %scan3A_48 : i32
    %scan3A_50 = arith.constant 1 : i32
    scf.for %scan3A_52 = %scan3A_47 to %scan3A_49 step %scan3A_50  : i32 {
      %mul3A_53 = arith.constant 8 : i32
      %mul3A_54 = arith.muli %scan3A_52, %mul3A_53 : i32
      %add3A_55 = arith.addi %mul3A_2, %mul3A_54 : i32
      "tpu.region"() ({
        %run_scoped3A = tpu.sem_alloc : memref<!tpu.dma_semaphore, #tpu.memory_space<semaphore_mem>>
        %dma_start3A_140 = arith.constant 98304 : i32
        %dma_start3A_141 = tpu.memref_slice %arg2[%add3A_55, %dma_start3A_140] : memref<1024x100000xf32, #tpu.memory_space<hbm>> -> memref<8x1696xf32, #tpu.memory_space<hbm>>
        %dma_start3A_142 = arith.constant 98304 : i32
        %dma_start3A_143 = tpu.memref_slice %arg2[%add3A_55, %dma_start3A_142] : memref<1024x100000xf32, #tpu.memory_space<hbm>> -> memref<8x1696xf32, #tpu.memory_space<hbm>>
        tpu.enqueue_dma source(%dma_start3A_143 : memref<8x1696xf32, #tpu.memory_space<hbm>>) target(%arg9 : memref<8x1696xf32, #tpu.memory_space<vmem>>) target_semaphore(%run_scoped3A : memref<!tpu.dma_semaphore, #tpu.memory_space<semaphore_mem>>)
        %dma_wait3A_144 = arith.constant 98304 : i32
        %dma_wait3A_145 = tpu.memref_slice %arg2[%add3A_55, %dma_wait3A_144] : memref<1024x100000xf32, #tpu.memory_space<hbm>> -> memref<8x1696xf32, #tpu.memory_space<hbm>>
        %dma_wait3A_146 = arith.constant 98304 : i32
        %dma_wait3A_147 = tpu.memref_slice %arg2[%add3A_55, %dma_wait3A_146] : memref<1024x100000xf32, #tpu.memory_space<hbm>> -> memref<8x1696xf32, #tpu.memory_space<hbm>>
        tpu.wait_dma2 semaphore(%run_scoped3A : memref<!tpu.dma_semaphore, #tpu.memory_space<semaphore_mem>>) src(%dma_wait3A_147 : memref<8x1696xf32, #tpu.memory_space<hbm>>) dst(%arg9 : memref<8x1696xf32, #tpu.memory_space<vmem>>)
        tpu.yield
      }) : () -> ()
      %mul3A_56 = arith.constant 8 : i32
      %mul3A_57 = arith.muli %scan3A_52, %mul3A_56 : i32
      %add3A_58 = vector.broadcast %mul3A_57 : i32 to vector<16xi32>
      %add3A_59 = arith.addi %add3A_58, %and3A_4 : vector<16xi32>
      %gather3A = tpu.vector_load_idx %arg10[%add3A_59] : memref<32xi32, #tpu.memory_space<vmem>>[vector<16xi32>], vector<16xi32>,
      %sub3A = arith.constant 98304 : i32
      %sub3A_60 = vector.broadcast %sub3A : i32 to vector<16xi32>
      %sub3A_61 = arith.subi %gather3A, %sub3A_60 : vector<16xi32>
      %ge3A = arith.constant 0 : i32
      %ge3A_62 = vector.broadcast %ge3A : i32 to vector<16xi32>
      %ge3A_63 = arith.cmpi sge, %sub3A_61, %ge3A_62 : vector<16xi32>
      %lt3A_64 = arith.constant 1696 : i32
      %lt3A_65 = vector.broadcast %lt3A_64 : i32 to vector<16xi32>
      %lt3A_66 = arith.cmpi slt, %sub3A_61, %lt3A_65 : vector<16xi32>
      %and3A_67 = arith.andi %ge3A_63, %lt3A_66 : vector<16xi1>
      %and3A_68 = arith.andi %and3A_67, %lt3A_6 : vector<16xi1>
      %jit3A = arith.constant 0 : i32
      %broadcast_in_dim3A = vector.broadcast %jit3A : i32 to vector<16xi32>
      %select_n3A = arith.select %and3A_68, %sub3A_61, %broadcast_in_dim3A : vector<16xi1>, vector<16xi32>
      %gather3A_69 = tpu.vector_load_idx %arg9[%and3A_4, %select_n3A] masked %and3A_68 : memref<8x1696xf32, #tpu.memory_space<vmem>>[vector<16xi32>, vector<16xi32>], vector<16xf32>, vector<16xi1>
      %mul3A_70 = arith.constant 0.87758255 : f32
      %mul3A_71 = vector.broadcast %mul3A_70 : f32 to vector<16xf32>
      %mul3A_72 = arith.mulf %gather3A_69, %mul3A_71 : vector<16xf32>
      %mul3A_73 = arith.mulf %gather3A_69, %gather3A_69 : vector<16xf32>
      %sub3A_74 = arith.constant 1.000000e+00 : f32
      %sub3A_75 = vector.broadcast %sub3A_74 : f32 to vector<16xf32>
      %sub3A_76 = arith.subf %sub3A_75, %mul3A_73 : vector<16xf32>
      %max3A = arith.constant 0.000000e+00 : f32
      %max3A_77 = vector.broadcast %max3A : f32 to vector<16xf32>
      %max3A_78 = arith.maximumf %sub3A_76, %max3A_77 : vector<16xf32>
      %bitcast3A = vector.bitcast %max3A_78 : vector<16xf32> to vector<16xi32>
      %shift_right_arithmetic3A = arith.constant 1 : i32
      %shift_right_arithmetic3A_79 = vector.broadcast %shift_right_arithmetic3A : i32 to vector<16xi32>
      %shift_right_arithmetic3A_80 = arith.shrsi %bitcast3A, %shift_right_arithmetic3A_79 : vector<16xi32>
      %sub3A_81 = arith.constant 1597463007 : i32
      %sub3A_82 = vector.broadcast %sub3A_81 : i32 to vector<16xi32>
      %sub3A_83 = arith.subi %sub3A_82, %shift_right_arithmetic3A_80 : vector<16xi32>
      %bitcast3A_84 = vector.bitcast %sub3A_83 : vector<16xi32> to vector<16xf32>
      %mul3A_85 = arith.constant 5.000000e-01 : f32
      %mul3A_86 = vector.broadcast %mul3A_85 : f32 to vector<16xf32>
      %mul3A_87 = arith.mulf %mul3A_86, %max3A_78 : vector<16xf32>
      %mul3A_88 = arith.mulf %mul3A_87, %bitcast3A_84 : vector<16xf32>
      %mul3A_89 = arith.mulf %mul3A_88, %bitcast3A_84 : vector<16xf32>
      %sub3A_90 = arith.constant 1.500000e+00 : f32
      %sub3A_91 = vector.broadcast %sub3A_90 : f32 to vector<16xf32>
      %sub3A_92 = arith.subf %sub3A_91, %mul3A_89 : vector<16xf32>
      %mul3A_93 = arith.mulf %bitcast3A_84, %sub3A_92 : vector<16xf32>
      %mul3A_94 = arith.constant 5.000000e-01 : f32
      %mul3A_95 = vector.broadcast %mul3A_94 : f32 to vector<16xf32>
      %mul3A_96 = arith.mulf %mul3A_95, %max3A_78 : vector<16xf32>
      %mul3A_97 = arith.mulf %mul3A_96, %mul3A_93 : vector<16xf32>
      %mul3A_98 = arith.mulf %mul3A_97, %mul3A_93 : vector<16xf32>
      %sub3A_99 = arith.constant 1.500000e+00 : f32
      %sub3A_100 = vector.broadcast %sub3A_99 : f32 to vector<16xf32>
      %sub3A_101 = arith.subf %sub3A_100, %mul3A_98 : vector<16xf32>
      %mul3A_102 = arith.mulf %mul3A_93, %sub3A_101 : vector<16xf32>
      %mul3A_103 = arith.constant 5.000000e-01 : f32
      %mul3A_104 = vector.broadcast %mul3A_103 : f32 to vector<16xf32>
      %mul3A_105 = arith.mulf %mul3A_104, %max3A_78 : vector<16xf32>
      %mul3A_106 = arith.mulf %mul3A_105, %mul3A_102 : vector<16xf32>
      %mul3A_107 = arith.mulf %mul3A_106, %mul3A_102 : vector<16xf32>
      %sub3A_108 = arith.constant 1.500000e+00 : f32
      %sub3A_109 = vector.broadcast %sub3A_108 : f32 to vector<16xf32>
      %sub3A_110 = arith.subf %sub3A_109, %mul3A_107 : vector<16xf32>
      %mul3A_111 = arith.mulf %mul3A_102, %sub3A_110 : vector<16xf32>
      %mul3A_112 = arith.mulf %max3A_78, %mul3A_111 : vector<16xf32>
      %mul3A_113 = arith.constant 0.47942555 : f32
      %mul3A_114 = vector.broadcast %mul3A_113 : f32 to vector<16xf32>
      %mul3A_115 = arith.mulf %mul3A_112, %mul3A_114 : vector<16xf32>
      %sub3A_116 = arith.subf %mul3A_72, %mul3A_115 : vector<16xf32>
      tpu.vector_store_idx %arg9[%and3A_4, %select_n3A], %sub3A_116 masked %and3A_68 : memref<8x1696xf32, #tpu.memory_space<vmem>>[vector<16xi32>, vector<16xi32>], vector<16xf32>, vector<16xi1>
      %parallel_loop3A = arith.constant 0 : i32
      %parallel_loop3A_117 = arith.constant 106 : i32
      %parallel_loop3A_118 = arith.constant 1 : i32
      scf.for %parallel_loop3A_140 = %parallel_loop3A to %parallel_loop3A_117 step %parallel_loop3A_118  : i32 {
        %parallel_loop3A_141 = arith.constant 16 : i32
        %parallel_loop3A_142 = arith.muli %parallel_loop3A_140, %parallel_loop3A_141 : i32
        %parallel_loop3A_143 = arith.constant 0 : i32
        %parallel_loop3A_144 = arith.index_cast %parallel_loop3A_143 : i32 to index
        %parallel_loop3A_145 = arith.index_cast %parallel_loop3A_142 : i32 to index
        %parallel_loop3A_146 = tpu.vector_load %arg9[%parallel_loop3A_144, %parallel_loop3A_145] {strides = array<i32>} : memref<8x1696xf32, #tpu.memory_space<vmem>>, vector<16xf32>,
        %parallel_loop3A_147 = arith.constant 6.400000e+01 : f32
        %parallel_loop3A_148 = vector.broadcast %parallel_loop3A_147 : f32 to vector<16xf32>
        %parallel_loop3A_149 = arith.mulf %parallel_loop3A_146, %parallel_loop3A_148 : vector<16xf32>
        %parallel_loop3A_150 = arith.constant 0 : i32
        %parallel_loop3A_151 = arith.index_cast %parallel_loop3A_150 : i32 to index
        %parallel_loop3A_152 = arith.index_cast %parallel_loop3A_142 : i32 to index
        %parallel_loop3A_153 = tpu.vector_load %arg9[%parallel_loop3A_151, %parallel_loop3A_152] {strides = array<i32>} : memref<8x1696xf32, #tpu.memory_space<vmem>>, vector<16xf32>,
        tpu.vector_store %arg9[%parallel_loop3A_151, %parallel_loop3A_152], %parallel_loop3A_149 {strides = array<i32>} : memref<8x1696xf32, #tpu.memory_space<vmem>>, vector<16xf32>,
      } {sc.loop_unroll_factor = 2 : i64, sc.parallel_access}
      %parallel_loop3A_119 = arith.constant 0 : i32
      %parallel_loop3A_120 = arith.constant 106 : i32
      %parallel_loop3A_121 = arith.constant 1 : i32
      scf.for %parallel_loop3A_140 = %parallel_loop3A_119 to %parallel_loop3A_120 step %parallel_loop3A_121  : i32 {
        %parallel_loop3A_141 = arith.constant 16 : i32
        %parallel_loop3A_142 = arith.muli %parallel_loop3A_140, %parallel_loop3A_141 : i32
        %parallel_loop3A_143 = arith.constant 1 : i32
        %parallel_loop3A_144 = arith.index_cast %parallel_loop3A_143 : i32 to index
        %parallel_loop3A_145 = arith.index_cast %parallel_loop3A_142 : i32 to index
        %parallel_loop3A_146 = tpu.vector_load %arg9[%parallel_loop3A_144, %parallel_loop3A_145] {strides = array<i32>} : memref<8x1696xf32, #tpu.memory_space<vmem>>, vector<16xf32>,
        %parallel_loop3A_147 = arith.constant 6.400000e+01 : f32
        %parallel_loop3A_148 = vector.broadcast %parallel_loop3A_147 : f32 to vector<16xf32>
        %parallel_loop3A_149 = arith.mulf %parallel_loop3A_146, %parallel_loop3A_148 : vector<16xf32>
        %parallel_loop3A_150 = arith.constant 1 : i32
        %parallel_loop3A_151 = arith.index_cast %parallel_loop3A_150 : i32 to index
        %parallel_loop3A_152 = arith.index_cast %parallel_loop3A_142 : i32 to index
        %parallel_loop3A_153 = tpu.vector_load %arg9[%parallel_loop3A_151, %parallel_loop3A_152] {strides = array<i32>} : memref<8x1696xf32, #tpu.memory_space<vmem>>, vector<16xf32>,
        tpu.vector_store %arg9[%parallel_loop3A_151, %parallel_loop3A_152], %parallel_loop3A_149 {strides = array<i32>} : memref<8x1696xf32, #tpu.memory_space<vmem>>, vector<16xf32>,
      } {sc.loop_unroll_factor = 2 : i64, sc.parallel_access}
      %parallel_loop3A_122 = arith.constant 0 : i32
      %parallel_loop3A_123 = arith.constant 106 : i32
      %parallel_loop3A_124 = arith.constant 1 : i32
      scf.for %parallel_loop3A_140 = %parallel_loop3A_122 to %parallel_loop3A_123 step %parallel_loop3A_124  : i32 {
        %parallel_loop3A_141 = arith.constant 16 : i32
        %parallel_loop3A_142 = arith.muli %parallel_loop3A_140, %parallel_loop3A_141 : i32
        %parallel_loop3A_143 = arith.constant 2 : i32
        %parallel_loop3A_144 = arith.index_cast %parallel_loop3A_143 : i32 to index
        %parallel_loop3A_145 = arith.index_cast %parallel_loop3A_142 : i32 to index
        %parallel_loop3A_146 = tpu.vector_load %arg9[%parallel_loop3A_144, %parallel_loop3A_145] {strides = array<i32>} : memref<8x1696xf32, #tpu.memory_space<vmem>>, vector<16xf32>,
        %parallel_loop3A_147 = arith.constant 6.400000e+01 : f32
        %parallel_loop3A_148 = vector.broadcast %parallel_loop3A_147 : f32 to vector<16xf32>
        %parallel_loop3A_149 = arith.mulf %parallel_loop3A_146, %parallel_loop3A_148 : vector<16xf32>
        %parallel_loop3A_150 = arith.constant 2 : i32
        %parallel_loop3A_151 = arith.index_cast %parallel_loop3A_150 : i32 to index
        %parallel_loop3A_152 = arith.index_cast %parallel_loop3A_142 : i32 to index
        %parallel_loop3A_153 = tpu.vector_load %arg9[%parallel_loop3A_151, %parallel_loop3A_152] {strides = array<i32>} : memref<8x1696xf32, #tpu.memory_space<vmem>>, vector<16xf32>,
        tpu.vector_store %arg9[%parallel_loop3A_151, %parallel_loop3A_152], %parallel_loop3A_149 {strides = array<i32>} : memref<8x1696xf32, #tpu.memory_space<vmem>>, vector<16xf32>,
      } {sc.loop_unroll_factor = 2 : i64, sc.parallel_access}
      %parallel_loop3A_125 = arith.constant 0 : i32
      %parallel_loop3A_126 = arith.constant 106 : i32
      %parallel_loop3A_127 = arith.constant 1 : i32
      scf.for %parallel_loop3A_140 = %parallel_loop3A_125 to %parallel_loop3A_126 step %parallel_loop3A_127  : i32 {
        %parallel_loop3A_141 = arith.constant 16 : i32
        %parallel_loop3A_142 = arith.muli %parallel_loop3A_140, %parallel_loop3A_141 : i32
        %parallel_loop3A_143 = arith.constant 3 : i32
        %parallel_loop3A_144 = arith.index_cast %parallel_loop3A_143 : i32 to index
        %parallel_loop3A_145 = arith.index_cast %parallel_loop3A_142 : i32 to index
        %parallel_loop3A_146 = tpu.vector_load %arg9[%parallel_loop3A_144, %parallel_loop3A_145] {strides = array<i32>} : memref<8x1696xf32, #tpu.memory_space<vmem>>, vector<16xf32>,
        %parallel_loop3A_147 = arith.constant 6.400000e+01 : f32
        %parallel_loop3A_148 = vector.broadcast %parallel_loop3A_147 : f32 to vector<16xf32>
        %parallel_loop3A_149 = arith.mulf %parallel_loop3A_146, %parallel_loop3A_148 : vector<16xf32>
        %parallel_loop3A_150 = arith.constant 3 : i32
        %parallel_loop3A_151 = arith.index_cast %parallel_loop3A_150 : i32 to index
        %parallel_loop3A_152 = arith.index_cast %parallel_loop3A_142 : i32 to index
        %parallel_loop3A_153 = tpu.vector_load %arg9[%parallel_loop3A_151, %parallel_loop3A_152] {strides = array<i32>} : memref<8x1696xf32, #tpu.memory_space<vmem>>, vector<16xf32>,
        tpu.vector_store %arg9[%parallel_loop3A_151, %parallel_loop3A_152], %parallel_loop3A_149 {strides = array<i32>} : memref<8x1696xf32, #tpu.memory_space<vmem>>, vector<16xf32>,
      } {sc.loop_unroll_factor = 2 : i64, sc.parallel_access}
      %parallel_loop3A_128 = arith.constant 0 : i32
      %parallel_loop3A_129 = arith.constant 106 : i32
      %parallel_loop3A_130 = arith.constant 1 : i32
      scf.for %parallel_loop3A_140 = %parallel_loop3A_128 to %parallel_loop3A_129 step %parallel_loop3A_130  : i32 {
        %parallel_loop3A_141 = arith.constant 16 : i32
        %parallel_loop3A_142 = arith.muli %parallel_loop3A_140, %parallel_loop3A_141 : i32
        %parallel_loop3A_143 = arith.constant 4 : i32
        %parallel_loop3A_144 = arith.index_cast %parallel_loop3A_143 : i32 to index
        %parallel_loop3A_145 = arith.index_cast %parallel_loop3A_142 : i32 to index
        %parallel_loop3A_146 = tpu.vector_load %arg9[%parallel_loop3A_144, %parallel_loop3A_145] {strides = array<i32>} : memref<8x1696xf32, #tpu.memory_space<vmem>>, vector<16xf32>,
        %parallel_loop3A_147 = arith.constant 6.400000e+01 : f32
        %parallel_loop3A_148 = vector.broadcast %parallel_loop3A_147 : f32 to vector<16xf32>
        %parallel_loop3A_149 = arith.mulf %parallel_loop3A_146, %parallel_loop3A_148 : vector<16xf32>
        %parallel_loop3A_150 = arith.constant 4 : i32
        %parallel_loop3A_151 = arith.index_cast %parallel_loop3A_150 : i32 to index
        %parallel_loop3A_152 = arith.index_cast %parallel_loop3A_142 : i32 to index
        %parallel_loop3A_153 = tpu.vector_load %arg9[%parallel_loop3A_151, %parallel_loop3A_152] {strides = array<i32>} : memref<8x1696xf32, #tpu.memory_space<vmem>>, vector<16xf32>,
        tpu.vector_store %arg9[%parallel_loop3A_151, %parallel_loop3A_152], %parallel_loop3A_149 {strides = array<i32>} : memref<8x1696xf32, #tpu.memory_space<vmem>>, vector<16xf32>,
      } {sc.loop_unroll_factor = 2 : i64, sc.parallel_access}
      %parallel_loop3A_131 = arith.constant 0 : i32
      %parallel_loop3A_132 = arith.constant 106 : i32
      %parallel_loop3A_133 = arith.constant 1 : i32
      scf.for %parallel_loop3A_140 = %parallel_loop3A_131 to %parallel_loop3A_132 step %parallel_loop3A_133  : i32 {
        %parallel_loop3A_141 = arith.constant 16 : i32
        %parallel_loop3A_142 = arith.muli %parallel_loop3A_140, %parallel_loop3A_141 : i32
        %parallel_loop3A_143 = arith.constant 5 : i32
        %parallel_loop3A_144 = arith.index_cast %parallel_loop3A_143 : i32 to index
        %parallel_loop3A_145 = arith.index_cast %parallel_loop3A_142 : i32 to index
        %parallel_loop3A_146 = tpu.vector_load %arg9[%parallel_loop3A_144, %parallel_loop3A_145] {strides = array<i32>} : memref<8x1696xf32, #tpu.memory_space<vmem>>, vector<16xf32>,
        %parallel_loop3A_147 = arith.constant 6.400000e+01 : f32
        %parallel_loop3A_148 = vector.broadcast %parallel_loop3A_147 : f32 to vector<16xf32>
        %parallel_loop3A_149 = arith.mulf %parallel_loop3A_146, %parallel_loop3A_148 : vector<16xf32>
        %parallel_loop3A_150 = arith.constant 5 : i32
        %parallel_loop3A_151 = arith.index_cast %parallel_loop3A_150 : i32 to index
        %parallel_loop3A_152 = arith.index_cast %parallel_loop3A_142 : i32 to index
        %parallel_loop3A_153 = tpu.vector_load %arg9[%parallel_loop3A_151, %parallel_loop3A_152] {strides = array<i32>} : memref<8x1696xf32, #tpu.memory_space<vmem>>, vector<16xf32>,
        tpu.vector_store %arg9[%parallel_loop3A_151, %parallel_loop3A_152], %parallel_loop3A_149 {strides = array<i32>} : memref<8x1696xf32, #tpu.memory_space<vmem>>, vector<16xf32>,
      } {sc.loop_unroll_factor = 2 : i64, sc.parallel_access}
      %parallel_loop3A_134 = arith.constant 0 : i32
      %parallel_loop3A_135 = arith.constant 106 : i32
      %parallel_loop3A_136 = arith.constant 1 : i32
      scf.for %parallel_loop3A_140 = %parallel_loop3A_134 to %parallel_loop3A_135 step %parallel_loop3A_136  : i32 {
        %parallel_loop3A_141 = arith.constant 16 : i32
        %parallel_loop3A_142 = arith.muli %parallel_loop3A_140, %parallel_loop3A_141 : i32
        %parallel_loop3A_143 = arith.constant 6 : i32
        %parallel_loop3A_144 = arith.index_cast %parallel_loop3A_143 : i32 to index
        %parallel_loop3A_145 = arith.index_cast %parallel_loop3A_142 : i32 to index
        %parallel_loop3A_146 = tpu.vector_load %arg9[%parallel_loop3A_144, %parallel_loop3A_145] {strides = array<i32>} : memref<8x1696xf32, #tpu.memory_space<vmem>>, vector<16xf32>,
        %parallel_loop3A_147 = arith.constant 6.400000e+01 : f32
        %parallel_loop3A_148 = vector.broadcast %parallel_loop3A_147 : f32 to vector<16xf32>
        %parallel_loop3A_149 = arith.mulf %parallel_loop3A_146, %parallel_loop3A_148 : vector<16xf32>
        %parallel_loop3A_150 = arith.constant 6 : i32
        %parallel_loop3A_151 = arith.index_cast %parallel_loop3A_150 : i32 to index
        %parallel_loop3A_152 = arith.index_cast %parallel_loop3A_142 : i32 to index
        %parallel_loop3A_153 = tpu.vector_load %arg9[%parallel_loop3A_151, %parallel_loop3A_152] {strides = array<i32>} : memref<8x1696xf32, #tpu.memory_space<vmem>>, vector<16xf32>,
        tpu.vector_store %arg9[%parallel_loop3A_151, %parallel_loop3A_152], %parallel_loop3A_149 {strides = array<i32>} : memref<8x1696xf32, #tpu.memory_space<vmem>>, vector<16xf32>,
      } {sc.loop_unroll_factor = 2 : i64, sc.parallel_access}
      %parallel_loop3A_137 = arith.constant 0 : i32
      %parallel_loop3A_138 = arith.constant 106 : i32
      %parallel_loop3A_139 = arith.constant 1 : i32
      scf.for %parallel_loop3A_140 = %parallel_loop3A_137 to %parallel_loop3A_138 step %parallel_loop3A_139  : i32 {
        %parallel_loop3A_141 = arith.constant 16 : i32
        %parallel_loop3A_142 = arith.muli %parallel_loop3A_140, %parallel_loop3A_141 : i32
        %parallel_loop3A_143 = arith.constant 7 : i32
        %parallel_loop3A_144 = arith.index_cast %parallel_loop3A_143 : i32 to index
        %parallel_loop3A_145 = arith.index_cast %parallel_loop3A_142 : i32 to index
        %parallel_loop3A_146 = tpu.vector_load %arg9[%parallel_loop3A_144, %parallel_loop3A_145] {strides = array<i32>} : memref<8x1696xf32, #tpu.memory_space<vmem>>, vector<16xf32>,
        %parallel_loop3A_147 = arith.constant 6.400000e+01 : f32
        %parallel_loop3A_148 = vector.broadcast %parallel_loop3A_147 : f32 to vector<16xf32>
        %parallel_loop3A_149 = arith.mulf %parallel_loop3A_146, %parallel_loop3A_148 : vector<16xf32>
        %parallel_loop3A_150 = arith.constant 7 : i32
        %parallel_loop3A_151 = arith.index_cast %parallel_loop3A_150 : i32 to index
        %parallel_loop3A_152 = arith.index_cast %parallel_loop3A_142 : i32 to index
        %parallel_loop3A_153 = tpu.vector_load %arg9[%parallel_loop3A_151, %parallel_loop3A_152] {strides = array<i32>} : memref<8x1696xf32, #tpu.memory_space<vmem>>, vector<16xf32>,
        tpu.vector_store %arg9[%parallel_loop3A_151, %parallel_loop3A_152], %parallel_loop3A_149 {strides = array<i32>} : memref<8x1696xf32, #tpu.memory_space<vmem>>, vector<16xf32>,
      } {sc.loop_unroll_factor = 2 : i64, sc.parallel_access}
      "tpu.region"() ({
        %run_scoped3A = tpu.sem_alloc : memref<!tpu.dma_semaphore, #tpu.memory_space<semaphore_mem>>
        %dma_start3A_140 = arith.constant 98304 : i32
        %dma_start3A_141 = tpu.memref_slice %arg4[%add3A_55, %dma_start3A_140] : memref<1024x100000xf32, #tpu.memory_space<hbm>> -> memref<8x1696xf32, #tpu.memory_space<hbm>>
        %dma_start3A_142 = arith.constant 98304 : i32
        %dma_start3A_143 = tpu.memref_slice %arg4[%add3A_55, %dma_start3A_142] : memref<1024x100000xf32, #tpu.memory_space<hbm>> -> memref<8x1696xf32, #tpu.memory_space<hbm>>
        tpu.enqueue_dma source(%arg9 : memref<8x1696xf32, #tpu.memory_space<vmem>>) target(%dma_start3A_143 : memref<8x1696xf32, #tpu.memory_space<hbm>>) target_semaphore(%run_scoped3A : memref<!tpu.dma_semaphore, #tpu.memory_space<semaphore_mem>>)
        %dma_wait3A_144 = arith.constant 98304 : i32
        %dma_wait3A_145 = tpu.memref_slice %arg4[%add3A_55, %dma_wait3A_144] : memref<1024x100000xf32, #tpu.memory_space<hbm>> -> memref<8x1696xf32, #tpu.memory_space<hbm>>
        %dma_wait3A_146 = arith.constant 98304 : i32
        %dma_wait3A_147 = tpu.memref_slice %arg4[%add3A_55, %dma_wait3A_146] : memref<1024x100000xf32, #tpu.memory_space<hbm>> -> memref<8x1696xf32, #tpu.memory_space<hbm>>
        tpu.wait_dma2 semaphore(%run_scoped3A : memref<!tpu.dma_semaphore, #tpu.memory_space<semaphore_mem>>) src(%arg9 : memref<8x1696xf32, #tpu.memory_space<vmem>>) dst(%dma_wait3A_147 : memref<8x1696xf32, #tpu.memory_space<hbm>>)
        tpu.yield
      }) : () -> ()
    }
    %scan3A_51 = arith.constant 4 : i32
    return
  }
}

</mosaic_0001>

<sc_bundles>
// kernel: kernel.3.cloned.1.call-start
scs
__scs_entry_jumppad:
0x0: {  	(pc) =	sbr.rel $0x88, $3  }
0x1: {  	(tag) =	ssettag $0x0;
	lr =	simm.s32 $0x1  }
0x2: {  	[smem:$0x3F9F] =	sst lr;
	_ =	strace $0xD0000000  }
0x3: {  	_ = 	snop  }
0x4: {  	_ = 	snop  }
0x5: {  	_ = 	snop  }
0x6: {  	_ = 	snop  }
0x7: {  	_ = 	snop  }
__scs_overlays_trampoline_lowered:
0x8: {  	[smem:$0x3FAE] =	sst s0  }
0x9: {  	[smem:$0x3FAF] =	sst s1  }
0xa: {  	[smem:$0x3FB0] =	sst s2  }
0xb: {  	[smem:$0x3FB1] =	sst s3  }
0xc: {  	[smem:$0x3FB2] =	sst s4  }
0xd: {  	[smem:$0x3FB3] =	sst s5  }
0xe: {  	[smem:$0x3FB4] =	sst s6  }
0xf: {  	[smem:$0x3FB5] =	sst s7  }
0x10: {  	[smem:$0x3FB6] =	sst s8  }
0x11: {  	[smem:$0x3FB7] =	sst s9;
	s0 =	simm.s32 @!p0 $0x0  }
0x12: {  	s1 =	sld [smem:$0x3F9D];
	s0 =	simm.s32 @p0 $0x1  }
0x13: {  	[smem:$0x3FB8] =	sst s0;
	s0 =	simm.s32 @!p1 $0x0  }
0x14: {  	s2 =	sld [smem:$0x3F9C];
	s0 =	simm.s32 @p1 $0x1  }
0x15: {  	[smem:$0x3FB9] =	sst s0;
	s0 =	simm.s32 @!p2 $0x0  }
0x16: {  	s3 =	sld [smem:$0x3FDB];
	s0 =	simm.s32 @p2 $0x1  }
0x17: {  	s4 =	simm.s32 $0x1BF5;
	[smem:$0x3FBB] =	sst s0  }
0x18: {  	s0 =	sld [smem:$0x3F9E];
	_ =	swait.ge [sflag:s4], $0x0  }
0x19: {  	s7 =	sld [smem:$0x3F9F]  }
0x1a: {  	s8 =	sadd.s32 $0xFFFFE003, lr  }
0x1b: {  	s9 =	sadd.s32 $0xFFFFFEF7, lr;
	s5 =	simm.s32 $0xFFFFFFFF;
	p2 =	slt.u32 s8, $0xFFFFF086  }
0x1c: {  	p1 =	slt.u32 s9, $0xF7A;
	s5 =	simm.s32 @!p2 $0x0  }
0x1d: {  	s5 =	simm.s32 @p1 $0x1;
	p0 =	seq.s32 s7, s2  }
0x1e: {  	s7 =	smul.u32 @!p0 $0xF7A, s2;
	p2 =	seq.s32 @!p0 s5, $0x0  }
0x1f: {  	s9 =	smul.u32 $0xF7A, s1;
	s8 =	simm.s32 @!p0 $0x1BF5;
	p2 =	por !p2, p0  }
0x20: {  	[sflag:s8] =	ssyncset.s32 @!p0 $0xFFFFF086;
	s6 =	sadd.s32 @!p0 s3, s7;
	s7 =	simm.s32 @!p0 $0x108  }
0x21: {  	s3 =	sadd.s32 s3, s9;
	s6 =	sadd.s32 @!p0 $0x88, s6;
	s7 =	simm.s32 @p2 $0x1082  }
0x22: {  	[simem:s7], [sflag:s8] =	dma.local @!p0 [hbm:s6], $0xF7A  }
0x23: {  	s9 =	sor.u32 $0xD0000000, s2;
	s6 =	simm.s32 $0x108;
	_ =	swait.ge @!p0 [sflag:s8], $0x0  }
0x24: {  	s3 =	sadd.s32 $0x88, s3;
	s6 =	simm.s32 @!p1 $0x1082;
	[sflag:s4] =	ssyncset.s32 $0xFFFFF086  }
0x25: {  	[simem:s6], [sflag:s4] =	dma.local [hbm:s3], $0xF7A  }
0x26: {  	[smem:$0x3F9F] =	sst s1;
	(tag) =	ssettag s2;
	_ =	strace s9  }
0x27: {  	s1 =	sld [smem:$0x3FAF]  }
0x28: {  	s2 =	sld [smem:$0x3FB0]  }
0x29: {  	s4 =	sld [smem:$0x3FB2]  }
0x2a: {  	p0 =	seq.s32 s5, $0x0;
	s5 =	sld [smem:$0x3FB3]  }
0x2b: {  	s6 =	sld [smem:$0x3FB4]  }
0x2c: {  	s7 =	sld [smem:$0x3FB5]  }
0x2d: {  	s3 =	simm.s32 $0x108;
	s8 =	sld [smem:$0x3FB6]  }
0x2e: {  	s3 =	simm.s32 @!p0 $0x1082;
	s9 =	sld [smem:$0x3FB7]  }
0x2f: {  	lr =	sadd.s32 s0, s3;
	s0 =	sld [smem:$0x3FAE]  }
0x30: {  	s3 =	sld [smem:$0x3FB1]  }
0x31: {  	[smem:$0x3FBA] =	sst s10  }
0x32: {  	s10 =	sld [smem:$0x3FB8];
	_ =	sdelay $0x3  }
0x33: {  	p0 =	seq.s32 s10, $0x1;
	s10 =	sld [smem:$0x3FBA];
	_ =	sdelay $0x3  }
0x34: {  	[smem:$0x3FBA] =	sst s10  }
0x35: {  	s10 =	sld [smem:$0x3FB9];
	_ =	sdelay $0x3  }
0x36: {  	p1 =	seq.s32 s10, $0x1;
	s10 =	sld [smem:$0x3FBA];
	_ =	sdelay $0x3  }
0x37: {  	[smem:$0x3FBA] =	sst s10  }
0x38: {  	s10 =	sld [smem:$0x3FBB]  }
0x39: {  	_ = 	snop;
	(pc) =	sbr.ind lr, $3  }
0x3a: {  	_ = 	snop  }
0x3b: {  	_ = 	snop  }
0x3c: {  	p2 =	seq.s32 s10, $0x1;
	s10 =	sld [smem:$0x3FBA]  }
0x3d: {  	_ =	shalt  }
0x3e: {  	_ =	shalt  }
0x3f: {  	_ =	shalt  }
0x40: {  	_ =	shalt  }
0x41: {  	_ =	shalt  }
0x42: {  	_ =	shalt  }
0x43: {  	_ =	shalt  }
0x44: {  	_ =	shalt  }
0x45: {  	_ =	shalt  }
0x46: {  	_ =	shalt  }
0x47: {  	_ =	shalt  }
0x48: {  	_ =	shalt  }
0x49: {  	_ =	shalt  }
0x4a: {  	_ =	shalt  }
0x4b: {  	_ =	shalt  }
0x4c: {  	_ =	shalt  }
0x4d: {  	_ =	shalt  }
0x4e: {  	_ =	shalt  }
0x4f: {  	_ =	shalt  }
0x50: {  	_ =	shalt  }
0x51: {  	_ =	shalt  }
0x52: {  	_ =	shalt  }
0x53: {  	_ =	shalt  }
0x54: {  	_ =	shalt  }
0x55: {  	_ =	shalt  }
0x56: {  	_ =	shalt  }
0x57: {  	_ =	shalt  }
0x58: {  	_ =	shalt  }
0x59: {  	_ =	shalt  }
0x5a: {  	_ =	shalt  }
0x5b: {  	_ =	shalt  }
0x5c: {  	_ =	shalt  }
0x5d: {  	_ =	shalt  }
0x5e: {  	_ =	shalt  }
0x5f: {  	_ =	shalt  }
0x60: {  	_ =	shalt  }
0x61: {  	_ =	shalt  }
0x62: {  	_ =	shalt  }
0x63: {  	_ =	shalt  }
0x64: {  	_ =	shalt  }
0x65: {  	_ =	shalt  }
0x66: {  	_ =	shalt  }
0x67: {  	_ =	shalt  }
0x68: {  	_ =	shalt  }
0x69: {  	_ =	shalt  }
0x6a: {  	_ =	shalt  }
0x6b: {  	_ =	shalt  }
0x6c: {  	_ =	shalt  }
0x6d: {  	_ =	shalt  }
0x6e: {  	_ =	shalt  }
0x6f: {  	_ =	shalt  }
0x70: {  	_ =	shalt  }
0x71: {  	_ =	shalt  }
0x72: {  	_ =	shalt  }
0x73: {  	_ =	shalt  }
0x74: {  	_ =	shalt  }
0x75: {  	_ =	shalt  }
0x76: {  	_ =	shalt  }
0x77: {  	_ =	shalt  }
0x78: {  	_ =	shalt  }
0x79: {  	_ =	shalt  }
0x7a: {  	_ =	shalt  }
0x7b: {  	_ =	shalt  }
0x7c: {  	_ =	shalt  }
0x7d: {  	_ =	shalt  }
0x7e: {  	_ =	shalt  }
0x7f: {  	_ =	shalt  }
0x80: {  	_ =	shalt  }
0x81: {  	_ =	shalt  }
0x82: {  	_ =	shalt  }
0x83: {  	_ =	shalt  }
0x84: {  	_ =	shalt  }
0x85: {  	_ =	shalt  }
0x86: {  	_ =	shalt  }
0x87: {  	_ =	shalt  }
.Lfunc_end0:
.L_simem_size_0:
called_computation_lowered:
.L_overlay_start_0:
0x88: {  	s2 =	sld [smem:$0x3FD9]  }
0x89: {  	s3 =	sld [smem:$0x3FFE];
	_ =	sdelay $0x1  }
0x8a: {  	s1 =	srdreg.scid  }
0x8b: {  	s0 =	sand.u32 $0x1, s1  }
0x8c: {  	s17 =	sshll.u32 s0, $0xA;
	s2 =	sadd.s32 s3, s2  }
0x8d: {  	s2 =	sadd.s32 s2, s17  }
0x8e: {  	[smem:$0x3FC6] =	sst s2  }
0x8f: {  	_ = 	snop  }
0x90: {  	s2 =	sld [smem:$0x3FC8];
	(tm) =	ssettm $0x1  }
0x91: {  	s18 =	sld [smem:$0x3FFB];
	_ =	sdelay $0x3  }
0x92: {  	_ =	strace s18  }
0x93: {  	s3 =	sld [smem:$0x3FFC];
	_ =	sdelay $0x3  }
0x94: {  	_ =	strace s3  }
0x95: {  	s3 =	sld [smem:$0x3FFD];
	_ =	sdelay $0x3  }
0x96: {  	_ =	strace s3  }
0x97: {  	_ =	strace $0x8FFFFFFF  }
0x98: {  	s19 =	sld [smem:$0x3FDB];
	_ =	sdelay $0x1  }
0x99: {  	s4 =	simm.s32 $_scs_section_size  }
0x9a: {  	s5 =	simm.s32 $_size__tile_overlayer_lowered;
	s6 =	simm.s32 $_tile_overlayer_lowered  }
0x9b: {  	s22 =	simm.s32 $0x1BFF;
	s21 =	sshll.u32 s6, $0x1;
	s3 =	sadd.s32 s4, s19  }
0x9c: {  	s7 =	simm.s32 $0x0;
	s20 =	sshll.u32 s5, $0x1;
	s5 =	sadd.s32 s21, s3  }
0x9d: {  	[timem:s7], [sflag:s22] =	dma.local [hbm:s5], s20  }
0x9e: {  	_ =	swait.ge [sflag:s22], s20  }
0x9f: {  	s4 =	ssub.s32 $0x0, s20;
	[sflag:s22] =	ssyncset.done $0x0  }
0xa0: {  	[sflag:s22] =	ssyncadd.s32 s4;
	_ =	sdelay $0x1  }
0xa1: {  	s23 =	simm.s32 $0x1B8B  }
0xa2: {  	_ =	swait.ge [sflag:s23], $0x1  }
0xa3: {  	[sflag:s23] =	ssyncset.done $0x0  }
0xa4: {  	s25 =	simm.s32 $0x1B8E;
	s24 =	sld [smem:$0x3FFE];
	[sflag:s23] =	ssyncadd.s32 $0xFFFFFFFF  }
0xa5: {  	s26 =	simm.s32 $execute0_lowered;
	[smem:$0x3FD2] =	sst s25  }
0xa6: {  	s5 =	sshll.u32 s26, $0x1;
	_ =	strace $0x80000046;
	[dreg:$0x1] =	wrdreg $0xFFFFFFFF  }
0xa7: {  	s28 =	simm.s32 $_size_execute0_lowered;
	s3 =	sadd.s32 s3, s5;
	[dreg:$0x0] =	wrdreg $0x0  }
0xa8: {  	s5 =	sshll.u32 s28, $0x1;
	[dreg:$0x2] =	wrdreg s3  }
0xa9: {  	[dreg:$0x3] =	wrdreg s5  }
0xaa: {  	[dreg:$0x4] =	wrdreg $0xC0  }
0xab: {  	_ =	task [dreg:s7], $0x5FFFF  }
0xac: {  	[dreg:$0x1] =	wrdreg $0xFFFFFFFF  }
0xad: {  	[dreg:$0x0] =	wrdreg $0x60  }
0xae: {  	[dreg:$0x2] =	wrdreg s24  }
0xaf: {  	[dreg:$0x3] =	wrdreg s2  }
0xb0: {  	[dreg:$0x4] =	wrdreg $0x9  }
0xb1: {  	_ =	task.clear_ibuf [dreg:s7], $0x5FFFF;
	_ =	strace $0x90000046  }
0xb2: {  	s29 =	simm.s32 $0x9;
	_ =	strace $0x80000048  }
0xb3: {  	_ =	swait.ge [sflag:s29], $0x1  }
0xb4: {  	[sflag:s29] =	ssyncadd.s32 $0xFFFFFFFF  }
0xb5: {  	_ =	strace $0x90000048  }
0xb6: {  	_ =	sfence  }
0xb7: {  	s30 =	sld [smem:$0x0];
	_ =	sdelay $0x2  }
0xb8: {  	s31 =	sshll.u32 s1, $0xD;
	s1 =	sshrl.u32 s1, $0x2  }
0xb9: {  	s3 =	sand.u32 $0x4000, s31;
	s1 =	sadd.s32 s1, s30  }
0xba: {  	s0 =	sor.u32 s3, s0;
	s1 =	sshll.u32 s1, $0x11  }
0xbb: {  	s0 =	sor.u32 s1, s0  }
0xbc: {  	s0 =	sadd.s32 $0x8F2B, s0  }
0xbd: {  	[sflag:s0] =	ssyncadd.remote.s32 $0x1  }
0xbe: {  	_ =	sfence.sel $0xFFFF  }
0xbf: {  	[dreg:$0x0] =	wrdreg $0xFFFFFFFF;
	(pc) =	sbr.abs _section_cstart, $3  }
0xc0: {  	[dreg:$0x1] =	wrdreg $0xFFFFFFFF  }
0xc1: {  	_ =	task.clear_ibuf [dreg:s7], $0x2FFFF;
	_ =	strace $0x9FFFFFFF  }
0xc2: {  	(tm) =	ssettm $0x7FFFFFFF  }
0xc3: {  	_ =	shalt  }
tec
execute0_lowered:
.L_overlay_start_1:
0x0: {  	(tag) =	ssettag $0x1  }
0x1: {  	s0 =	srdreg.scid  }
0x2: {  	s2 =	stileid.u32;
	s1 =	rddreg [dreg:$0x0]  }
0x3: {  	s7 =	rddreg [dreg:$0x1];
	s11 =	simm.s32 $0x1B800;
	s12 =	simm.s32 $0x9  }
0x4: {  	s13 =	simm.s32 $0x6000;
	s14 =	simm.s32 $0x1;
	s15 =	simm.s32 $0xC000  }
0x5: {  	s16 =	simm.s32 $0x2;
	s17 =	simm.s32 $0x12000;
	s18 =	simm.s32 $0x3  }
0x6: {  	s19 =	simm.s32 $0x4;
	s20 =	simm.s32 $0x5;
	s0 =	sand.u32 $0x1, s0  }
0x7: {  	s21 =	simm.s32 $0x6;
	s2 =	sshll.u32 s2, $0x6;
	s3 =	sshll.u32 s0, $0x5  }
0x8: {  	s22 =	simm.s32 $0x7;
	s5 =	sadd.s32 $0x400, s1;
	s2 =	sor.u32 s3, s2  }
0x9: {  	s0 =	ssub.s32 $0x2, s0;
	s3 =	simm.s32 $0x0;
	s4 =	sshrl.u32 s2, $0x3  }
0xa: {  	s8 =	sshrl.u32 s0, $0x1;
	[smem:$0x7FF] =	sst s3;
	s6 =	smul.u32 $0xC3800, s4  }
0xb: {  	s0 =	ssub.s32 s0, s8;
	_ =	strace $0x80000047;
	s7 =	sadd.s32 s7, s4  }
0xc: {  	s0 =	smax.u32 s0, $0x1;
	[dreg:$0x4] =	wrdreg s7;
	s9 =	sshrl.u32 s6, $0x3  }
0xd: {  	v0 =	vlaneseq.u32;
	s23 =	simm.s32 $0x8;
	[dreg:$0x6] =	wrdreg s0;
	s31 =	sadd.s32 s5, s9  }
0xe: {  	v0 =	vand.u32 $0x7, v0;
	s6 =	sadd.s32 $0xC38400, s1;
	[dreg:$0x3] =	wrdreg s31;
	s1 =	sadd.s32 $0xC00, s31  }
0xf: {  	vm0 =	vmmov $0xff;
	s24 =	simm.s32 $0x18000;
	s25 =	simm.s32 $0x0;
	v1 =	vmul.u32 $0x80, v0;
	[dreg:$0x5] =	wrdreg s1  }
.LBB2_1:
0x10: {  	s0 =	rddreg [dreg:$0x4]  }
0x11: {  	[tilespmem:s11], [sflag:$0x9] =	stream.linear.gather [hbm4b:s0+s3], $0x20, $0x38;
	[tilespmem:$0x1B880] =	vst v63  }
0x12: {  	_ =	swait.ge [sflag:s12], $0x20  }
0x13: {  	[sflag:s12] =	ssyncset.done $0x0  }
0x14: {  	s30 =	rddreg [dreg:$0x3];
	[sflag:s12] =	ssyncadd.s32 $0xFFFFFFE0  }
0x15: {  	[tilespmem:s3], [sflag:$0x1] =	stream.linear.gather [hbm4b:s30+s3], $0x6000, $0x38;
	[tilespmem:$0x1B880] =	vst v63  }
0x16: {  	s26 =	simm.s32 $0x0;
	s31 =	rddreg [dreg:$0x5]  }
0x17: {  	[tilespmem:s13], [sflag:$0x2] =	stream.linear.gather [hbm4b:s31+s3], $0x6000, $0x38;
	[tilespmem:$0x1B880] =	vst v63  }
.LBB2_2:
0x18: {  	s0 =	sand.u32 $0x18, s26  }
0x19: {  	v2 =	vor.u32 s0, v0;
	_ =	sdelay $0x1  }
0x1a: {  	_ =	swait.ge [sflag:s14], $0x6000  }
0x1b: {  	[sflag:s14] =	ssyncset.done $0x0  }
0x1c: {  	[sflag:s14] =	ssyncadd.s32 $0xFFFFA000  }
0x1d: {  	v3 =	vld.idx.msk [tilespmem:v2+s11+$0x0], $0xffff  }
0x1e: {  	s28 =	sshll.u32 s26, $0x2  }
0x1f: {  	s29 =	sand.u32 $0x1C, s28  }
0x20: {  	s31 =	smul.u32 $0xFFFFF400, s29;
	_ =	sdelay $0x1  }
0x21: {  	v3 =	vadd.s32 s31, v3  }
0x22: {  	vm1 =	vlt.u32 v3, $0xC00  }
0x23: {  	vm1 =	vmand vm1, vm0  }
0x24: {  	v3 =	vnsel vm1, $0x0, v3  }
0x25: {  	v4 =	vshll.u32 v3, $0x3  }
0x26: {  	v3 =	vand.u32 $0x7F, v3;
	v4 =	vand.u32 $0xFFFFFC00, v4  }
0x27: {  	v3 =	vor.u32 v4, v3  }
0x28: {  	v3 =	vor.u32 v1, v3;
	_ =	sdelay $0x4  }
0x29: {  	v4 =	vld.idx.msk [tilespmem:v3+s3+$0x0], vm1;
	_ =	sdelay $0x4  }
0x2a: {  	v5 =	vmul.f32 v4, v4;
	_ =	sdelay $0x1  }
0x2b: {  	v5 =	vsub.f32 $1.000000000e+00, v5;
	_ =	sdelay $0x1  }
0x2c: {  	v5 =	vmax.f32 v5, $0.0e+00  }
0x2d: {  	v6 =	vshra.s32 v5, $0x1;
	v7 =	vmul.f32 $5.000000000e-01, v5  }
0x2e: {  	v6 =	vsub.s32 $0x5F3759DF, v6  }
0x2f: {  	v8 =	vmul.f32 v6, v7;
	_ =	sdelay $0x1  }
0x30: {  	v8 =	vmul.f32 v6, v8;
	_ =	sdelay $0x1  }
0x31: {  	v8 =	vsub.f32 $1.500000000e+00, v8;
	_ =	sdelay $0x1  }
0x32: {  	v6 =	vmul.f32 v6, v8;
	_ =	sdelay $0x1  }
0x33: {  	v8 =	vmul.f32 v6, v7;
	_ =	sdelay $0x1  }
0x34: {  	v8 =	vmul.f32 v8, v6;
	_ =	sdelay $0x1  }
0x35: {  	v8 =	vsub.f32 $1.500000000e+00, v8;
	_ =	sdelay $0x1  }
0x36: {  	v6 =	vmul.f32 v8, v6;
	_ =	sdelay $0x1  }
0x37: {  	v7 =	vmul.f32 v6, v7;
	_ =	sdelay $0x1  }
0x38: {  	v7 =	vmul.f32 v7, v6;
	_ =	sdelay $0x1  }
0x39: {  	v7 =	vsub.f32 $1.500000000e+00, v7;
	_ =	sdelay $0x1  }
0x3a: {  	v6 =	vmul.f32 v7, v6;
	_ =	sdelay $0x1  }
0x3b: {  	v5 =	vmul.f32 v6, v5;
	_ =	sdelay $0x1  }
0x3c: {  	v4 =	vmul.f32 $8.775825500e-01, v4;
	v5 =	vmul.f32 $-4.794255500e-01, v5;
	_ =	sdelay $0x1  }
0x3d: {  	v4 =	vadd.f32 v5, v4;
	_ =	sdelay $0x1  }
0x3e: {  	s1 =	simm.s32 $0x40;
	[tilespmem:v3+s3+$0x0] =	vst.idx.msk vm1, v4  }
0x3f: {  	v5 =	vld [tilespmem:s1+$0x30]  }
0x40: {  	v7 =	vld [tilespmem:s1+$0xFFFFFFD0]  }
0x41: {  	v9 =	vld [tilespmem:s1+$0xFFFFFFE0]  }
0x42: {  	v6 =	vld [tilespmem:s1+$0xFFFFFFF0]  }
0x43: {  	v4 =	vld [tilespmem:s1+$0x0]  }
0x44: {  	v3 =	vld [tilespmem:s1+$0x10];
	v10 =	vmul.f32 $6.400000000e+01, v5  }
0x45: {  	v5 =	vld [tilespmem:s1+$0x20];
	v8 =	vmul.f32 $6.400000000e+01, v7  }
0x46: {  	s8 =	simm.s32 $0x0;
	s9 =	simm.s32 $0x440;
	s0 =	simm.s32 $0xF0;
	v7 =	vld [tilespmem:s1+$0xFFFFFFC0];
	v9 =	vmul.f32 $6.400000000e+01, v9;
	[tilespmem:s1+$0x30] =	vst v10  }
.LBB2_3:
0x47: {  	v10 =	vld [tilespmem:s9+$0x30];
	s8 =	sadd.s32 $0x8, s8;
	[tilespmem:s1+$0xFFFFFFD0] =	vst v8;
	v6 =	vmul.f32 $6.400000000e+01, v6  }
0x48: {  	v8 =	vld [tilespmem:s9+$0xFFFFFFD0];
	p0 =	slt.u32 s8, $0xB8;
	[tilespmem:s1+$0xFFFFFFE0] =	vst v9;
	v4 =	vmul.f32 $6.400000000e+01, v4  }
0x49: {  	v9 =	vld [tilespmem:s9+$0xFFFFFFE0];
	[tilespmem:s1+$0xFFFFFFF0] =	vst v6;
	v3 =	vmul.f32 $6.400000000e+01, v3  }
.Ltmp0:
0x4a: {  	v6 =	vld [tilespmem:s9+$0xFFFFFFF0];
	[tilespmem:s1+$0x0] =	vst v4;
	v5 =	vmul.f32 $6.400000000e+01, v5;
	(pc) =	sbr.rel @p0 .LBB2_3-.Ltmp0, $4  }
0x4b: {  	v4 =	vld [tilespmem:s9+$0x0];
	v7 =	vmul.f32 $6.400000000e+01, v7;
	[tilespmem:s1+$0x10] =	vst v3  }
0x4c: {  	v3 =	vld [tilespmem:s9+$0x10];
	v10 =	vmul.f32 $6.400000000e+01, v10;
	[tilespmem:s1+$0x20] =	vst v5  }
0x4d: {  	v8 =	vmul.f32 $6.400000000e+01, v8;
	v5 =	vld [tilespmem:s9+$0x20];
	[tilespmem:s1+$0xFFFFFFC0] =	vst v7;
	s1 =	smov.u32 s9  }
0x4e: {  	s9 =	sadd.s32 $0x400, s9;
	v7 =	vld [tilespmem:s1+$0xFFFFFFC0];
	v9 =	vmul.f32 $6.400000000e+01, v9;
	[tilespmem:s1+$0x30] =	vst v10  }
0x4f: {  	[tilespmem:s1+$0xFFFFFFD0] =	vst v8;
	v6 =	vmul.f32 $6.400000000e+01, v6  }
0x50: {  	[tilespmem:s1+$0xFFFFFFE0] =	vst v9;
	v4 =	vmul.f32 $6.400000000e+01, v4  }
0x51: {  	[tilespmem:s1+$0xFFFFFFF0] =	vst v6;
	v3 =	vmul.f32 $6.400000000e+01, v3  }
0x52: {  	[tilespmem:s1+$0x0] =	vst v4;
	v4 =	vmul.f32 $6.400000000e+01, v5  }
0x53: {  	v5 =	vmul.f32 $6.400000000e+01, v7;
	[tilespmem:s1+$0x10] =	vst v3  }
0x54: {  	[tilespmem:s1+$0x20] =	vst v4  }
0x55: {  	[tilespmem:s1+$0xFFFFFFC0] =	vst v5  }
0x56: {  	v5 =	vld [tilespmem:s0+$0x0]  }
0x57: {  	v7 =	vld [tilespmem:s0+$0xFFFFFFA0]  }
0x58: {  	v9 =	vld [tilespmem:s0+$0xFFFFFFB0]  }
0x59: {  	v6 =	vld [tilespmem:s0+$0xFFFFFFC0]  }
0x5a: {  	v4 =	vld [tilespmem:s0+$0xFFFFFFD0]  }
0x5b: {  	v3 =	vld [tilespmem:s0+$0xFFFFFFE0];
	v10 =	vmul.f32 $6.400000000e+01, v5  }
0x5c: {  	v5 =	vld [tilespmem:s0+$0xFFFFFFF0];
	v8 =	vmul.f32 $6.400000000e+01, v7  }
0x5d: {  	s8 =	simm.s32 $0x0;
	s9 =	simm.s32 $0x4F0;
	s1 =	simm.s32 $0x170;
	v7 =	vld [tilespmem:s0+$0xFFFFFF90];
	v9 =	vmul.f32 $6.400000000e+01, v9;
	[tilespmem:s0+$0x0] =	vst v10  }
.LBB2_5:
0x5e: {  	v10 =	vld [tilespmem:s9+$0x0];
	s8 =	sadd.s32 $0x8, s8;
	[tilespmem:s0+$0xFFFFFFA0] =	vst v8;
	v6 =	vmul.f32 $6.400000000e+01, v6  }
0x5f: {  	v8 =	vld [tilespmem:s9+$0xFFFFFFA0];
	p0 =	slt.u32 s8, $0xB8;
	[tilespmem:s0+$0xFFFFFFB0] =	vst v9;
	v4 =	vmul.f32 $6.400000000e+01, v4  }
0x60: {  	v9 =	vld [tilespmem:s9+$0xFFFFFFB0];
	[tilespmem:s0+$0xFFFFFFC0] =	vst v6;
	v3 =	vmul.f32 $6.400000000e+01, v3  }
.Ltmp1:
0x61: {  	v6 =	vld [tilespmem:s9+$0xFFFFFFC0];
	[tilespmem:s0+$0xFFFFFFD0] =	vst v4;
	v5 =	vmul.f32 $6.400000000e+01, v5;
	(pc) =	sbr.rel @p0 .LBB2_5-.Ltmp1, $4  }
0x62: {  	v4 =	vld [tilespmem:s9+$0xFFFFFFD0];
	v7 =	vmul.f32 $6.400000000e+01, v7;
	[tilespmem:s0+$0xFFFFFFE0] =	vst v3  }
0x63: {  	v3 =	vld [tilespmem:s9+$0xFFFFFFE0];
	v10 =	vmul.f32 $6.400000000e+01, v10;
	[tilespmem:s0+$0xFFFFFFF0] =	vst v5  }
0x64: {  	v8 =	vmul.f32 $6.400000000e+01, v8;
	v5 =	vld [tilespmem:s9+$0xFFFFFFF0];
	[tilespmem:s0+$0xFFFFFF90] =	vst v7;
	s0 =	smov.u32 s9  }
0x65: {  	s9 =	sadd.s32 $0x400, s9;
	v7 =	vld [tilespmem:s0+$0xFFFFFF90];
	v9 =	vmul.f32 $6.400000000e+01, v9;
	[tilespmem:s0+$0x0] =	vst v10  }
0x66: {  	[tilespmem:s0+$0xFFFFFFA0] =	vst v8;
	v6 =	vmul.f32 $6.400000000e+01, v6  }
0x67: {  	[tilespmem:s0+$0xFFFFFFB0] =	vst v9;
	v4 =	vmul.f32 $6.400000000e+01, v4  }
0x68: {  	[tilespmem:s0+$0xFFFFFFC0] =	vst v6;
	v3 =	vmul.f32 $6.400000000e+01, v3  }
0x69: {  	[tilespmem:s0+$0xFFFFFFD0] =	vst v4;
	v4 =	vmul.f32 $6.400000000e+01, v5  }
0x6a: {  	v5 =	vmul.f32 $6.400000000e+01, v7;
	[tilespmem:s0+$0xFFFFFFE0] =	vst v3  }
0x6b: {  	[tilespmem:s0+$0xFFFFFFF0] =	vst v4  }
0x6c: {  	[tilespmem:s0+$0xFFFFFF90] =	vst v5  }
0x6d: {  	v5 =	vld [tilespmem:s1+$0x0]  }
0x6e: {  	v7 =	vld [tilespmem:s1+$0xFFFFFFA0]  }
0x6f: {  	v9 =	vld [tilespmem:s1+$0xFFFFFFB0]  }
0x70: {  	v6 =	vld [tilespmem:s1+$0xFFFFFFC0]  }
0x71: {  	v4 =	vld [tilespmem:s1+$0xFFFFFFD0]  }
0x72: {  	v3 =	vld [tilespmem:s1+$0xFFFFFFE0];
	v10 =	vmul.f32 $6.400000000e+01, v5  }
0x73: {  	v5 =	vld [tilespmem:s1+$0xFFFFFFF0];
	v8 =	vmul.f32 $6.400000000e+01, v7  }
0x74: {  	s8 =	simm.s32 $0x0;
	s9 =	simm.s32 $0x570;
	s0 =	simm.s32 $0x1F0;
	v7 =	vld [tilespmem:s1+$0xFFFFFF90];
	v9 =	vmul.f32 $6.400000000e+01, v9;
	[tilespmem:s1+$0x0] =	vst v10  }
.LBB2_7:
0x75: {  	v10 =	vld [tilespmem:s9+$0x0];
	s8 =	sadd.s32 $0x8, s8;
	[tilespmem:s1+$0xFFFFFFA0] =	vst v8;
	v6 =	vmul.f32 $6.400000000e+01, v6  }
0x76: {  	v8 =	vld [tilespmem:s9+$0xFFFFFFA0];
	p0 =	slt.u32 s8, $0xB8;
	[tilespmem:s1+$0xFFFFFFB0] =	vst v9;
	v4 =	vmul.f32 $6.400000000e+01, v4  }
0x77: {  	v9 =	vld [tilespmem:s9+$0xFFFFFFB0];
	[tilespmem:s1+$0xFFFFFFC0] =	vst v6;
	v3 =	vmul.f32 $6.400000000e+01, v3  }
.Ltmp2:
0x78: {  	v6 =	vld [tilespmem:s9+$0xFFFFFFC0];
	[tilespmem:s1+$0xFFFFFFD0] =	vst v4;
	v5 =	vmul.f32 $6.400000000e+01, v5;
	(pc) =	sbr.rel @p0 .LBB2_7-.Ltmp2, $4  }
0x79: {  	v4 =	vld [tilespmem:s9+$0xFFFFFFD0];
	v7 =	vmul.f32 $6.400000000e+01, v7;
	[tilespmem:s1+$0xFFFFFFE0] =	vst v3  }
0x7a: {  	v3 =	vld [tilespmem:s9+$0xFFFFFFE0];
	v10 =	vmul.f32 $6.400000000e+01, v10;
	[tilespmem:s1+$0xFFFFFFF0] =	vst v5  }
0x7b: {  	v8 =	vmul.f32 $6.400000000e+01, v8;
	v5 =	vld [tilespmem:s9+$0xFFFFFFF0];
	[tilespmem:s1+$0xFFFFFF90] =	vst v7;
	s1 =	smov.u32 s9  }
0x7c: {  	s9 =	sadd.s32 $0x400, s9;
	v7 =	vld [tilespmem:s1+$0xFFFFFF90];
	v9 =	vmul.f32 $6.400000000e+01, v9;
	[tilespmem:s1+$0x0] =	vst v10  }
0x7d: {  	[tilespmem:s1+$0xFFFFFFA0] =	vst v8;
	v6 =	vmul.f32 $6.400000000e+01, v6  }
0x7e: {  	[tilespmem:s1+$0xFFFFFFB0] =	vst v9;
	v4 =	vmul.f32 $6.400000000e+01, v4  }
0x7f: {  	[tilespmem:s1+$0xFFFFFFC0] =	vst v6;
	v3 =	vmul.f32 $6.400000000e+01, v3  }
0x80: {  	[tilespmem:s1+$0xFFFFFFD0] =	vst v4;
	v4 =	vmul.f32 $6.400000000e+01, v5  }
0x81: {  	v5 =	vmul.f32 $6.400000000e+01, v7;
	[tilespmem:s1+$0xFFFFFFE0] =	vst v3  }
0x82: {  	[tilespmem:s1+$0xFFFFFFF0] =	vst v4  }
0x83: {  	[tilespmem:s1+$0xFFFFFF90] =	vst v5  }
0x84: {  	v5 =	vld [tilespmem:s0+$0x0]  }
0x85: {  	v7 =	vld [tilespmem:s0+$0xFFFFFFA0]  }
0x86: {  	v9 =	vld [tilespmem:s0+$0xFFFFFFB0]  }
0x87: {  	v6 =	vld [tilespmem:s0+$0xFFFFFFC0]  }
0x88: {  	v4 =	vld [tilespmem:s0+$0xFFFFFFD0]  }
0x89: {  	v3 =	vld [tilespmem:s0+$0xFFFFFFE0];
	v10 =	vmul.f32 $6.400000000e+01, v5  }
0x8a: {  	v5 =	vld [tilespmem:s0+$0xFFFFFFF0];
	v8 =	vmul.f32 $6.400000000e+01, v7  }
0x8b: {  	s8 =	simm.s32 $0x0;
	s9 =	simm.s32 $0x5F0;
	s1 =	simm.s32 $0x270;
	v7 =	vld [tilespmem:s0+$0xFFFFFF90];
	v9 =	vmul.f32 $6.400000000e+01, v9;
	[tilespmem:s0+$0x0] =	vst v10  }
.LBB2_9:
0x8c: {  	v10 =	vld [tilespmem:s9+$0x0];
	s8 =	sadd.s32 $0x8, s8;
	[tilespmem:s0+$0xFFFFFFA0] =	vst v8;
	v6 =	vmul.f32 $6.400000000e+01, v6  }
0x8d: {  	v8 =	vld [tilespmem:s9+$0xFFFFFFA0];
	p0 =	slt.u32 s8, $0xB8;
	[tilespmem:s0+$0xFFFFFFB0] =	vst v9;
	v4 =	vmul.f32 $6.400000000e+01, v4  }
0x8e: {  	v9 =	vld [tilespmem:s9+$0xFFFFFFB0];
	[tilespmem:s0+$0xFFFFFFC0] =	vst v6;
	v3 =	vmul.f32 $6.400000000e+01, v3  }
.Ltmp3:
0x8f: {  	v6 =	vld [tilespmem:s9+$0xFFFFFFC0];
	[tilespmem:s0+$0xFFFFFFD0] =	vst v4;
	v5 =	vmul.f32 $6.400000000e+01, v5;
	(pc) =	sbr.rel @p0 .LBB2_9-.Ltmp3, $4  }
0x90: {  	v4 =	vld [tilespmem:s9+$0xFFFFFFD0];
	v7 =	vmul.f32 $6.400000000e+01, v7;
	[tilespmem:s0+$0xFFFFFFE0] =	vst v3  }
0x91: {  	v3 =	vld [tilespmem:s9+$0xFFFFFFE0];
	v10 =	vmul.f32 $6.400000000e+01, v10;
	[tilespmem:s0+$0xFFFFFFF0] =	vst v5  }
0x92: {  	v8 =	vmul.f32 $6.400000000e+01, v8;
	v5 =	vld [tilespmem:s9+$0xFFFFFFF0];
	[tilespmem:s0+$0xFFFFFF90] =	vst v7;
	s0 =	smov.u32 s9  }
0x93: {  	s9 =	sadd.s32 $0x400, s9;
	v7 =	vld [tilespmem:s0+$0xFFFFFF90];
	v9 =	vmul.f32 $6.400000000e+01, v9;
	[tilespmem:s0+$0x0] =	vst v10  }
0x94: {  	[tilespmem:s0+$0xFFFFFFA0] =	vst v8;
	v6 =	vmul.f32 $6.400000000e+01, v6  }
0x95: {  	[tilespmem:s0+$0xFFFFFFB0] =	vst v9;
	v4 =	vmul.f32 $6.400000000e+01, v4  }
0x96: {  	[tilespmem:s0+$0xFFFFFFC0] =	vst v6;
	v3 =	vmul.f32 $6.400000000e+01, v3  }
0x97: {  	[tilespmem:s0+$0xFFFFFFD0] =	vst v4;
	v4 =	vmul.f32 $6.400000000e+01, v5  }
0x98: {  	v5 =	vmul.f32 $6.400000000e+01, v7;
	[tilespmem:s0+$0xFFFFFFE0] =	vst v3  }
0x99: {  	[tilespmem:s0+$0xFFFFFFF0] =	vst v4  }
0x9a: {  	[tilespmem:s0+$0xFFFFFF90] =	vst v5  }
0x9b: {  	v5 =	vld [tilespmem:s1+$0x0]  }
0x9c: {  	v7 =	vld [tilespmem:s1+$0xFFFFFFA0]  }
0x9d: {  	v9 =	vld [tilespmem:s1+$0xFFFFFFB0]  }
0x9e: {  	v6 =	vld [tilespmem:s1+$0xFFFFFFC0]  }
0x9f: {  	v4 =	vld [tilespmem:s1+$0xFFFFFFD0]  }
0xa0: {  	v3 =	vld [tilespmem:s1+$0xFFFFFFE0];
	v10 =	vmul.f32 $6.400000000e+01, v5  }
0xa1: {  	v5 =	vld [tilespmem:s1+$0xFFFFFFF0];
	v8 =	vmul.f32 $6.400000000e+01, v7  }
0xa2: {  	s8 =	simm.s32 $0x0;
	s9 =	simm.s32 $0x670;
	s0 =	simm.s32 $0x2F0;
	v7 =	vld [tilespmem:s1+$0xFFFFFF90];
	v9 =	vmul.f32 $6.400000000e+01, v9;
	[tilespmem:s1+$0x0] =	vst v10  }
.LBB2_11:
0xa3: {  	v10 =	vld [tilespmem:s9+$0x0];
	s8 =	sadd.s32 $0x8, s8;
	[tilespmem:s1+$0xFFFFFFA0] =	vst v8;
	v6 =	vmul.f32 $6.400000000e+01, v6  }
0xa4: {  	v8 =	vld [tilespmem:s9+$0xFFFFFFA0];
	p0 =	slt.u32 s8, $0xB8;
	[tilespmem:s1+$0xFFFFFFB0] =	vst v9;
	v4 =	vmul.f32 $6.400000000e+01, v4  }
0xa5: {  	v9 =	vld [tilespmem:s9+$0xFFFFFFB0];
	[tilespmem:s1+$0xFFFFFFC0] =	vst v6;
	v3 =	vmul.f32 $6.400000000e+01, v3  }
.Ltmp4:
0xa6: {  	v6 =	vld [tilespmem:s9+$0xFFFFFFC0];
	[tilespmem:s1+$0xFFFFFFD0] =	vst v4;
	v5 =	vmul.f32 $6.400000000e+01, v5;
	(pc) =	sbr.rel @p0 .LBB2_11-.Ltmp4, $4  }
0xa7: {  	v4 =	vld [tilespmem:s9+$0xFFFFFFD0];
	v7 =	vmul.f32 $6.400000000e+01, v7;
	[tilespmem:s1+$0xFFFFFFE0] =	vst v3  }
0xa8: {  	v3 =	vld [tilespmem:s9+$0xFFFFFFE0];
	v10 =	vmul.f32 $6.400000000e+01, v10;
	[tilespmem:s1+$0xFFFFFFF0] =	vst v5  }
0xa9: {  	v8 =	vmul.f32 $6.400000000e+01, v8;
	v5 =	vld [tilespmem:s9+$0xFFFFFFF0];
	[tilespmem:s1+$0xFFFFFF90] =	vst v7;
	s1 =	smov.u32 s9  }
0xaa: {  	s9 =	sadd.s32 $0x400, s9;
	v7 =	vld [tilespmem:s1+$0xFFFFFF90];
	v9 =	vmul.f32 $6.400000000e+01, v9;
	[tilespmem:s1+$0x0] =	vst v10  }
0xab: {  	[tilespmem:s1+$0xFFFFFFA0] =	vst v8;
	v6 =	vmul.f32 $6.400000000e+01, v6  }
0xac: {  	[tilespmem:s1+$0xFFFFFFB0] =	vst v9;
	v4 =	vmul.f32 $6.400000000e+01, v4  }
0xad: {  	[tilespmem:s1+$0xFFFFFFC0] =	vst v6;
	v3 =	vmul.f32 $6.400000000e+01, v3  }
0xae: {  	[tilespmem:s1+$0xFFFFFFD0] =	vst v4;
	v4 =	vmul.f32 $6.400000000e+01, v5  }
0xaf: {  	v5 =	vmul.f32 $6.400000000e+01, v7;
	[tilespmem:s1+$0xFFFFFFE0] =	vst v3  }
0xb0: {  	[tilespmem:s1+$0xFFFFFFF0] =	vst v4  }
0xb1: {  	[tilespmem:s1+$0xFFFFFF90] =	vst v5  }
0xb2: {  	v5 =	vld [tilespmem:s0+$0x0]  }
0xb3: {  	v7 =	vld [tilespmem:s0+$0xFFFFFFA0]  }
0xb4: {  	v9 =	vld [tilespmem:s0+$0xFFFFFFB0]  }
0xb5: {  	v6 =	vld [tilespmem:s0+$0xFFFFFFC0]  }
0xb6: {  	v4 =	vld [tilespmem:s0+$0xFFFFFFD0]  }
0xb7: {  	v3 =	vld [tilespmem:s0+$0xFFFFFFE0];
	v10 =	vmul.f32 $6.400000000e+01, v5  }
0xb8: {  	v5 =	vld [tilespmem:s0+$0xFFFFFFF0];
	v8 =	vmul.f32 $6.400000000e+01, v7  }
0xb9: {  	s8 =	simm.s32 $0x0;
	s9 =	simm.s32 $0x6F0;
	s1 =	simm.s32 $0x370;
	v7 =	vld [tilespmem:s0+$0xFFFFFF90];
	v9 =	vmul.f32 $6.400000000e+01, v9;
	[tilespmem:s0+$0x0] =	vst v10  }
.LBB2_13:
0xba: {  	v10 =	vld [tilespmem:s9+$0x0];
	s8 =	sadd.s32 $0x8, s8;
	[tilespmem:s0+$0xFFFFFFA0] =	vst v8;
	v6 =	vmul.f32 $6.400000000e+01, v6  }
0xbb: {  	v8 =	vld [tilespmem:s9+$0xFFFFFFA0];
	p0 =	slt.u32 s8, $0xB8;
	[tilespmem:s0+$0xFFFFFFB0] =	vst v9;
	v4 =	vmul.f32 $6.400000000e+01, v4  }
0xbc: {  	v9 =	vld [tilespmem:s9+$0xFFFFFFB0];
	[tilespmem:s0+$0xFFFFFFC0] =	vst v6;
	v3 =	vmul.f32 $6.400000000e+01, v3  }
.Ltmp5:
0xbd: {  	v6 =	vld [tilespmem:s9+$0xFFFFFFC0];
	[tilespmem:s0+$0xFFFFFFD0] =	vst v4;
	v5 =	vmul.f32 $6.400000000e+01, v5;
	(pc) =	sbr.rel @p0 .LBB2_13-.Ltmp5, $4  }
0xbe: {  	v4 =	vld [tilespmem:s9+$0xFFFFFFD0];
	v7 =	vmul.f32 $6.400000000e+01, v7;
	[tilespmem:s0+$0xFFFFFFE0] =	vst v3  }
0xbf: {  	v3 =	vld [tilespmem:s9+$0xFFFFFFE0];
	v10 =	vmul.f32 $6.400000000e+01, v10;
	[tilespmem:s0+$0xFFFFFFF0] =	vst v5  }
0xc0: {  	v8 =	vmul.f32 $6.400000000e+01, v8;
	v5 =	vld [tilespmem:s9+$0xFFFFFFF0];
	[tilespmem:s0+$0xFFFFFF90] =	vst v7;
	s0 =	smov.u32 s9  }
0xc1: {  	s9 =	sadd.s32 $0x400, s9;
	v7 =	vld [tilespmem:s0+$0xFFFFFF90];
	v9 =	vmul.f32 $6.400000000e+01, v9;
	[tilespmem:s0+$0x0] =	vst v10  }
0xc2: {  	[tilespmem:s0+$0xFFFFFFA0] =	vst v8;
	v6 =	vmul.f32 $6.400000000e+01, v6  }
0xc3: {  	[tilespmem:s0+$0xFFFFFFB0] =	vst v9;
	v4 =	vmul.f32 $6.400000000e+01, v4  }
0xc4: {  	[tilespmem:s0+$0xFFFFFFC0] =	vst v6;
	v3 =	vmul.f32 $6.400000000e+01, v3  }
0xc5: {  	[tilespmem:s0+$0xFFFFFFD0] =	vst v4;
	v4 =	vmul.f32 $6.400000000e+01, v5  }
0xc6: {  	v5 =	vmul.f32 $6.400000000e+01, v7;
	[tilespmem:s0+$0xFFFFFFE0] =	vst v3  }
0xc7: {  	[tilespmem:s0+$0xFFFFFFF0] =	vst v4  }
0xc8: {  	[tilespmem:s0+$0xFFFFFF90] =	vst v5  }
0xc9: {  	v5 =	vld [tilespmem:s1+$0x0]  }
0xca: {  	v7 =	vld [tilespmem:s1+$0xFFFFFFA0]  }
0xcb: {  	v9 =	vld [tilespmem:s1+$0xFFFFFFB0]  }
0xcc: {  	v6 =	vld [tilespmem:s1+$0xFFFFFFC0]  }
0xcd: {  	v4 =	vld [tilespmem:s1+$0xFFFFFFD0]  }
0xce: {  	v3 =	vld [tilespmem:s1+$0xFFFFFFE0];
	v10 =	vmul.f32 $6.400000000e+01, v5  }
0xcf: {  	v5 =	vld [tilespmem:s1+$0xFFFFFFF0];
	v8 =	vmul.f32 $6.400000000e+01, v7  }
0xd0: {  	s8 =	simm.s32 $0x0;
	s9 =	simm.s32 $0x770;
	s0 =	simm.s32 $0x3F0;
	v7 =	vld [tilespmem:s1+$0xFFFFFF90];
	v9 =	vmul.f32 $6.400000000e+01, v9;
	[tilespmem:s1+$0x0] =	vst v10  }
.LBB2_15:
0xd1: {  	v10 =	vld [tilespmem:s9+$0x0];
	s8 =	sadd.s32 $0x8, s8;
	[tilespmem:s1+$0xFFFFFFA0] =	vst v8;
	v6 =	vmul.f32 $6.400000000e+01, v6  }
0xd2: {  	v8 =	vld [tilespmem:s9+$0xFFFFFFA0];
	p0 =	slt.u32 s8, $0xB8;
	[tilespmem:s1+$0xFFFFFFB0] =	vst v9;
	v4 =	vmul.f32 $6.400000000e+01, v4  }
0xd3: {  	v9 =	vld [tilespmem:s9+$0xFFFFFFB0];
	[tilespmem:s1+$0xFFFFFFC0] =	vst v6;
	v3 =	vmul.f32 $6.400000000e+01, v3  }
.Ltmp6:
0xd4: {  	v6 =	vld [tilespmem:s9+$0xFFFFFFC0];
	[tilespmem:s1+$0xFFFFFFD0] =	vst v4;
	v5 =	vmul.f32 $6.400000000e+01, v5;
	(pc) =	sbr.rel @p0 .LBB2_15-.Ltmp6, $4  }
0xd5: {  	v4 =	vld [tilespmem:s9+$0xFFFFFFD0];
	v7 =	vmul.f32 $6.400000000e+01, v7;
	[tilespmem:s1+$0xFFFFFFE0] =	vst v3  }
0xd6: {  	v3 =	vld [tilespmem:s9+$0xFFFFFFE0];
	v10 =	vmul.f32 $6.400000000e+01, v10;
	[tilespmem:s1+$0xFFFFFFF0] =	vst v5  }
0xd7: {  	v8 =	vmul.f32 $6.400000000e+01, v8;
	v5 =	vld [tilespmem:s9+$0xFFFFFFF0];
	[tilespmem:s1+$0xFFFFFF90] =	vst v7;
	s1 =	smov.u32 s9  }
0xd8: {  	s9 =	sadd.s32 $0x400, s9;
	v7 =	vld [tilespmem:s1+$0xFFFFFF90];
	v9 =	vmul.f32 $6.400000000e+01, v9;
	[tilespmem:s1+$0x0] =	vst v10  }
0xd9: {  	[tilespmem:s1+$0xFFFFFFA0] =	vst v8;
	v6 =	vmul.f32 $6.400000000e+01, v6  }
0xda: {  	[tilespmem:s1+$0xFFFFFFB0] =	vst v9;
	v4 =	vmul.f32 $6.400000000e+01, v4  }
0xdb: {  	[tilespmem:s1+$0xFFFFFFC0] =	vst v6;
	v3 =	vmul.f32 $6.400000000e+01, v3  }
0xdc: {  	[tilespmem:s1+$0xFFFFFFD0] =	vst v4;
	v4 =	vmul.f32 $6.400000000e+01, v5  }
0xdd: {  	v5 =	vmul.f32 $6.400000000e+01, v7;
	[tilespmem:s1+$0xFFFFFFE0] =	vst v3  }
0xde: {  	[tilespmem:s1+$0xFFFFFFF0] =	vst v4  }
0xdf: {  	[tilespmem:s1+$0xFFFFFF90] =	vst v5  }
0xe0: {  	v4 =	vld [tilespmem:s0+$0x0]  }
0xe1: {  	v6 =	vld [tilespmem:s0+$0xFFFFFFA0]  }
0xe2: {  	v9 =	vld [tilespmem:s0+$0xFFFFFFB0]  }
0xe3: {  	v7 =	vld [tilespmem:s0+$0xFFFFFFC0]  }
0xe4: {  	v5 =	vld [tilespmem:s0+$0xFFFFFFD0]  }
0xe5: {  	v3 =	vld [tilespmem:s0+$0xFFFFFFE0];
	v10 =	vmul.f32 $6.400000000e+01, v4  }
0xe6: {  	v4 =	vld [tilespmem:s0+$0xFFFFFFF0];
	v8 =	vmul.f32 $6.400000000e+01, v6  }
0xe7: {  	s7 =	simm.s32 $0x7F0;
	s1 =	simm.s32 $0x0;
	v6 =	vld [tilespmem:s0+$0xFFFFFF90];
	v9 =	vmul.f32 $6.400000000e+01, v9;
	[tilespmem:s0+$0x0] =	vst v10  }
.LBB2_17:
0xe8: {  	v10 =	vld [tilespmem:s7+$0x0];
	s1 =	sadd.s32 $0x8, s1;
	[tilespmem:s0+$0xFFFFFFA0] =	vst v8;
	v7 =	vmul.f32 $6.400000000e+01, v7  }
0xe9: {  	v8 =	vld [tilespmem:s7+$0xFFFFFFA0];
	p0 =	slt.u32 s1, $0xB8;
	[tilespmem:s0+$0xFFFFFFB0] =	vst v9;
	v5 =	vmul.f32 $6.400000000e+01, v5  }
0xea: {  	v9 =	vld [tilespmem:s7+$0xFFFFFFB0];
	[tilespmem:s0+$0xFFFFFFC0] =	vst v7;
	v3 =	vmul.f32 $6.400000000e+01, v3  }
.Ltmp7:
0xeb: {  	v7 =	vld [tilespmem:s7+$0xFFFFFFC0];
	[tilespmem:s0+$0xFFFFFFD0] =	vst v5;
	v4 =	vmul.f32 $6.400000000e+01, v4;
	(pc) =	sbr.rel @p0 .LBB2_17-.Ltmp7, $4  }
0xec: {  	v5 =	vld [tilespmem:s7+$0xFFFFFFD0];
	v6 =	vmul.f32 $6.400000000e+01, v6;
	[tilespmem:s0+$0xFFFFFFE0] =	vst v3  }
0xed: {  	v3 =	vld [tilespmem:s7+$0xFFFFFFE0];
	v10 =	vmul.f32 $6.400000000e+01, v10;
	[tilespmem:s0+$0xFFFFFFF0] =	vst v4  }
0xee: {  	v8 =	vmul.f32 $6.400000000e+01, v8;
	v4 =	vld [tilespmem:s7+$0xFFFFFFF0];
	[tilespmem:s0+$0xFFFFFF90] =	vst v6;
	s0 =	smov.u32 s7  }
0xef: {  	s7 =	sadd.s32 $0x400, s7;
	v6 =	vld [tilespmem:s0+$0xFFFFFF90];
	v9 =	vmul.f32 $6.400000000e+01, v9;
	[tilespmem:s0+$0x0] =	vst v10  }
0xf0: {  	[tilespmem:s0+$0xFFFFFFA0] =	vst v8;
	v7 =	vmul.f32 $6.400000000e+01, v7  }
0xf1: {  	s1 =	sor.u32 s2, s26;
	[tilespmem:s0+$0xFFFFFFB0] =	vst v9;
	v5 =	vmul.f32 $6.400000000e+01, v5  }
0xf2: {  	s7 =	smul.u32 $0x6000, s29;
	s1 =	sshrl.u32 s1, $0x3;
	[tilespmem:s0+$0xFFFFFFC0] =	vst v7;
	v3 =	vmul.f32 $6.400000000e+01, v3  }
0xf3: {  	s31 =	smul.u32 $0xC3800, s1;
	[tilespmem:s0+$0xFFFFFFD0] =	vst v5;
	v4 =	vmul.f32 $6.400000000e+01, v4  }
0xf4: {  	v5 =	vmul.f32 $6.400000000e+01, v6;
	[tilespmem:s0+$0xFFFFFFE0] =	vst v3  }
0xf5: {  	s1 =	sadd.s32 s7, s31;
	[tilespmem:s0+$0xFFFFFFF0] =	vst v4  }
0xf6: {  	p0 =	seq.s32 s26, $0x0;
	s1 =	sshrl.u32 s1, $0x3;
	[tilespmem:s0+$0xFFFFFF90] =	vst v5;
	s0 =	sor.u32 $0x2, s29  }
0xf7: {  	s7 =	simm.s32 @!p0 $0x7;
	s8 =	sadd.s32 s6, s1;
	s9 =	smul.u32 $0x6000, s0  }
0xf8: {  	[hbm4b:s8+s3] =	stream.linear.scatter [tilespmem:s3], [sflag:$0x5], $0x6000, $0x38;
	[tilespmem:$0x1B880] =	vst v63  }
0xf9: {  	_ =	swait.ge @!p0 [sflag:s7], $0x6000;
	s1 =	sadd.s32 s31, s9  }
0xfa: {  	[sflag:s7] =	ssyncset.done @!p0 $0x0;
	s30 =	sshrl.u32 s1, $0x3  }
0xfb: {  	[sflag:s7] =	ssyncadd.s32 @!p0 $0xFFFFA000;
	s1 =	sadd.s32 s5, s30  }
0xfc: {  	[tilespmem:s15], [sflag:$0x3] =	stream.linear.gather [hbm4b:s1+s3], $0x6000, $0x38;
	[tilespmem:$0x1B880] =	vst v63  }
0xfd: {  	_ =	swait.ge [sflag:s16], $0x6000  }
0xfe: {  	[sflag:s16] =	ssyncset.done $0x0  }
0xff: {  	[sflag:s16] =	ssyncadd.s32 $0xFFFFA000  }
0x100: {  	v3 =	vld.idx.msk [tilespmem:v2+s11+$0x0], $0xffff;
	_ =	sdelay $0x1  }
0x101: {  	s1 =	sor.u32 $0x1, s29  }
0x102: {  	s10 =	smul.u32 $0xFFFFF400, s1;
	_ =	sdelay $0x1  }
0x103: {  	v3 =	vadd.s32 s10, v3  }
0x104: {  	vm1 =	vlt.u32 v3, $0xC00  }
0x105: {  	vm1 =	vmand vm1, vm0  }
0x106: {  	v3 =	vnsel vm1, $0x0, v3  }
0x107: {  	v4 =	vshll.u32 v3, $0x3  }
0x108: {  	v3 =	vand.u32 $0x7F, v3;
	v4 =	vand.u32 $0xFFFFFC00, v4  }
0x109: {  	v3 =	vor.u32 v4, v3  }
0x10a: {  	v3 =	vor.u32 v1, v3;
	_ =	sdelay $0x4  }
0x10b: {  	v4 =	vld.idx.msk [tilespmem:v3+s13+$0x0], vm1;
	_ =	sdelay $0x4  }
0x10c: {  	v5 =	vmul.f32 v4, v4;
	_ =	sdelay $0x1  }
0x10d: {  	v5 =	vsub.f32 $1.000000000e+00, v5;
	_ =	sdelay $0x1  }
0x10e: {  	v5 =	vmax.f32 v5, $0.0e+00  }
0x10f: {  	v6 =	vshra.s32 v5, $0x1;
	v7 =	vmul.f32 $5.000000000e-01, v5  }
0x110: {  	v6 =	vsub.s32 $0x5F3759DF, v6  }
0x111: {  	v8 =	vmul.f32 v6, v7;
	_ =	sdelay $0x1  }
0x112: {  	v8 =	vmul.f32 v6, v8;
	_ =	sdelay $0x1  }
0x113: {  	v8 =	vsub.f32 $1.500000000e+00, v8;
	_ =	sdelay $0x1  }
0x114: {  	v6 =	vmul.f32 v6, v8;
	_ =	sdelay $0x1  }
0x115: {  	v8 =	vmul.f32 v6, v7;
	_ =	sdelay $0x1  }
0x116: {  	v8 =	vmul.f32 v8, v6;
	_ =	sdelay $0x1  }
0x117: {  	v8 =	vsub.f32 $1.500000000e+00, v8;
	_ =	sdelay $0x1  }
0x118: {  	v6 =	vmul.f32 v8, v6;
	_ =	sdelay $0x1  }
0x119: {  	v7 =	vmul.f32 v6, v7;
	_ =	sdelay $0x1  }
0x11a: {  	v7 =	vmul.f32 v7, v6;
	_ =	sdelay $0x1  }
0x11b: {  	v7 =	vsub.f32 $1.500000000e+00, v7;
	_ =	sdelay $0x1  }
0x11c: {  	v6 =	vmul.f32 v7, v6;
	_ =	sdelay $0x1  }
0x11d: {  	v5 =	vmul.f32 v6, v5;
	_ =	sdelay $0x1  }
0x11e: {  	v4 =	vmul.f32 $8.775825500e-01, v4;
	v5 =	vmul.f32 $-4.794255500e-01, v5;
	_ =	sdelay $0x1  }
0x11f: {  	v4 =	vadd.f32 v5, v4;
	_ =	sdelay $0x1  }
0x120: {  	s9 =	simm.s32 $0x6040;
	[tilespmem:v3+s13+$0x0] =	vst.idx.msk vm1, v4  }
0x121: {  	v5 =	vld [tilespmem:s9+$0x30]  }
0x122: {  	v7 =	vld [tilespmem:s9+$0xFFFFFFD0]  }
0x123: {  	v9 =	vld [tilespmem:s9+$0xFFFFFFE0]  }
0x124: {  	v6 =	vld [tilespmem:s9+$0xFFFFFFF0]  }
0x125: {  	v4 =	vld [tilespmem:s9+$0x0]  }
0x126: {  	v3 =	vld [tilespmem:s9+$0x10];
	v10 =	vmul.f32 $6.400000000e+01, v5  }
0x127: {  	v5 =	vld [tilespmem:s9+$0x20];
	v8 =	vmul.f32 $6.400000000e+01, v7  }
0x128: {  	s8 =	simm.s32 $0x60F0;
	s7 =	simm.s32 $0x6440;
	s10 =	simm.s32 $0x0;
	v7 =	vld [tilespmem:s9+$0xFFFFFFC0];
	v9 =	vmul.f32 $6.400000000e+01, v9;
	[tilespmem:s9+$0x30] =	vst v10  }
.LBB2_19:
0x129: {  	v10 =	vld [tilespmem:s7+$0x30];
	s10 =	sadd.s32 $0x8, s10;
	[tilespmem:s9+$0xFFFFFFD0] =	vst v8;
	v6 =	vmul.f32 $6.400000000e+01, v6  }
0x12a: {  	v8 =	vld [tilespmem:s7+$0xFFFFFFD0];
	p1 =	slt.u32 s10, $0xB8;
	[tilespmem:s9+$0xFFFFFFE0] =	vst v9;
	v4 =	vmul.f32 $6.400000000e+01, v4  }
0x12b: {  	v9 =	vld [tilespmem:s7+$0xFFFFFFE0];
	[tilespmem:s9+$0xFFFFFFF0] =	vst v6;
	v3 =	vmul.f32 $6.400000000e+01, v3  }
.Ltmp8:
0x12c: {  	v6 =	vld [tilespmem:s7+$0xFFFFFFF0];
	[tilespmem:s9+$0x0] =	vst v4;
	v5 =	vmul.f32 $6.400000000e+01, v5;
	(pc) =	sbr.rel @p1 .LBB2_19-.Ltmp8, $4  }
0x12d: {  	v4 =	vld [tilespmem:s7+$0x0];
	v7 =	vmul.f32 $6.400000000e+01, v7;
	[tilespmem:s9+$0x10] =	vst v3  }
0x12e: {  	v3 =	vld [tilespmem:s7+$0x10];
	v10 =	vmul.f32 $6.400000000e+01, v10;
	[tilespmem:s9+$0x20] =	vst v5  }
0x12f: {  	v8 =	vmul.f32 $6.400000000e+01, v8;
	v5 =	vld [tilespmem:s7+$0x20];
	[tilespmem:s9+$0xFFFFFFC0] =	vst v7;
	s9 =	smov.u32 s7  }
0x130: {  	s7 =	sadd.s32 $0x400, s7;
	v7 =	vld [tilespmem:s9+$0xFFFFFFC0];
	v9 =	vmul.f32 $6.400000000e+01, v9;
	[tilespmem:s9+$0x30] =	vst v10  }
0x131: {  	[tilespmem:s9+$0xFFFFFFD0] =	vst v8;
	v6 =	vmul.f32 $6.400000000e+01, v6  }
0x132: {  	[tilespmem:s9+$0xFFFFFFE0] =	vst v9;
	v4 =	vmul.f32 $6.400000000e+01, v4  }
0x133: {  	[tilespmem:s9+$0xFFFFFFF0] =	vst v6;
	v3 =	vmul.f32 $6.400000000e+01, v3  }
0x134: {  	[tilespmem:s9+$0x0] =	vst v4;
	v4 =	vmul.f32 $6.400000000e+01, v5  }
0x135: {  	v5 =	vmul.f32 $6.400000000e+01, v7;
	[tilespmem:s9+$0x10] =	vst v3  }
0x136: {  	[tilespmem:s9+$0x20] =	vst v4  }
0x137: {  	[tilespmem:s9+$0xFFFFFFC0] =	vst v5  }
0x138: {  	v5 =	vld [tilespmem:s8+$0x0]  }
0x139: {  	v7 =	vld [tilespmem:s8+$0xFFFFFFA0]  }
0x13a: {  	v9 =	vld [tilespmem:s8+$0xFFFFFFB0]  }
0x13b: {  	v6 =	vld [tilespmem:s8+$0xFFFFFFC0]  }
0x13c: {  	v4 =	vld [tilespmem:s8+$0xFFFFFFD0]  }
0x13d: {  	v3 =	vld [tilespmem:s8+$0xFFFFFFE0];
	v10 =	vmul.f32 $6.400000000e+01, v5  }
0x13e: {  	v5 =	vld [tilespmem:s8+$0xFFFFFFF0];
	v8 =	vmul.f32 $6.400000000e+01, v7  }
0x13f: {  	s10 =	simm.s32 $0x0;
	s7 =	simm.s32 $0x64F0;
	s9 =	simm.s32 $0x6170;
	v7 =	vld [tilespmem:s8+$0xFFFFFF90];
	v9 =	vmul.f32 $6.400000000e+01, v9;
	[tilespmem:s8+$0x0] =	vst v10  }
.LBB2_21:
0x140: {  	v10 =	vld [tilespmem:s7+$0x0];
	s10 =	sadd.s32 $0x8, s10;
	[tilespmem:s8+$0xFFFFFFA0] =	vst v8;
	v6 =	vmul.f32 $6.400000000e+01, v6  }
0x141: {  	v8 =	vld [tilespmem:s7+$0xFFFFFFA0];
	p1 =	slt.u32 s10, $0xB8;
	[tilespmem:s8+$0xFFFFFFB0] =	vst v9;
	v4 =	vmul.f32 $6.400000000e+01, v4  }
0x142: {  	v9 =	vld [tilespmem:s7+$0xFFFFFFB0];
	[tilespmem:s8+$0xFFFFFFC0] =	vst v6;
	v3 =	vmul.f32 $6.400000000e+01, v3  }
.Ltmp9:
0x143: {  	v6 =	vld [tilespmem:s7+$0xFFFFFFC0];
	[tilespmem:s8+$0xFFFFFFD0] =	vst v4;
	v5 =	vmul.f32 $6.400000000e+01, v5;
	(pc) =	sbr.rel @p1 .LBB2_21-.Ltmp9, $4  }
0x144: {  	v4 =	vld [tilespmem:s7+$0xFFFFFFD0];
	v7 =	vmul.f32 $6.400000000e+01, v7;
	[tilespmem:s8+$0xFFFFFFE0] =	vst v3  }
0x145: {  	v3 =	vld [tilespmem:s7+$0xFFFFFFE0];
	v10 =	vmul.f32 $6.400000000e+01, v10;
	[tilespmem:s8+$0xFFFFFFF0] =	vst v5  }
0x146: {  	v8 =	vmul.f32 $6.400000000e+01, v8;
	v5 =	vld [tilespmem:s7+$0xFFFFFFF0];
	[tilespmem:s8+$0xFFFFFF90] =	vst v7;
	s8 =	smov.u32 s7  }
0x147: {  	s7 =	sadd.s32 $0x400, s7;
	v7 =	vld [tilespmem:s8+$0xFFFFFF90];
	v9 =	vmul.f32 $6.400000000e+01, v9;
	[tilespmem:s8+$0x0] =	vst v10  }
0x148: {  	[tilespmem:s8+$0xFFFFFFA0] =	vst v8;
	v6 =	vmul.f32 $6.400000000e+01, v6  }
0x149: {  	[tilespmem:s8+$0xFFFFFFB0] =	vst v9;
	v4 =	vmul.f32 $6.400000000e+01, v4  }
0x14a: {  	[tilespmem:s8+$0xFFFFFFC0] =	vst v6;
	v3 =	vmul.f32 $6.400000000e+01, v3  }
0x14b: {  	[tilespmem:s8+$0xFFFFFFD0] =	vst v4;
	v4 =	vmul.f32 $6.400000000e+01, v5  }
0x14c: {  	v5 =	vmul.f32 $6.400000000e+01, v7;
	[tilespmem:s8+$0xFFFFFFE0] =	vst v3  }
0x14d: {  	[tilespmem:s8+$0xFFFFFFF0] =	vst v4  }
0x14e: {  	[tilespmem:s8+$0xFFFFFF90] =	vst v5  }
0x14f: {  	v5 =	vld [tilespmem:s9+$0x0]  }
0x150: {  	v7 =	vld [tilespmem:s9+$0xFFFFFFA0]  }
0x151: {  	v9 =	vld [tilespmem:s9+$0xFFFFFFB0]  }
0x152: {  	v6 =	vld [tilespmem:s9+$0xFFFFFFC0]  }
0x153: {  	v4 =	vld [tilespmem:s9+$0xFFFFFFD0]  }
0x154: {  	v3 =	vld [tilespmem:s9+$0xFFFFFFE0];
	v10 =	vmul.f32 $6.400000000e+01, v5  }
0x155: {  	v5 =	vld [tilespmem:s9+$0xFFFFFFF0];
	v8 =	vmul.f32 $6.400000000e+01, v7  }
0x156: {  	s10 =	simm.s32 $0x0;
	s7 =	simm.s32 $0x6570;
	s8 =	simm.s32 $0x61F0;
	v7 =	vld [tilespmem:s9+$0xFFFFFF90];
	v9 =	vmul.f32 $6.400000000e+01, v9;
	[tilespmem:s9+$0x0] =	vst v10  }
.LBB2_23:
0x157: {  	v10 =	vld [tilespmem:s7+$0x0];
	s10 =	sadd.s32 $0x8, s10;
	[tilespmem:s9+$0xFFFFFFA0] =	vst v8;
	v6 =	vmul.f32 $6.400000000e+01, v6  }
0x158: {  	v8 =	vld [tilespmem:s7+$0xFFFFFFA0];
	p1 =	slt.u32 s10, $0xB8;
	[tilespmem:s9+$0xFFFFFFB0] =	vst v9;
	v4 =	vmul.f32 $6.400000000e+01, v4  }
0x159: {  	v9 =	vld [tilespmem:s7+$0xFFFFFFB0];
	[tilespmem:s9+$0xFFFFFFC0] =	vst v6;
	v3 =	vmul.f32 $6.400000000e+01, v3  }
.Ltmp10:
0x15a: {  	v6 =	vld [tilespmem:s7+$0xFFFFFFC0];
	[tilespmem:s9+$0xFFFFFFD0] =	vst v4;
	v5 =	vmul.f32 $6.400000000e+01, v5;
	(pc) =	sbr.rel @p1 .LBB2_23-.Ltmp10, $4  }
0x15b: {  	v4 =	vld [tilespmem:s7+$0xFFFFFFD0];
	v7 =	vmul.f32 $6.400000000e+01, v7;
	[tilespmem:s9+$0xFFFFFFE0] =	vst v3  }
0x15c: {  	v3 =	vld [tilespmem:s7+$0xFFFFFFE0];
	v10 =	vmul.f32 $6.400000000e+01, v10;
	[tilespmem:s9+$0xFFFFFFF0] =	vst v5  }
0x15d: {  	v8 =	vmul.f32 $6.400000000e+01, v8;
	v5 =	vld [tilespmem:s7+$0xFFFFFFF0];
	[tilespmem:s9+$0xFFFFFF90] =	vst v7;
	s9 =	smov.u32 s7  }
0x15e: {  	s7 =	sadd.s32 $0x400, s7;
	v7 =	vld [tilespmem:s9+$0xFFFFFF90];
	v9 =	vmul.f32 $6.400000000e+01, v9;
	[tilespmem:s9+$0x0] =	vst v10  }
0x15f: {  	[tilespmem:s9+$0xFFFFFFA0] =	vst v8;
	v6 =	vmul.f32 $6.400000000e+01, v6  }
0x160: {  	[tilespmem:s9+$0xFFFFFFB0] =	vst v9;
	v4 =	vmul.f32 $6.400000000e+01, v4  }
0x161: {  	[tilespmem:s9+$0xFFFFFFC0] =	vst v6;
	v3 =	vmul.f32 $6.400000000e+01, v3  }
0x162: {  	[tilespmem:s9+$0xFFFFFFD0] =	vst v4;
	v4 =	vmul.f32 $6.400000000e+01, v5  }
0x163: {  	v5 =	vmul.f32 $6.400000000e+01, v7;
	[tilespmem:s9+$0xFFFFFFE0] =	vst v3  }
0x164: {  	[tilespmem:s9+$0xFFFFFFF0] =	vst v4  }
0x165: {  	[tilespmem:s9+$0xFFFFFF90] =	vst v5  }
0x166: {  	v5 =	vld [tilespmem:s8+$0x0]  }
0x167: {  	v7 =	vld [tilespmem:s8+$0xFFFFFFA0]  }
0x168: {  	v9 =	vld [tilespmem:s8+$0xFFFFFFB0]  }
0x169: {  	v6 =	vld [tilespmem:s8+$0xFFFFFFC0]  }
0x16a: {  	v4 =	vld [tilespmem:s8+$0xFFFFFFD0]  }
0x16b: {  	v3 =	vld [tilespmem:s8+$0xFFFFFFE0];
	v10 =	vmul.f32 $6.400000000e+01, v5  }
0x16c: {  	v5 =	vld [tilespmem:s8+$0xFFFFFFF0];
	v8 =	vmul.f32 $6.400000000e+01, v7  }
0x16d: {  	s10 =	simm.s32 $0x0;
	s7 =	simm.s32 $0x65F0;
	s9 =	simm.s32 $0x6270;
	v7 =	vld [tilespmem:s8+$0xFFFFFF90];
	v9 =	vmul.f32 $6.400000000e+01, v9;
	[tilespmem:s8+$0x0] =	vst v10  }
.LBB2_25:
0x16e: {  	v10 =	vld [tilespmem:s7+$0x0];
	s10 =	sadd.s32 $0x8, s10;
	[tilespmem:s8+$0xFFFFFFA0] =	vst v8;
	v6 =	vmul.f32 $6.400000000e+01, v6  }
0x16f: {  	v8 =	vld [tilespmem:s7+$0xFFFFFFA0];
	p1 =	slt.u32 s10, $0xB8;
	[tilespmem:s8+$0xFFFFFFB0] =	vst v9;
	v4 =	vmul.f32 $6.400000000e+01, v4  }
0x170: {  	v9 =	vld [tilespmem:s7+$0xFFFFFFB0];
	[tilespmem:s8+$0xFFFFFFC0] =	vst v6;
	v3 =	vmul.f32 $6.400000000e+01, v3  }
.Ltmp11:
0x171: {  	v6 =	vld [tilespmem:s7+$0xFFFFFFC0];
	[tilespmem:s8+$0xFFFFFFD0] =	vst v4;
	v5 =	vmul.f32 $6.400000000e+01, v5;
	(pc) =	sbr.rel @p1 .LBB2_25-.Ltmp11, $4  }
0x172: {  	v4 =	vld [tilespmem:s7+$0xFFFFFFD0];
	v7 =	vmul.f32 $6.400000000e+01, v7;
	[tilespmem:s8+$0xFFFFFFE0] =	vst v3  }
0x173: {  	v3 =	vld [tilespmem:s7+$0xFFFFFFE0];
	v10 =	vmul.f32 $6.400000000e+01, v10;
	[tilespmem:s8+$0xFFFFFFF0] =	vst v5  }
0x174: {  	v8 =	vmul.f32 $6.400000000e+01, v8;
	v5 =	vld [tilespmem:s7+$0xFFFFFFF0];
	[tilespmem:s8+$0xFFFFFF90] =	vst v7;
	s8 =	smov.u32 s7  }
0x175: {  	s7 =	sadd.s32 $0x400, s7;
	v7 =	vld [tilespmem:s8+$0xFFFFFF90];
	v9 =	vmul.f32 $6.400000000e+01, v9;
	[tilespmem:s8+$0x0] =	vst v10  }
0x176: {  	[tilespmem:s8+$0xFFFFFFA0] =	vst v8;
	v6 =	vmul.f32 $6.400000000e+01, v6  }
0x177: {  	[tilespmem:s8+$0xFFFFFFB0] =	vst v9;
	v4 =	vmul.f32 $6.400000000e+01, v4  }
0x178: {  	[tilespmem:s8+$0xFFFFFFC0] =	vst v6;
	v3 =	vmul.f32 $6.400000000e+01, v3  }
0x179: {  	[tilespmem:s8+$0xFFFFFFD0] =	vst v4;
	v4 =	vmul.f32 $6.400000000e+01, v5  }
0x17a: {  	v5 =	vmul.f32 $6.400000000e+01, v7;
	[tilespmem:s8+$0xFFFFFFE0] =	vst v3  }
0x17b: {  	[tilespmem:s8+$0xFFFFFFF0] =	vst v4  }
0x17c: {  	[tilespmem:s8+$0xFFFFFF90] =	vst v5  }
0x17d: {  	v5 =	vld [tilespmem:s9+$0x0]  }
0x17e: {  	v7 =	vld [tilespmem:s9+$0xFFFFFFA0]  }
0x17f: {  	v9 =	vld [tilespmem:s9+$0xFFFFFFB0]  }
0x180: {  	v6 =	vld [tilespmem:s9+$0xFFFFFFC0]  }
0x181: {  	v4 =	vld [tilespmem:s9+$0xFFFFFFD0]  }
0x182: {  	v3 =	vld [tilespmem:s9+$0xFFFFFFE0];
	v10 =	vmul.f32 $6.400000000e+01, v5  }
0x183: {  	v5 =	vld [tilespmem:s9+$0xFFFFFFF0];
	v8 =	vmul.f32 $6.400000000e+01, v7  }
0x184: {  	s10 =	simm.s32 $0x0;
	s7 =	simm.s32 $0x6670;
	s8 =	simm.s32 $0x62F0;
	v7 =	vld [tilespmem:s9+$0xFFFFFF90];
	v9 =	vmul.f32 $6.400000000e+01, v9;
	[tilespmem:s9+$0x0] =	vst v10  }
.LBB2_27:
0x185: {  	v10 =	vld [tilespmem:s7+$0x0];
	s10 =	sadd.s32 $0x8, s10;
	[tilespmem:s9+$0xFFFFFFA0] =	vst v8;
	v6 =	vmul.f32 $6.400000000e+01, v6  }
0x186: {  	v8 =	vld [tilespmem:s7+$0xFFFFFFA0];
	p1 =	slt.u32 s10, $0xB8;
	[tilespmem:s9+$0xFFFFFFB0] =	vst v9;
	v4 =	vmul.f32 $6.400000000e+01, v4  }
0x187: {  	v9 =	vld [tilespmem:s7+$0xFFFFFFB0];
	[tilespmem:s9+$0xFFFFFFC0] =	vst v6;
	v3 =	vmul.f32 $6.400000000e+01, v3  }
.Ltmp12:
0x188: {  	v6 =	vld [tilespmem:s7+$0xFFFFFFC0];
	[tilespmem:s9+$0xFFFFFFD0] =	vst v4;
	v5 =	vmul.f32 $6.400000000e+01, v5;
	(pc) =	sbr.rel @p1 .LBB2_27-.Ltmp12, $4  }
0x189: {  	v4 =	vld [tilespmem:s7+$0xFFFFFFD0];
	v7 =	vmul.f32 $6.400000000e+01, v7;
	[tilespmem:s9+$0xFFFFFFE0] =	vst v3  }
0x18a: {  	v3 =	vld [tilespmem:s7+$0xFFFFFFE0];
	v10 =	vmul.f32 $6.400000000e+01, v10;
	[tilespmem:s9+$0xFFFFFFF0] =	vst v5  }
0x18b: {  	v8 =	vmul.f32 $6.400000000e+01, v8;
	v5 =	vld [tilespmem:s7+$0xFFFFFFF0];
	[tilespmem:s9+$0xFFFFFF90] =	vst v7;
	s9 =	smov.u32 s7  }
0x18c: {  	s7 =	sadd.s32 $0x400, s7;
	v7 =	vld [tilespmem:s9+$0xFFFFFF90];
	v9 =	vmul.f32 $6.400000000e+01, v9;
	[tilespmem:s9+$0x0] =	vst v10  }
0x18d: {  	[tilespmem:s9+$0xFFFFFFA0] =	vst v8;
	v6 =	vmul.f32 $6.400000000e+01, v6  }
0x18e: {  	[tilespmem:s9+$0xFFFFFFB0] =	vst v9;
	v4 =	vmul.f32 $6.400000000e+01, v4  }
0x18f: {  	[tilespmem:s9+$0xFFFFFFC0] =	vst v6;
	v3 =	vmul.f32 $6.400000000e+01, v3  }
0x190: {  	[tilespmem:s9+$0xFFFFFFD0] =	vst v4;
	v4 =	vmul.f32 $6.400000000e+01, v5  }
0x191: {  	v5 =	vmul.f32 $6.400000000e+01, v7;
	[tilespmem:s9+$0xFFFFFFE0] =	vst v3  }
0x192: {  	[tilespmem:s9+$0xFFFFFFF0] =	vst v4  }
0x193: {  	[tilespmem:s9+$0xFFFFFF90] =	vst v5  }
0x194: {  	v5 =	vld [tilespmem:s8+$0x0]  }
0x195: {  	v7 =	vld [tilespmem:s8+$0xFFFFFFA0]  }
0x196: {  	v9 =	vld [tilespmem:s8+$0xFFFFFFB0]  }
0x197: {  	v6 =	vld [tilespmem:s8+$0xFFFFFFC0]  }
0x198: {  	v4 =	vld [tilespmem:s8+$0xFFFFFFD0]  }
0x199: {  	v3 =	vld [tilespmem:s8+$0xFFFFFFE0];
	v10 =	vmul.f32 $6.400000000e+01, v5  }
0x19a: {  	v5 =	vld [tilespmem:s8+$0xFFFFFFF0];
	v8 =	vmul.f32 $6.400000000e+01, v7  }
0x19b: {  	s10 =	simm.s32 $0x0;
	s7 =	simm.s32 $0x66F0;
	s9 =	simm.s32 $0x6370;
	v7 =	vld [tilespmem:s8+$0xFFFFFF90];
	v9 =	vmul.f32 $6.400000000e+01, v9;
	[tilespmem:s8+$0x0] =	vst v10  }
.LBB2_29:
0x19c: {  	v10 =	vld [tilespmem:s7+$0x0];
	s10 =	sadd.s32 $0x8, s10;
	[tilespmem:s8+$0xFFFFFFA0] =	vst v8;
	v6 =	vmul.f32 $6.400000000e+01, v6  }
0x19d: {  	v8 =	vld [tilespmem:s7+$0xFFFFFFA0];
	p1 =	slt.u32 s10, $0xB8;
	[tilespmem:s8+$0xFFFFFFB0] =	vst v9;
	v4 =	vmul.f32 $6.400000000e+01, v4  }
0x19e: {  	v9 =	vld [tilespmem:s7+$0xFFFFFFB0];
	[tilespmem:s8+$0xFFFFFFC0] =	vst v6;
	v3 =	vmul.f32 $6.400000000e+01, v3  }
.Ltmp13:
0x19f: {  	v6 =	vld [tilespmem:s7+$0xFFFFFFC0];
	[tilespmem:s8+$0xFFFFFFD0] =	vst v4;
	v5 =	vmul.f32 $6.400000000e+01, v5;
	(pc) =	sbr.rel @p1 .LBB2_29-.Ltmp13, $4  }
0x1a0: {  	v4 =	vld [tilespmem:s7+$0xFFFFFFD0];
	v7 =	vmul.f32 $6.400000000e+01, v7;
	[tilespmem:s8+$0xFFFFFFE0] =	vst v3  }
0x1a1: {  	v3 =	vld [tilespmem:s7+$0xFFFFFFE0];
	v10 =	vmul.f32 $6.400000000e+01, v10;
	[tilespmem:s8+$0xFFFFFFF0] =	vst v5  }
0x1a2: {  	v8 =	vmul.f32 $6.400000000e+01, v8;
	v5 =	vld [tilespmem:s7+$0xFFFFFFF0];
	[tilespmem:s8+$0xFFFFFF90] =	vst v7;
	s8 =	smov.u32 s7  }
0x1a3: {  	s7 =	sadd.s32 $0x400, s7;
	v7 =	vld [tilespmem:s8+$0xFFFFFF90];
	v9 =	vmul.f32 $6.400000000e+01, v9;
	[tilespmem:s8+$0x0] =	vst v10  }
0x1a4: {  	[tilespmem:s8+$0xFFFFFFA0] =	vst v8;
	v6 =	vmul.f32 $6.400000000e+01, v6  }
0x1a5: {  	[tilespmem:s8+$0xFFFFFFB0] =	vst v9;
	v4 =	vmul.f32 $6.400000000e+01, v4  }
0x1a6: {  	[tilespmem:s8+$0xFFFFFFC0] =	vst v6;
	v3 =	vmul.f32 $6.400000000e+01, v3  }
0x1a7: {  	[tilespmem:s8+$0xFFFFFFD0] =	vst v4;
	v4 =	vmul.f32 $6.400000000e+01, v5  }
0x1a8: {  	v5 =	vmul.f32 $6.400000000e+01, v7;
	[tilespmem:s8+$0xFFFFFFE0] =	vst v3  }
0x1a9: {  	[tilespmem:s8+$0xFFFFFFF0] =	vst v4  }
0x1aa: {  	[tilespmem:s8+$0xFFFFFF90] =	vst v5  }
0x1ab: {  	v5 =	vld [tilespmem:s9+$0x0]  }
0x1ac: {  	v7 =	vld [tilespmem:s9+$0xFFFFFFA0]  }
0x1ad: {  	v9 =	vld [tilespmem:s9+$0xFFFFFFB0]  }
0x1ae: {  	v6 =	vld [tilespmem:s9+$0xFFFFFFC0]  }
0x1af: {  	v4 =	vld [tilespmem:s9+$0xFFFFFFD0]  }
0x1b0: {  	v3 =	vld [tilespmem:s9+$0xFFFFFFE0];
	v10 =	vmul.f32 $6.400000000e+01, v5  }
0x1b1: {  	v5 =	vld [tilespmem:s9+$0xFFFFFFF0];
	v8 =	vmul.f32 $6.400000000e+01, v7  }
0x1b2: {  	s10 =	simm.s32 $0x0;
	s7 =	simm.s32 $0x6770;
	s8 =	simm.s32 $0x63F0;
	v7 =	vld [tilespmem:s9+$0xFFFFFF90];
	v9 =	vmul.f32 $6.400000000e+01, v9;
	[tilespmem:s9+$0x0] =	vst v10  }
.LBB2_31:
0x1b3: {  	v10 =	vld [tilespmem:s7+$0x0];
	s10 =	sadd.s32 $0x8, s10;
	[tilespmem:s9+$0xFFFFFFA0] =	vst v8;
	v6 =	vmul.f32 $6.400000000e+01, v6  }
0x1b4: {  	v8 =	vld [tilespmem:s7+$0xFFFFFFA0];
	p1 =	slt.u32 s10, $0xB8;
	[tilespmem:s9+$0xFFFFFFB0] =	vst v9;
	v4 =	vmul.f32 $6.400000000e+01, v4  }
0x1b5: {  	v9 =	vld [tilespmem:s7+$0xFFFFFFB0];
	[tilespmem:s9+$0xFFFFFFC0] =	vst v6;
	v3 =	vmul.f32 $6.400000000e+01, v3  }
.Ltmp14:
0x1b6: {  	v6 =	vld [tilespmem:s7+$0xFFFFFFC0];
	[tilespmem:s9+$0xFFFFFFD0] =	vst v4;
	v5 =	vmul.f32 $6.400000000e+01, v5;
	(pc) =	sbr.rel @p1 .LBB2_31-.Ltmp14, $4  }
0x1b7: {  	v4 =	vld [tilespmem:s7+$0xFFFFFFD0];
	v7 =	vmul.f32 $6.400000000e+01, v7;
	[tilespmem:s9+$0xFFFFFFE0] =	vst v3  }
0x1b8: {  	v3 =	vld [tilespmem:s7+$0xFFFFFFE0];
	v10 =	vmul.f32 $6.400000000e+01, v10;
	[tilespmem:s9+$0xFFFFFFF0] =	vst v5  }
0x1b9: {  	v8 =	vmul.f32 $6.400000000e+01, v8;
	v5 =	vld [tilespmem:s7+$0xFFFFFFF0];
	[tilespmem:s9+$0xFFFFFF90] =	vst v7;
	s9 =	smov.u32 s7  }
0x1ba: {  	s7 =	sadd.s32 $0x400, s7;
	v7 =	vld [tilespmem:s9+$0xFFFFFF90];
	v9 =	vmul.f32 $6.400000000e+01, v9;
	[tilespmem:s9+$0x0] =	vst v10  }
0x1bb: {  	[tilespmem:s9+$0xFFFFFFA0] =	vst v8;
	v6 =	vmul.f32 $6.400000000e+01, v6  }
0x1bc: {  	[tilespmem:s9+$0xFFFFFFB0] =	vst v9;
	v4 =	vmul.f32 $6.400000000e+01, v4  }
0x1bd: {  	[tilespmem:s9+$0xFFFFFFC0] =	vst v6;
	v3 =	vmul.f32 $6.400000000e+01, v3  }
0x1be: {  	[tilespmem:s9+$0xFFFFFFD0] =	vst v4;
	v4 =	vmul.f32 $6.400000000e+01, v5  }
0x1bf: {  	v5 =	vmul.f32 $6.400000000e+01, v7;
	[tilespmem:s9+$0xFFFFFFE0] =	vst v3  }
0x1c0: {  	[tilespmem:s9+$0xFFFFFFF0] =	vst v4  }
0x1c1: {  	[tilespmem:s9+$0xFFFFFF90] =	vst v5  }
0x1c2: {  	v4 =	vld [tilespmem:s8+$0x0]  }
0x1c3: {  	v7 =	vld [tilespmem:s8+$0xFFFFFFA0]  }
0x1c4: {  	v9 =	vld [tilespmem:s8+$0xFFFFFFB0]  }
0x1c5: {  	v6 =	vld [tilespmem:s8+$0xFFFFFFC0]  }
0x1c6: {  	v5 =	vld [tilespmem:s8+$0xFFFFFFD0]  }
0x1c7: {  	v3 =	vld [tilespmem:s8+$0xFFFFFFE0];
	v10 =	vmul.f32 $6.400000000e+01, v4  }
0x1c8: {  	v4 =	vld [tilespmem:s8+$0xFFFFFFF0];
	v8 =	vmul.f32 $6.400000000e+01, v7  }
0x1c9: {  	s7 =	simm.s32 $0x67F0;
	s9 =	simm.s32 $0x0;
	v7 =	vld [tilespmem:s8+$0xFFFFFF90];
	v9 =	vmul.f32 $6.400000000e+01, v9;
	[tilespmem:s8+$0x0] =	vst v10  }
.LBB2_33:
0x1ca: {  	v10 =	vld [tilespmem:s7+$0x0];
	s9 =	sadd.s32 $0x8, s9;
	[tilespmem:s8+$0xFFFFFFA0] =	vst v8;
	v6 =	vmul.f32 $6.400000000e+01, v6  }
0x1cb: {  	v8 =	vld [tilespmem:s7+$0xFFFFFFA0];
	p1 =	slt.u32 s9, $0xB8;
	[tilespmem:s8+$0xFFFFFFB0] =	vst v9;
	v5 =	vmul.f32 $6.400000000e+01, v5  }
0x1cc: {  	v9 =	vld [tilespmem:s7+$0xFFFFFFB0];
	[tilespmem:s8+$0xFFFFFFC0] =	vst v6;
	v3 =	vmul.f32 $6.400000000e+01, v3  }
.Ltmp15:
0x1cd: {  	v6 =	vld [tilespmem:s7+$0xFFFFFFC0];
	[tilespmem:s8+$0xFFFFFFD0] =	vst v5;
	v4 =	vmul.f32 $6.400000000e+01, v4;
	(pc) =	sbr.rel @p1 .LBB2_33-.Ltmp15, $4  }
0x1ce: {  	v5 =	vld [tilespmem:s7+$0xFFFFFFD0];
	v7 =	vmul.f32 $6.400000000e+01, v7;
	[tilespmem:s8+$0xFFFFFFE0] =	vst v3  }
0x1cf: {  	v3 =	vld [tilespmem:s7+$0xFFFFFFE0];
	v10 =	vmul.f32 $6.400000000e+01, v10;
	[tilespmem:s8+$0xFFFFFFF0] =	vst v4  }
0x1d0: {  	v8 =	vmul.f32 $6.400000000e+01, v8;
	v4 =	vld [tilespmem:s7+$0xFFFFFFF0];
	[tilespmem:s8+$0xFFFFFF90] =	vst v7;
	s8 =	smov.u32 s7  }
0x1d1: {  	s7 =	sadd.s32 $0x400, s7;
	v7 =	vld [tilespmem:s8+$0xFFFFFF90];
	v9 =	vmul.f32 $6.400000000e+01, v9;
	[tilespmem:s8+$0x0] =	vst v10  }
0x1d2: {  	[tilespmem:s8+$0xFFFFFFA0] =	vst v8;
	v6 =	vmul.f32 $6.400000000e+01, v6  }
0x1d3: {  	[tilespmem:s8+$0xFFFFFFB0] =	vst v9;
	v5 =	vmul.f32 $6.400000000e+01, v5  }
0x1d4: {  	s1 =	smul.u32 $0x6000, s1;
	[tilespmem:s8+$0xFFFFFFC0] =	vst v6;
	v3 =	vmul.f32 $6.400000000e+01, v3  }
0x1d5: {  	[tilespmem:s8+$0xFFFFFFD0] =	vst v5;
	v4 =	vmul.f32 $6.400000000e+01, v4  }
0x1d6: {  	s1 =	sadd.s32 s31, s1;
	v5 =	vmul.f32 $6.400000000e+01, v7;
	[tilespmem:s8+$0xFFFFFFE0] =	vst v3  }
0x1d7: {  	s1 =	sshrl.u32 s1, $0x3;
	[tilespmem:s8+$0xFFFFFFF0] =	vst v4  }
0x1d8: {  	s1 =	sadd.s32 s6, s1;
	[tilespmem:s8+$0xFFFFFF90] =	vst v5  }
0x1d9: {  	[hbm4b:s1+s3] =	stream.linear.scatter [tilespmem:s13], [sflag:$0x6], $0x6000, $0x38;
	[tilespmem:$0x1B880] =	vst v63  }
0x1da: {  	s1 =	sor.u32 $0x3, s29  }
0x1db: {  	s7 =	smul.u32 $0x6000, s1  }
0x1dc: {  	s8 =	simm.s32 @!p0 $0x8  }
0x1dd: {  	_ =	swait.ge @!p0 [sflag:s8], $0x6000;
	s7 =	sadd.s32 s31, s7  }
0x1de: {  	[sflag:s8] =	ssyncset.done @!p0 $0x0;
	s29 =	sshrl.u32 s7, $0x3  }
0x1df: {  	[sflag:s8] =	ssyncadd.s32 @!p0 $0xFFFFA000;
	s7 =	sadd.s32 s5, s29  }
0x1e0: {  	[tilespmem:s17], [sflag:$0x4] =	stream.linear.gather [hbm4b:s7+s3], $0x6000, $0x38;
	[tilespmem:$0x1B880] =	vst v63  }
0x1e1: {  	_ =	swait.ge [sflag:s18], $0x6000  }
0x1e2: {  	[sflag:s18] =	ssyncset.done $0x0  }
0x1e3: {  	[sflag:s18] =	ssyncadd.s32 $0xFFFFA000  }
0x1e4: {  	v3 =	vld.idx.msk [tilespmem:v2+s11+$0x0], $0xffff;
	_ =	sdelay $0x2  }
0x1e5: {  	s0 =	smul.u32 $0xFFFFF400, s0;
	_ =	sdelay $0x1  }
0x1e6: {  	v3 =	vadd.s32 s0, v3  }
0x1e7: {  	vm1 =	vlt.u32 v3, $0xC00  }
0x1e8: {  	vm1 =	vmand vm1, vm0  }
0x1e9: {  	v3 =	vnsel vm1, $0x0, v3  }
0x1ea: {  	v4 =	vshll.u32 v3, $0x3  }
0x1eb: {  	v3 =	vand.u32 $0x7F, v3;
	v4 =	vand.u32 $0xFFFFFC00, v4  }
0x1ec: {  	v3 =	vor.u32 v4, v3  }
0x1ed: {  	v3 =	vor.u32 v1, v3;
	_ =	sdelay $0x4  }
0x1ee: {  	v4 =	vld.idx.msk [tilespmem:v3+s15+$0x0], vm1;
	_ =	sdelay $0x4  }
0x1ef: {  	v5 =	vmul.f32 v4, v4;
	_ =	sdelay $0x1  }
0x1f0: {  	v5 =	vsub.f32 $1.000000000e+00, v5;
	_ =	sdelay $0x1  }
0x1f1: {  	v5 =	vmax.f32 v5, $0.0e+00  }
0x1f2: {  	v6 =	vshra.s32 v5, $0x1;
	v7 =	vmul.f32 $5.000000000e-01, v5  }
0x1f3: {  	v6 =	vsub.s32 $0x5F3759DF, v6  }
0x1f4: {  	v8 =	vmul.f32 v6, v7;
	_ =	sdelay $0x1  }
0x1f5: {  	v8 =	vmul.f32 v6, v8;
	_ =	sdelay $0x1  }
0x1f6: {  	v8 =	vsub.f32 $1.500000000e+00, v8;
	_ =	sdelay $0x1  }
0x1f7: {  	v6 =	vmul.f32 v6, v8;
	_ =	sdelay $0x1  }
0x1f8: {  	v8 =	vmul.f32 v6, v7;
	_ =	sdelay $0x1  }
0x1f9: {  	v8 =	vmul.f32 v8, v6;
	_ =	sdelay $0x1  }
0x1fa: {  	v8 =	vsub.f32 $1.500000000e+00, v8;
	_ =	sdelay $0x1  }
0x1fb: {  	v6 =	vmul.f32 v8, v6;
	_ =	sdelay $0x1  }
0x1fc: {  	v7 =	vmul.f32 v6, v7;
	_ =	sdelay $0x1  }
0x1fd: {  	v7 =	vmul.f32 v7, v6;
	_ =	sdelay $0x1  }
0x1fe: {  	v7 =	vsub.f32 $1.500000000e+00, v7;
	_ =	sdelay $0x1  }
0x1ff: {  	v6 =	vmul.f32 v7, v6;
	_ =	sdelay $0x1  }
0x200: {  	v5 =	vmul.f32 v6, v5;
	_ =	sdelay $0x1  }
0x201: {  	v4 =	vmul.f32 $8.775825500e-01, v4;
	v5 =	vmul.f32 $-4.794255500e-01, v5;
	_ =	sdelay $0x1  }
0x202: {  	v4 =	vadd.f32 v5, v4;
	_ =	sdelay $0x1  }
0x203: {  	s8 =	simm.s32 $0xC040;
	[tilespmem:v3+s15+$0x0] =	vst.idx.msk vm1, v4  }
0x204: {  	v5 =	vld [tilespmem:s8+$0x30]  }
0x205: {  	v7 =	vld [tilespmem:s8+$0xFFFFFFD0]  }
0x206: {  	v9 =	vld [tilespmem:s8+$0xFFFFFFE0]  }
0x207: {  	v6 =	vld [tilespmem:s8+$0xFFFFFFF0]  }
0x208: {  	v4 =	vld [tilespmem:s8+$0x0]  }
0x209: {  	v3 =	vld [tilespmem:s8+$0x10];
	v10 =	vmul.f32 $6.400000000e+01, v5  }
0x20a: {  	v5 =	vld [tilespmem:s8+$0x20];
	v8 =	vmul.f32 $6.400000000e+01, v7  }
0x20b: {  	s9 =	simm.s32 $0x0;
	s7 =	simm.s32 $0xC440;
	s0 =	simm.s32 $0xC0F0;
	v7 =	vld [tilespmem:s8+$0xFFFFFFC0];
	v9 =	vmul.f32 $6.400000000e+01, v9;
	[tilespmem:s8+$0x30] =	vst v10  }
.LBB2_35:
0x20c: {  	v10 =	vld [tilespmem:s7+$0x30];
	s9 =	sadd.s32 $0x8, s9;
	[tilespmem:s8+$0xFFFFFFD0] =	vst v8;
	v6 =	vmul.f32 $6.400000000e+01, v6  }
0x20d: {  	v8 =	vld [tilespmem:s7+$0xFFFFFFD0];
	p0 =	slt.u32 s9, $0xB8;
	[tilespmem:s8+$0xFFFFFFE0] =	vst v9;
	v4 =	vmul.f32 $6.400000000e+01, v4  }
0x20e: {  	v9 =	vld [tilespmem:s7+$0xFFFFFFE0];
	[tilespmem:s8+$0xFFFFFFF0] =	vst v6;
	v3 =	vmul.f32 $6.400000000e+01, v3  }
.Ltmp16:
0x20f: {  	v6 =	vld [tilespmem:s7+$0xFFFFFFF0];
	[tilespmem:s8+$0x0] =	vst v4;
	v5 =	vmul.f32 $6.400000000e+01, v5;
	(pc) =	sbr.rel @p0 .LBB2_35-.Ltmp16, $4  }
0x210: {  	v4 =	vld [tilespmem:s7+$0x0];
	v7 =	vmul.f32 $6.400000000e+01, v7;
	[tilespmem:s8+$0x10] =	vst v3  }
0x211: {  	v3 =	vld [tilespmem:s7+$0x10];
	v10 =	vmul.f32 $6.400000000e+01, v10;
	[tilespmem:s8+$0x20] =	vst v5  }
0x212: {  	v8 =	vmul.f32 $6.400000000e+01, v8;
	v5 =	vld [tilespmem:s7+$0x20];
	[tilespmem:s8+$0xFFFFFFC0] =	vst v7;
	s8 =	smov.u32 s7  }
0x213: {  	s7 =	sadd.s32 $0x400, s7;
	v7 =	vld [tilespmem:s8+$0xFFFFFFC0];
	v9 =	vmul.f32 $6.400000000e+01, v9;
	[tilespmem:s8+$0x30] =	vst v10  }
0x214: {  	[tilespmem:s8+$0xFFFFFFD0] =	vst v8;
	v6 =	vmul.f32 $6.400000000e+01, v6  }
0x215: {  	[tilespmem:s8+$0xFFFFFFE0] =	vst v9;
	v4 =	vmul.f32 $6.400000000e+01, v4  }
0x216: {  	[tilespmem:s8+$0xFFFFFFF0] =	vst v6;
	v3 =	vmul.f32 $6.400000000e+01, v3  }
0x217: {  	[tilespmem:s8+$0x0] =	vst v4;
	v4 =	vmul.f32 $6.400000000e+01, v5  }
0x218: {  	v5 =	vmul.f32 $6.400000000e+01, v7;
	[tilespmem:s8+$0x10] =	vst v3  }
0x219: {  	[tilespmem:s8+$0x20] =	vst v4  }
0x21a: {  	[tilespmem:s8+$0xFFFFFFC0] =	vst v5  }
0x21b: {  	v5 =	vld [tilespmem:s0+$0x0]  }
0x21c: {  	v7 =	vld [tilespmem:s0+$0xFFFFFFA0]  }
0x21d: {  	v9 =	vld [tilespmem:s0+$0xFFFFFFB0]  }
0x21e: {  	v6 =	vld [tilespmem:s0+$0xFFFFFFC0]  }
0x21f: {  	v4 =	vld [tilespmem:s0+$0xFFFFFFD0]  }
0x220: {  	v3 =	vld [tilespmem:s0+$0xFFFFFFE0];
	v10 =	vmul.f32 $6.400000000e+01, v5  }
0x221: {  	v5 =	vld [tilespmem:s0+$0xFFFFFFF0];
	v8 =	vmul.f32 $6.400000000e+01, v7  }
0x222: {  	s9 =	simm.s32 $0x0;
	s7 =	simm.s32 $0xC4F0;
	s8 =	simm.s32 $0xC170;
	v7 =	vld [tilespmem:s0+$0xFFFFFF90];
	v9 =	vmul.f32 $6.400000000e+01, v9;
	[tilespmem:s0+$0x0] =	vst v10  }
.LBB2_37:
0x223: {  	v10 =	vld [tilespmem:s7+$0x0];
	s9 =	sadd.s32 $0x8, s9;
	[tilespmem:s0+$0xFFFFFFA0] =	vst v8;
	v6 =	vmul.f32 $6.400000000e+01, v6  }
0x224: {  	v8 =	vld [tilespmem:s7+$0xFFFFFFA0];
	p0 =	slt.u32 s9, $0xB8;
	[tilespmem:s0+$0xFFFFFFB0] =	vst v9;
	v4 =	vmul.f32 $6.400000000e+01, v4  }
0x225: {  	v9 =	vld [tilespmem:s7+$0xFFFFFFB0];
	[tilespmem:s0+$0xFFFFFFC0] =	vst v6;
	v3 =	vmul.f32 $6.400000000e+01, v3  }
.Ltmp17:
0x226: {  	v6 =	vld [tilespmem:s7+$0xFFFFFFC0];
	[tilespmem:s0+$0xFFFFFFD0] =	vst v4;
	v5 =	vmul.f32 $6.400000000e+01, v5;
	(pc) =	sbr.rel @p0 .LBB2_37-.Ltmp17, $4  }
0x227: {  	v4 =	vld [tilespmem:s7+$0xFFFFFFD0];
	v7 =	vmul.f32 $6.400000000e+01, v7;
	[tilespmem:s0+$0xFFFFFFE0] =	vst v3  }
0x228: {  	v3 =	vld [tilespmem:s7+$0xFFFFFFE0];
	v10 =	vmul.f32 $6.400000000e+01, v10;
	[tilespmem:s0+$0xFFFFFFF0] =	vst v5  }
0x229: {  	v8 =	vmul.f32 $6.400000000e+01, v8;
	v5 =	vld [tilespmem:s7+$0xFFFFFFF0];
	[tilespmem:s0+$0xFFFFFF90] =	vst v7;
	s0 =	smov.u32 s7  }
0x22a: {  	s7 =	sadd.s32 $0x400, s7;
	v7 =	vld [tilespmem:s0+$0xFFFFFF90];
	v9 =	vmul.f32 $6.400000000e+01, v9;
	[tilespmem:s0+$0x0] =	vst v10  }
0x22b: {  	[tilespmem:s0+$0xFFFFFFA0] =	vst v8;
	v6 =	vmul.f32 $6.400000000e+01, v6  }
0x22c: {  	[tilespmem:s0+$0xFFFFFFB0] =	vst v9;
	v4 =	vmul.f32 $6.400000000e+01, v4  }
0x22d: {  	[tilespmem:s0+$0xFFFFFFC0] =	vst v6;
	v3 =	vmul.f32 $6.400000000e+01, v3  }
0x22e: {  	[tilespmem:s0+$0xFFFFFFD0] =	vst v4;
	v4 =	vmul.f32 $6.400000000e+01, v5  }
0x22f: {  	v5 =	vmul.f32 $6.400000000e+01, v7;
	[tilespmem:s0+$0xFFFFFFE0] =	vst v3  }
0x230: {  	[tilespmem:s0+$0xFFFFFFF0] =	vst v4  }
0x231: {  	[tilespmem:s0+$0xFFFFFF90] =	vst v5  }
0x232: {  	v5 =	vld [tilespmem:s8+$0x0]  }
0x233: {  	v7 =	vld [tilespmem:s8+$0xFFFFFFA0]  }
0x234: {  	v9 =	vld [tilespmem:s8+$0xFFFFFFB0]  }
0x235: {  	v6 =	vld [tilespmem:s8+$0xFFFFFFC0]  }
0x236: {  	v4 =	vld [tilespmem:s8+$0xFFFFFFD0]  }
0x237: {  	v3 =	vld [tilespmem:s8+$0xFFFFFFE0];
	v10 =	vmul.f32 $6.400000000e+01, v5  }
0x238: {  	v5 =	vld [tilespmem:s8+$0xFFFFFFF0];
	v8 =	vmul.f32 $6.400000000e+01, v7  }
0x239: {  	s9 =	simm.s32 $0x0;
	s7 =	simm.s32 $0xC570;
	s0 =	simm.s32 $0xC1F0;
	v7 =	vld [tilespmem:s8+$0xFFFFFF90];
	v9 =	vmul.f32 $6.400000000e+01, v9;
	[tilespmem:s8+$0x0] =	vst v10  }
.LBB2_39:
0x23a: {  	v10 =	vld [tilespmem:s7+$0x0];
	s9 =	sadd.s32 $0x8, s9;
	[tilespmem:s8+$0xFFFFFFA0] =	vst v8;
	v6 =	vmul.f32 $6.400000000e+01, v6  }
0x23b: {  	v8 =	vld [tilespmem:s7+$0xFFFFFFA0];
	p0 =	slt.u32 s9, $0xB8;
	[tilespmem:s8+$0xFFFFFFB0] =	vst v9;
	v4 =	vmul.f32 $6.400000000e+01, v4  }
0x23c: {  	v9 =	vld [tilespmem:s7+$0xFFFFFFB0];
	[tilespmem:s8+$0xFFFFFFC0] =	vst v6;
	v3 =	vmul.f32 $6.400000000e+01, v3  }
.Ltmp18:
0x23d: {  	v6 =	vld [tilespmem:s7+$0xFFFFFFC0];
	[tilespmem:s8+$0xFFFFFFD0] =	vst v4;
	v5 =	vmul.f32 $6.400000000e+01, v5;
	(pc) =	sbr.rel @p0 .LBB2_39-.Ltmp18, $4  }
0x23e: {  	v4 =	vld [tilespmem:s7+$0xFFFFFFD0];
	v7 =	vmul.f32 $6.400000000e+01, v7;
	[tilespmem:s8+$0xFFFFFFE0] =	vst v3  }
0x23f: {  	v3 =	vld [tilespmem:s7+$0xFFFFFFE0];
	v10 =	vmul.f32 $6.400000000e+01, v10;
	[tilespmem:s8+$0xFFFFFFF0] =	vst v5  }
0x240: {  	v8 =	vmul.f32 $6.400000000e+01, v8;
	v5 =	vld [tilespmem:s7+$0xFFFFFFF0];
	[tilespmem:s8+$0xFFFFFF90] =	vst v7;
	s8 =	smov.u32 s7  }
0x241: {  	s7 =	sadd.s32 $0x400, s7;
	v7 =	vld [tilespmem:s8+$0xFFFFFF90];
	v9 =	vmul.f32 $6.400000000e+01, v9;
	[tilespmem:s8+$0x0] =	vst v10  }
0x242: {  	[tilespmem:s8+$0xFFFFFFA0] =	vst v8;
	v6 =	vmul.f32 $6.400000000e+01, v6  }
0x243: {  	[tilespmem:s8+$0xFFFFFFB0] =	vst v9;
	v4 =	vmul.f32 $6.400000000e+01, v4  }
0x244: {  	[tilespmem:s8+$0xFFFFFFC0] =	vst v6;
	v3 =	vmul.f32 $6.400000000e+01, v3  }
0x245: {  	[tilespmem:s8+$0xFFFFFFD0] =	vst v4;
	v4 =	vmul.f32 $6.400000000e+01, v5  }
0x246: {  	v5 =	vmul.f32 $6.400000000e+01, v7;
	[tilespmem:s8+$0xFFFFFFE0] =	vst v3  }
0x247: {  	[tilespmem:s8+$0xFFFFFFF0] =	vst v4  }
0x248: {  	[tilespmem:s8+$0xFFFFFF90] =	vst v5  }
0x249: {  	v5 =	vld [tilespmem:s0+$0x0]  }
0x24a: {  	v7 =	vld [tilespmem:s0+$0xFFFFFFA0]  }
0x24b: {  	v9 =	vld [tilespmem:s0+$0xFFFFFFB0]  }
0x24c: {  	v6 =	vld [tilespmem:s0+$0xFFFFFFC0]  }
0x24d: {  	v4 =	vld [tilespmem:s0+$0xFFFFFFD0]  }
0x24e: {  	v3 =	vld [tilespmem:s0+$0xFFFFFFE0];
	v10 =	vmul.f32 $6.400000000e+01, v5  }
0x24f: {  	v5 =	vld [tilespmem:s0+$0xFFFFFFF0];
	v8 =	vmul.f32 $6.400000000e+01, v7  }
0x250: {  	s9 =	simm.s32 $0x0;
	s7 =	simm.s32 $0xC5F0;
	s8 =	simm.s32 $0xC270;
	v7 =	vld [tilespmem:s0+$0xFFFFFF90];
	v9 =	vmul.f32 $6.400000000e+01, v9;
	[tilespmem:s0+$0x0] =	vst v10  }
.LBB2_41:
0x251: {  	v10 =	vld [tilespmem:s7+$0x0];
	s9 =	sadd.s32 $0x8, s9;
	[tilespmem:s0+$0xFFFFFFA0] =	vst v8;
	v6 =	vmul.f32 $6.400000000e+01, v6  }
0x252: {  	v8 =	vld [tilespmem:s7+$0xFFFFFFA0];
	p0 =	slt.u32 s9, $0xB8;
	[tilespmem:s0+$0xFFFFFFB0] =	vst v9;
	v4 =	vmul.f32 $6.400000000e+01, v4  }
0x253: {  	v9 =	vld [tilespmem:s7+$0xFFFFFFB0];
	[tilespmem:s0+$0xFFFFFFC0] =	vst v6;
	v3 =	vmul.f32 $6.400000000e+01, v3  }
.Ltmp19:
0x254: {  	v6 =	vld [tilespmem:s7+$0xFFFFFFC0];
	[tilespmem:s0+$0xFFFFFFD0] =	vst v4;
	v5 =	vmul.f32 $6.400000000e+01, v5;
	(pc) =	sbr.rel @p0 .LBB2_41-.Ltmp19, $4  }
0x255: {  	v4 =	vld [tilespmem:s7+$0xFFFFFFD0];
	v7 =	vmul.f32 $6.400000000e+01, v7;
	[tilespmem:s0+$0xFFFFFFE0] =	vst v3  }
0x256: {  	v3 =	vld [tilespmem:s7+$0xFFFFFFE0];
	v10 =	vmul.f32 $6.400000000e+01, v10;
	[tilespmem:s0+$0xFFFFFFF0] =	vst v5  }
0x257: {  	v8 =	vmul.f32 $6.400000000e+01, v8;
	v5 =	vld [tilespmem:s7+$0xFFFFFFF0];
	[tilespmem:s0+$0xFFFFFF90] =	vst v7;
	s0 =	smov.u32 s7  }
0x258: {  	s7 =	sadd.s32 $0x400, s7;
	v7 =	vld [tilespmem:s0+$0xFFFFFF90];
	v9 =	vmul.f32 $6.400000000e+01, v9;
	[tilespmem:s0+$0x0] =	vst v10  }
0x259: {  	[tilespmem:s0+$0xFFFFFFA0] =	vst v8;
	v6 =	vmul.f32 $6.400000000e+01, v6  }
0x25a: {  	[tilespmem:s0+$0xFFFFFFB0] =	vst v9;
	v4 =	vmul.f32 $6.400000000e+01, v4  }
0x25b: {  	[tilespmem:s0+$0xFFFFFFC0] =	vst v6;
	v3 =	vmul.f32 $6.400000000e+01, v3  }
0x25c: {  	[tilespmem:s0+$0xFFFFFFD0] =	vst v4;
	v4 =	vmul.f32 $6.400000000e+01, v5  }
0x25d: {  	v5 =	vmul.f32 $6.400000000e+01, v7;
	[tilespmem:s0+$0xFFFFFFE0] =	vst v3  }
0x25e: {  	[tilespmem:s0+$0xFFFFFFF0] =	vst v4  }
0x25f: {  	[tilespmem:s0+$0xFFFFFF90] =	vst v5  }
0x260: {  	v5 =	vld [tilespmem:s8+$0x0]  }
0x261: {  	v7 =	vld [tilespmem:s8+$0xFFFFFFA0]  }
0x262: {  	v9 =	vld [tilespmem:s8+$0xFFFFFFB0]  }
0x263: {  	v6 =	vld [tilespmem:s8+$0xFFFFFFC0]  }
0x264: {  	v4 =	vld [tilespmem:s8+$0xFFFFFFD0]  }
0x265: {  	v3 =	vld [tilespmem:s8+$0xFFFFFFE0];
	v10 =	vmul.f32 $6.400000000e+01, v5  }
0x266: {  	v5 =	vld [tilespmem:s8+$0xFFFFFFF0];
	v8 =	vmul.f32 $6.400000000e+01, v7  }
0x267: {  	s9 =	simm.s32 $0x0;
	s7 =	simm.s32 $0xC670;
	s0 =	simm.s32 $0xC2F0;
	v7 =	vld [tilespmem:s8+$0xFFFFFF90];
	v9 =	vmul.f32 $6.400000000e+01, v9;
	[tilespmem:s8+$0x0] =	vst v10  }
.LBB2_43:
0x268: {  	v10 =	vld [tilespmem:s7+$0x0];
	s9 =	sadd.s32 $0x8, s9;
	[tilespmem:s8+$0xFFFFFFA0] =	vst v8;
	v6 =	vmul.f32 $6.400000000e+01, v6  }
0x269: {  	v8 =	vld [tilespmem:s7+$0xFFFFFFA0];
	p0 =	slt.u32 s9, $0xB8;
	[tilespmem:s8+$0xFFFFFFB0] =	vst v9;
	v4 =	vmul.f32 $6.400000000e+01, v4  }
0x26a: {  	v9 =	vld [tilespmem:s7+$0xFFFFFFB0];
	[tilespmem:s8+$0xFFFFFFC0] =	vst v6;
	v3 =	vmul.f32 $6.400000000e+01, v3  }
.Ltmp20:
0x26b: {  	v6 =	vld [tilespmem:s7+$0xFFFFFFC0];
	[tilespmem:s8+$0xFFFFFFD0] =	vst v4;
	v5 =	vmul.f32 $6.400000000e+01, v5;
	(pc) =	sbr.rel @p0 .LBB2_43-.Ltmp20, $4  }
0x26c: {  	v4 =	vld [tilespmem:s7+$0xFFFFFFD0];
	v7 =	vmul.f32 $6.400000000e+01, v7;
	[tilespmem:s8+$0xFFFFFFE0] =	vst v3  }
0x26d: {  	v3 =	vld [tilespmem:s7+$0xFFFFFFE0];
	v10 =	vmul.f32 $6.400000000e+01, v10;
	[tilespmem:s8+$0xFFFFFFF0] =	vst v5  }
0x26e: {  	v8 =	vmul.f32 $6.400000000e+01, v8;
	v5 =	vld [tilespmem:s7+$0xFFFFFFF0];
	[tilespmem:s8+$0xFFFFFF90] =	vst v7;
	s8 =	smov.u32 s7  }
0x26f: {  	s7 =	sadd.s32 $0x400, s7;
	v7 =	vld [tilespmem:s8+$0xFFFFFF90];
	v9 =	vmul.f32 $6.400000000e+01, v9;
	[tilespmem:s8+$0x0] =	vst v10  }
0x270: {  	[tilespmem:s8+$0xFFFFFFA0] =	vst v8;
	v6 =	vmul.f32 $6.400000000e+01, v6  }
0x271: {  	[tilespmem:s8+$0xFFFFFFB0] =	vst v9;
	v4 =	vmul.f32 $6.400000000e+01, v4  }
0x272: {  	[tilespmem:s8+$0xFFFFFFC0] =	vst v6;
	v3 =	vmul.f32 $6.400000000e+01, v3  }
0x273: {  	[tilespmem:s8+$0xFFFFFFD0] =	vst v4;
	v4 =	vmul.f32 $6.400000000e+01, v5  }
0x274: {  	v5 =	vmul.f32 $6.400000000e+01, v7;
	[tilespmem:s8+$0xFFFFFFE0] =	vst v3  }
0x275: {  	[tilespmem:s8+$0xFFFFFFF0] =	vst v4  }
0x276: {  	[tilespmem:s8+$0xFFFFFF90] =	vst v5  }
0x277: {  	v5 =	vld [tilespmem:s0+$0x0]  }
0x278: {  	v7 =	vld [tilespmem:s0+$0xFFFFFFA0]  }
0x279: {  	v9 =	vld [tilespmem:s0+$0xFFFFFFB0]  }
0x27a: {  	v6 =	vld [tilespmem:s0+$0xFFFFFFC0]  }
0x27b: {  	v4 =	vld [tilespmem:s0+$0xFFFFFFD0]  }
0x27c: {  	v3 =	vld [tilespmem:s0+$0xFFFFFFE0];
	v10 =	vmul.f32 $6.400000000e+01, v5  }
0x27d: {  	v5 =	vld [tilespmem:s0+$0xFFFFFFF0];
	v8 =	vmul.f32 $6.400000000e+01, v7  }
0x27e: {  	s9 =	simm.s32 $0x0;
	s7 =	simm.s32 $0xC6F0;
	s8 =	simm.s32 $0xC370;
	v7 =	vld [tilespmem:s0+$0xFFFFFF90];
	v9 =	vmul.f32 $6.400000000e+01, v9;
	[tilespmem:s0+$0x0] =	vst v10  }
.LBB2_45:
0x27f: {  	v10 =	vld [tilespmem:s7+$0x0];
	s9 =	sadd.s32 $0x8, s9;
	[tilespmem:s0+$0xFFFFFFA0] =	vst v8;
	v6 =	vmul.f32 $6.400000000e+01, v6  }
0x280: {  	v8 =	vld [tilespmem:s7+$0xFFFFFFA0];
	p0 =	slt.u32 s9, $0xB8;
	[tilespmem:s0+$0xFFFFFFB0] =	vst v9;
	v4 =	vmul.f32 $6.400000000e+01, v4  }
0x281: {  	v9 =	vld [tilespmem:s7+$0xFFFFFFB0];
	[tilespmem:s0+$0xFFFFFFC0] =	vst v6;
	v3 =	vmul.f32 $6.400000000e+01, v3  }
.Ltmp21:
0x282: {  	v6 =	vld [tilespmem:s7+$0xFFFFFFC0];
	[tilespmem:s0+$0xFFFFFFD0] =	vst v4;
	v5 =	vmul.f32 $6.400000000e+01, v5;
	(pc) =	sbr.rel @p0 .LBB2_45-.Ltmp21, $4  }
0x283: {  	v4 =	vld [tilespmem:s7+$0xFFFFFFD0];
	v7 =	vmul.f32 $6.400000000e+01, v7;
	[tilespmem:s0+$0xFFFFFFE0] =	vst v3  }
0x284: {  	v3 =	vld [tilespmem:s7+$0xFFFFFFE0];
	v10 =	vmul.f32 $6.400000000e+01, v10;
	[tilespmem:s0+$0xFFFFFFF0] =	vst v5  }
0x285: {  	v8 =	vmul.f32 $6.400000000e+01, v8;
	v5 =	vld [tilespmem:s7+$0xFFFFFFF0];
	[tilespmem:s0+$0xFFFFFF90] =	vst v7;
	s0 =	smov.u32 s7  }
0x286: {  	s7 =	sadd.s32 $0x400, s7;
	v7 =	vld [tilespmem:s0+$0xFFFFFF90];
	v9 =	vmul.f32 $6.400000000e+01, v9;
	[tilespmem:s0+$0x0] =	vst v10  }
0x287: {  	[tilespmem:s0+$0xFFFFFFA0] =	vst v8;
	v6 =	vmul.f32 $6.400000000e+01, v6  }
0x288: {  	[tilespmem:s0+$0xFFFFFFB0] =	vst v9;
	v4 =	vmul.f32 $6.400000000e+01, v4  }
0x289: {  	[tilespmem:s0+$0xFFFFFFC0] =	vst v6;
	v3 =	vmul.f32 $6.400000000e+01, v3  }
0x28a: {  	[tilespmem:s0+$0xFFFFFFD0] =	vst v4;
	v4 =	vmul.f32 $6.400000000e+01, v5  }
0x28b: {  	v5 =	vmul.f32 $6.400000000e+01, v7;
	[tilespmem:s0+$0xFFFFFFE0] =	vst v3  }
0x28c: {  	[tilespmem:s0+$0xFFFFFFF0] =	vst v4  }
0x28d: {  	[tilespmem:s0+$0xFFFFFF90] =	vst v5  }
0x28e: {  	v5 =	vld [tilespmem:s8+$0x0]  }
0x28f: {  	v7 =	vld [tilespmem:s8+$0xFFFFFFA0]  }
0x290: {  	v9 =	vld [tilespmem:s8+$0xFFFFFFB0]  }
0x291: {  	v6 =	vld [tilespmem:s8+$0xFFFFFFC0]  }
0x292: {  	v4 =	vld [tilespmem:s8+$0xFFFFFFD0]  }
0x293: {  	v3 =	vld [tilespmem:s8+$0xFFFFFFE0];
	v10 =	vmul.f32 $6.400000000e+01, v5  }
0x294: {  	v5 =	vld [tilespmem:s8+$0xFFFFFFF0];
	v8 =	vmul.f32 $6.400000000e+01, v7  }
0x295: {  	s9 =	simm.s32 $0x0;
	s7 =	simm.s32 $0xC770;
	s0 =	simm.s32 $0xC3F0;
	v7 =	vld [tilespmem:s8+$0xFFFFFF90];
	v9 =	vmul.f32 $6.400000000e+01, v9;
	[tilespmem:s8+$0x0] =	vst v10  }
.LBB2_47:
0x296: {  	v10 =	vld [tilespmem:s7+$0x0];
	s9 =	sadd.s32 $0x8, s9;
	[tilespmem:s8+$0xFFFFFFA0] =	vst v8;
	v6 =	vmul.f32 $6.400000000e+01, v6  }
0x297: {  	v8 =	vld [tilespmem:s7+$0xFFFFFFA0];
	p0 =	slt.u32 s9, $0xB8;
	[tilespmem:s8+$0xFFFFFFB0] =	vst v9;
	v4 =	vmul.f32 $6.400000000e+01, v4  }
0x298: {  	v9 =	vld [tilespmem:s7+$0xFFFFFFB0];
	[tilespmem:s8+$0xFFFFFFC0] =	vst v6;
	v3 =	vmul.f32 $6.400000000e+01, v3  }
.Ltmp22:
0x299: {  	v6 =	vld [tilespmem:s7+$0xFFFFFFC0];
	[tilespmem:s8+$0xFFFFFFD0] =	vst v4;
	v5 =	vmul.f32 $6.400000000e+01, v5;
	(pc) =	sbr.rel @p0 .LBB2_47-.Ltmp22, $4  }
0x29a: {  	v4 =	vld [tilespmem:s7+$0xFFFFFFD0];
	v7 =	vmul.f32 $6.400000000e+01, v7;
	[tilespmem:s8+$0xFFFFFFE0] =	vst v3  }
0x29b: {  	v3 =	vld [tilespmem:s7+$0xFFFFFFE0];
	v10 =	vmul.f32 $6.400000000e+01, v10;
	[tilespmem:s8+$0xFFFFFFF0] =	vst v5  }
0x29c: {  	v8 =	vmul.f32 $6.400000000e+01, v8;
	v5 =	vld [tilespmem:s7+$0xFFFFFFF0];
	[tilespmem:s8+$0xFFFFFF90] =	vst v7;
	s8 =	smov.u32 s7  }
0x29d: {  	s7 =	sadd.s32 $0x400, s7;
	v7 =	vld [tilespmem:s8+$0xFFFFFF90];
	v9 =	vmul.f32 $6.400000000e+01, v9;
	[tilespmem:s8+$0x0] =	vst v10  }
0x29e: {  	[tilespmem:s8+$0xFFFFFFA0] =	vst v8;
	v6 =	vmul.f32 $6.400000000e+01, v6  }
0x29f: {  	[tilespmem:s8+$0xFFFFFFB0] =	vst v9;
	v4 =	vmul.f32 $6.400000000e+01, v4  }
0x2a0: {  	[tilespmem:s8+$0xFFFFFFC0] =	vst v6;
	v3 =	vmul.f32 $6.400000000e+01, v3  }
0x2a1: {  	[tilespmem:s8+$0xFFFFFFD0] =	vst v4;
	v4 =	vmul.f32 $6.400000000e+01, v5  }
0x2a2: {  	v5 =	vmul.f32 $6.400000000e+01, v7;
	[tilespmem:s8+$0xFFFFFFE0] =	vst v3  }
0x2a3: {  	[tilespmem:s8+$0xFFFFFFF0] =	vst v4  }
0x2a4: {  	[tilespmem:s8+$0xFFFFFF90] =	vst v5  }
0x2a5: {  	v5 =	vld [tilespmem:s0+$0x0]  }
0x2a6: {  	v7 =	vld [tilespmem:s0+$0xFFFFFFA0]  }
0x2a7: {  	v9 =	vld [tilespmem:s0+$0xFFFFFFB0]  }
0x2a8: {  	v6 =	vld [tilespmem:s0+$0xFFFFFFC0]  }
0x2a9: {  	v4 =	vld [tilespmem:s0+$0xFFFFFFD0]  }
0x2aa: {  	v3 =	vld [tilespmem:s0+$0xFFFFFFE0];
	v10 =	vmul.f32 $6.400000000e+01, v5  }
0x2ab: {  	v5 =	vld [tilespmem:s0+$0xFFFFFFF0];
	v8 =	vmul.f32 $6.400000000e+01, v7  }
0x2ac: {  	s7 =	simm.s32 $0xC7F0;
	s8 =	simm.s32 $0x0;
	v7 =	vld [tilespmem:s0+$0xFFFFFF90];
	v9 =	vmul.f32 $6.400000000e+01, v9;
	[tilespmem:s0+$0x0] =	vst v10  }
.LBB2_49:
0x2ad: {  	v10 =	vld [tilespmem:s7+$0x0];
	s8 =	sadd.s32 $0x8, s8;
	[tilespmem:s0+$0xFFFFFFA0] =	vst v8;
	v6 =	vmul.f32 $6.400000000e+01, v6  }
0x2ae: {  	v8 =	vld [tilespmem:s7+$0xFFFFFFA0];
	p0 =	slt.u32 s8, $0xB8;
	[tilespmem:s0+$0xFFFFFFB0] =	vst v9;
	v4 =	vmul.f32 $6.400000000e+01, v4  }
0x2af: {  	v9 =	vld [tilespmem:s7+$0xFFFFFFB0];
	[tilespmem:s0+$0xFFFFFFC0] =	vst v6;
	v3 =	vmul.f32 $6.400000000e+01, v3  }
.Ltmp23:
0x2b0: {  	v6 =	vld [tilespmem:s7+$0xFFFFFFC0];
	[tilespmem:s0+$0xFFFFFFD0] =	vst v4;
	v5 =	vmul.f32 $6.400000000e+01, v5;
	(pc) =	sbr.rel @p0 .LBB2_49-.Ltmp23, $4  }
0x2b1: {  	v4 =	vld [tilespmem:s7+$0xFFFFFFD0];
	v7 =	vmul.f32 $6.400000000e+01, v7;
	[tilespmem:s0+$0xFFFFFFE0] =	vst v3  }
0x2b2: {  	v3 =	vld [tilespmem:s7+$0xFFFFFFE0];
	v10 =	vmul.f32 $6.400000000e+01, v10;
	[tilespmem:s0+$0xFFFFFFF0] =	vst v5  }
0x2b3: {  	v8 =	vmul.f32 $6.400000000e+01, v8;
	v5 =	vld [tilespmem:s7+$0xFFFFFFF0];
	[tilespmem:s0+$0xFFFFFF90] =	vst v7;
	s0 =	smov.u32 s7  }
0x2b4: {  	s7 =	sadd.s32 $0x400, s7;
	v7 =	vld [tilespmem:s0+$0xFFFFFF90];
	v9 =	vmul.f32 $6.400000000e+01, v9;
	[tilespmem:s0+$0x0] =	vst v10  }
0x2b5: {  	[tilespmem:s0+$0xFFFFFFA0] =	vst v8;
	v6 =	vmul.f32 $6.400000000e+01, v6  }
0x2b6: {  	[tilespmem:s0+$0xFFFFFFB0] =	vst v9;
	v4 =	vmul.f32 $6.400000000e+01, v4  }
0x2b7: {  	[tilespmem:s0+$0xFFFFFFC0] =	vst v6;
	v3 =	vmul.f32 $6.400000000e+01, v3  }
0x2b8: {  	[tilespmem:s0+$0xFFFFFFD0] =	vst v4;
	v4 =	vmul.f32 $6.400000000e+01, v5  }
0x2b9: {  	v5 =	vmul.f32 $6.400000000e+01, v7;
	[tilespmem:s0+$0xFFFFFFE0] =	vst v3  }
0x2ba: {  	p0 =	seq.s32 s26, $0x1F;
	[tilespmem:s0+$0xFFFFFFF0] =	vst v4  }
0x2bb: {  	[tilespmem:s0+$0xFFFFFF90] =	vst v5;
	s0 =	sadd.s32 @!p0 $0x4, s28  }
0x2bc: {  	s7 =	sshrl.u32 @!p0 s0, $0x2  }
0x2bd: {  	s7 =	sand.u32 @!p0 $0x38, s7  }
0x2be: {  	s0 =	sand.u32 @!p0 $0x1C, s0;
	s7 =	sadd.s32 @!p0 s2, s7  }
0x2bf: {  	s0 =	smul.u32 @!p0 $0x6000, s0;
	s7 =	sshrl.u32 @!p0 s7, $0x3  }
0x2c0: {  	s30 =	sadd.s32 s6, s30;
	s8 =	simm.s32 @!p0 $0x5;
	s7 =	smul.u32 @!p0 $0xC3800, s7  }
0x2c1: {  	[hbm4b:s30+s3] =	stream.linear.scatter [tilespmem:s15], [sflag:$0x7], $0x6000, $0x38;
	[tilespmem:$0x1B880] =	vst v63  }
0x2c2: {  	_ =	swait.ge @!p0 [sflag:s8], $0x6000;
	s0 =	sadd.s32 @!p0 s0, s7  }
0x2c3: {  	[sflag:s8] =	ssyncset.done @!p0 $0x0;
	s0 =	sshrl.u32 @!p0 s0, $0x3  }
0x2c4: {  	[sflag:s8] =	ssyncadd.s32 @!p0 $0xFFFFA000;
	s7 =	simm.s32 @!p0 $0x0;
	s0 =	sadd.s32 @!p0 s5, s0  }
0x2c5: {  	[tilespmem:s7], [sflag:$0x1] =	stream.linear.gather @!p0 [hbm4b:s0+s7], $0x6000, $0x38;
	[tilespmem:$0x1B880] =	vst v63  }
0x2c6: {  	_ =	swait.ge [sflag:s19], $0x6000  }
0x2c7: {  	[sflag:s19] =	ssyncset.done $0x0  }
0x2c8: {  	[sflag:s19] =	ssyncadd.s32 $0xFFFFA000  }
0x2c9: {  	v2 =	vld.idx.msk [tilespmem:v2+s11+$0x0], $0xffff;
	_ =	sdelay $0x2  }
0x2ca: {  	s31 =	smul.u32 $0xFFFFF400, s1;
	_ =	sdelay $0x1  }
0x2cb: {  	v2 =	vadd.s32 s31, v2  }
0x2cc: {  	vm1 =	vlt.u32 v2, $0xC00  }
0x2cd: {  	vm1 =	vmand vm1, vm0  }
0x2ce: {  	v2 =	vnsel vm1, $0x0, v2  }
0x2cf: {  	v3 =	vshll.u32 v2, $0x3  }
0x2d0: {  	v2 =	vand.u32 $0x7F, v2;
	v3 =	vand.u32 $0xFFFFFC00, v3  }
0x2d1: {  	v2 =	vor.u32 v3, v2  }
0x2d2: {  	v2 =	vor.u32 v1, v2;
	_ =	sdelay $0x4  }
0x2d3: {  	v3 =	vld.idx.msk [tilespmem:v2+s17+$0x0], vm1;
	_ =	sdelay $0x4  }
0x2d4: {  	v4 =	vmul.f32 v3, v3;
	_ =	sdelay $0x1  }
0x2d5: {  	v4 =	vsub.f32 $1.000000000e+00, v4;
	_ =	sdelay $0x1  }
0x2d6: {  	v4 =	vmax.f32 v4, $0.0e+00  }
0x2d7: {  	v5 =	vshra.s32 v4, $0x1;
	v6 =	vmul.f32 $5.000000000e-01, v4  }
0x2d8: {  	v5 =	vsub.s32 $0x5F3759DF, v5  }
0x2d9: {  	v7 =	vmul.f32 v5, v6;
	_ =	sdelay $0x1  }
0x2da: {  	v7 =	vmul.f32 v5, v7;
	_ =	sdelay $0x1  }
0x2db: {  	v7 =	vsub.f32 $1.500000000e+00, v7;
	_ =	sdelay $0x1  }
0x2dc: {  	v5 =	vmul.f32 v5, v7;
	_ =	sdelay $0x1  }
0x2dd: {  	v7 =	vmul.f32 v5, v6;
	_ =	sdelay $0x1  }
0x2de: {  	v7 =	vmul.f32 v7, v5;
	_ =	sdelay $0x1  }
0x2df: {  	v7 =	vsub.f32 $1.500000000e+00, v7;
	_ =	sdelay $0x1  }
0x2e0: {  	v5 =	vmul.f32 v7, v5;
	_ =	sdelay $0x1  }
0x2e1: {  	v6 =	vmul.f32 v5, v6;
	_ =	sdelay $0x1  }
0x2e2: {  	v6 =	vmul.f32 v6, v5;
	_ =	sdelay $0x1  }
0x2e3: {  	v6 =	vsub.f32 $1.500000000e+00, v6;
	_ =	sdelay $0x1  }
0x2e4: {  	v5 =	vmul.f32 v6, v5;
	_ =	sdelay $0x1  }
0x2e5: {  	v4 =	vmul.f32 v5, v4;
	_ =	sdelay $0x1  }
0x2e6: {  	v3 =	vmul.f32 $8.775825500e-01, v3;
	v4 =	vmul.f32 $-4.794255500e-01, v4;
	_ =	sdelay $0x1  }
0x2e7: {  	v3 =	vadd.f32 v4, v3;
	_ =	sdelay $0x1  }
0x2e8: {  	s1 =	simm.s32 $0x12040;
	[tilespmem:v2+s17+$0x0] =	vst.idx.msk vm1, v3  }
0x2e9: {  	v4 =	vld [tilespmem:s1+$0x30]  }
0x2ea: {  	v6 =	vld [tilespmem:s1+$0xFFFFFFD0]  }
0x2eb: {  	v8 =	vld [tilespmem:s1+$0xFFFFFFE0]  }
0x2ec: {  	v5 =	vld [tilespmem:s1+$0xFFFFFFF0]  }
0x2ed: {  	v3 =	vld [tilespmem:s1+$0x0]  }
0x2ee: {  	v2 =	vld [tilespmem:s1+$0x10];
	v9 =	vmul.f32 $6.400000000e+01, v4  }
0x2ef: {  	v4 =	vld [tilespmem:s1+$0x20];
	v7 =	vmul.f32 $6.400000000e+01, v6  }
0x2f0: {  	s8 =	simm.s32 $0x0;
	s7 =	simm.s32 $0x12440;
	s0 =	simm.s32 $0x120F0;
	v6 =	vld [tilespmem:s1+$0xFFFFFFC0];
	v8 =	vmul.f32 $6.400000000e+01, v8;
	[tilespmem:s1+$0x30] =	vst v9  }
.LBB2_51:
0x2f1: {  	v9 =	vld [tilespmem:s7+$0x30];
	s8 =	sadd.s32 $0x8, s8;
	[tilespmem:s1+$0xFFFFFFD0] =	vst v7;
	v5 =	vmul.f32 $6.400000000e+01, v5  }
0x2f2: {  	v7 =	vld [tilespmem:s7+$0xFFFFFFD0];
	p1 =	slt.u32 s8, $0xB8;
	[tilespmem:s1+$0xFFFFFFE0] =	vst v8;
	v3 =	vmul.f32 $6.400000000e+01, v3  }
0x2f3: {  	v8 =	vld [tilespmem:s7+$0xFFFFFFE0];
	[tilespmem:s1+$0xFFFFFFF0] =	vst v5;
	v2 =	vmul.f32 $6.400000000e+01, v2  }
.Ltmp24:
0x2f4: {  	v5 =	vld [tilespmem:s7+$0xFFFFFFF0];
	[tilespmem:s1+$0x0] =	vst v3;
	v4 =	vmul.f32 $6.400000000e+01, v4;
	(pc) =	sbr.rel @p1 .LBB2_51-.Ltmp24, $4  }
0x2f5: {  	v3 =	vld [tilespmem:s7+$0x0];
	v6 =	vmul.f32 $6.400000000e+01, v6;
	[tilespmem:s1+$0x10] =	vst v2  }
0x2f6: {  	v2 =	vld [tilespmem:s7+$0x10];
	v9 =	vmul.f32 $6.400000000e+01, v9;
	[tilespmem:s1+$0x20] =	vst v4  }
0x2f7: {  	v7 =	vmul.f32 $6.400000000e+01, v7;
	v4 =	vld [tilespmem:s7+$0x20];
	[tilespmem:s1+$0xFFFFFFC0] =	vst v6;
	s1 =	smov.u32 s7  }
0x2f8: {  	s7 =	sadd.s32 $0x400, s7;
	v6 =	vld [tilespmem:s1+$0xFFFFFFC0];
	v8 =	vmul.f32 $6.400000000e+01, v8;
	[tilespmem:s1+$0x30] =	vst v9  }
0x2f9: {  	[tilespmem:s1+$0xFFFFFFD0] =	vst v7;
	v5 =	vmul.f32 $6.400000000e+01, v5  }
0x2fa: {  	[tilespmem:s1+$0xFFFFFFE0] =	vst v8;
	v3 =	vmul.f32 $6.400000000e+01, v3  }
0x2fb: {  	[tilespmem:s1+$0xFFFFFFF0] =	vst v5;
	v2 =	vmul.f32 $6.400000000e+01, v2  }
0x2fc: {  	[tilespmem:s1+$0x0] =	vst v3;
	v3 =	vmul.f32 $6.400000000e+01, v4  }
0x2fd: {  	v4 =	vmul.f32 $6.400000000e+01, v6;
	[tilespmem:s1+$0x10] =	vst v2  }
0x2fe: {  	[tilespmem:s1+$0x20] =	vst v3  }
0x2ff: {  	[tilespmem:s1+$0xFFFFFFC0] =	vst v4  }
0x300: {  	v4 =	vld [tilespmem:s0+$0x0]  }
0x301: {  	v6 =	vld [tilespmem:s0+$0xFFFFFFA0]  }
0x302: {  	v8 =	vld [tilespmem:s0+$0xFFFFFFB0]  }
0x303: {  	v5 =	vld [tilespmem:s0+$0xFFFFFFC0]  }
0x304: {  	v3 =	vld [tilespmem:s0+$0xFFFFFFD0]  }
0x305: {  	v2 =	vld [tilespmem:s0+$0xFFFFFFE0];
	v9 =	vmul.f32 $6.400000000e+01, v4  }
0x306: {  	v4 =	vld [tilespmem:s0+$0xFFFFFFF0];
	v7 =	vmul.f32 $6.400000000e+01, v6  }
0x307: {  	s8 =	simm.s32 $0x0;
	s7 =	simm.s32 $0x124F0;
	s1 =	simm.s32 $0x12170;
	v6 =	vld [tilespmem:s0+$0xFFFFFF90];
	v8 =	vmul.f32 $6.400000000e+01, v8;
	[tilespmem:s0+$0x0] =	vst v9  }
.LBB2_53:
0x308: {  	v9 =	vld [tilespmem:s7+$0x0];
	s8 =	sadd.s32 $0x8, s8;
	[tilespmem:s0+$0xFFFFFFA0] =	vst v7;
	v5 =	vmul.f32 $6.400000000e+01, v5  }
0x309: {  	v7 =	vld [tilespmem:s7+$0xFFFFFFA0];
	p1 =	slt.u32 s8, $0xB8;
	[tilespmem:s0+$0xFFFFFFB0] =	vst v8;
	v3 =	vmul.f32 $6.400000000e+01, v3  }
0x30a: {  	v8 =	vld [tilespmem:s7+$0xFFFFFFB0];
	[tilespmem:s0+$0xFFFFFFC0] =	vst v5;
	v2 =	vmul.f32 $6.400000000e+01, v2  }
.Ltmp25:
0x30b: {  	v5 =	vld [tilespmem:s7+$0xFFFFFFC0];
	[tilespmem:s0+$0xFFFFFFD0] =	vst v3;
	v4 =	vmul.f32 $6.400000000e+01, v4;
	(pc) =	sbr.rel @p1 .LBB2_53-.Ltmp25, $4  }
0x30c: {  	v3 =	vld [tilespmem:s7+$0xFFFFFFD0];
	v6 =	vmul.f32 $6.400000000e+01, v6;
	[tilespmem:s0+$0xFFFFFFE0] =	vst v2  }
0x30d: {  	v2 =	vld [tilespmem:s7+$0xFFFFFFE0];
	v9 =	vmul.f32 $6.400000000e+01, v9;
	[tilespmem:s0+$0xFFFFFFF0] =	vst v4  }
0x30e: {  	v7 =	vmul.f32 $6.400000000e+01, v7;
	v4 =	vld [tilespmem:s7+$0xFFFFFFF0];
	[tilespmem:s0+$0xFFFFFF90] =	vst v6;
	s0 =	smov.u32 s7  }
0x30f: {  	s7 =	sadd.s32 $0x400, s7;
	v6 =	vld [tilespmem:s0+$0xFFFFFF90];
	v8 =	vmul.f32 $6.400000000e+01, v8;
	[tilespmem:s0+$0x0] =	vst v9  }
0x310: {  	[tilespmem:s0+$0xFFFFFFA0] =	vst v7;
	v5 =	vmul.f32 $6.400000000e+01, v5  }
0x311: {  	[tilespmem:s0+$0xFFFFFFB0] =	vst v8;
	v3 =	vmul.f32 $6.400000000e+01, v3  }
0x312: {  	[tilespmem:s0+$0xFFFFFFC0] =	vst v5;
	v2 =	vmul.f32 $6.400000000e+01, v2  }
0x313: {  	[tilespmem:s0+$0xFFFFFFD0] =	vst v3;
	v3 =	vmul.f32 $6.400000000e+01, v4  }
0x314: {  	v4 =	vmul.f32 $6.400000000e+01, v6;
	[tilespmem:s0+$0xFFFFFFE0] =	vst v2  }
0x315: {  	[tilespmem:s0+$0xFFFFFFF0] =	vst v3  }
0x316: {  	[tilespmem:s0+$0xFFFFFF90] =	vst v4  }
0x317: {  	v4 =	vld [tilespmem:s1+$0x0]  }
0x318: {  	v6 =	vld [tilespmem:s1+$0xFFFFFFA0]  }
0x319: {  	v8 =	vld [tilespmem:s1+$0xFFFFFFB0]  }
0x31a: {  	v5 =	vld [tilespmem:s1+$0xFFFFFFC0]  }
0x31b: {  	v3 =	vld [tilespmem:s1+$0xFFFFFFD0]  }
0x31c: {  	v2 =	vld [tilespmem:s1+$0xFFFFFFE0];
	v9 =	vmul.f32 $6.400000000e+01, v4  }
0x31d: {  	v4 =	vld [tilespmem:s1+$0xFFFFFFF0];
	v7 =	vmul.f32 $6.400000000e+01, v6  }
0x31e: {  	s8 =	simm.s32 $0x0;
	s7 =	simm.s32 $0x12570;
	s0 =	simm.s32 $0x121F0;
	v6 =	vld [tilespmem:s1+$0xFFFFFF90];
	v8 =	vmul.f32 $6.400000000e+01, v8;
	[tilespmem:s1+$0x0] =	vst v9  }
.LBB2_55:
0x31f: {  	v9 =	vld [tilespmem:s7+$0x0];
	s8 =	sadd.s32 $0x8, s8;
	[tilespmem:s1+$0xFFFFFFA0] =	vst v7;
	v5 =	vmul.f32 $6.400000000e+01, v5  }
0x320: {  	v7 =	vld [tilespmem:s7+$0xFFFFFFA0];
	p1 =	slt.u32 s8, $0xB8;
	[tilespmem:s1+$0xFFFFFFB0] =	vst v8;
	v3 =	vmul.f32 $6.400000000e+01, v3  }
0x321: {  	v8 =	vld [tilespmem:s7+$0xFFFFFFB0];
	[tilespmem:s1+$0xFFFFFFC0] =	vst v5;
	v2 =	vmul.f32 $6.400000000e+01, v2  }
.Ltmp26:
0x322: {  	v5 =	vld [tilespmem:s7+$0xFFFFFFC0];
	[tilespmem:s1+$0xFFFFFFD0] =	vst v3;
	v4 =	vmul.f32 $6.400000000e+01, v4;
	(pc) =	sbr.rel @p1 .LBB2_55-.Ltmp26, $4  }
0x323: {  	v3 =	vld [tilespmem:s7+$0xFFFFFFD0];
	v6 =	vmul.f32 $6.400000000e+01, v6;
	[tilespmem:s1+$0xFFFFFFE0] =	vst v2  }
0x324: {  	v2 =	vld [tilespmem:s7+$0xFFFFFFE0];
	v9 =	vmul.f32 $6.400000000e+01, v9;
	[tilespmem:s1+$0xFFFFFFF0] =	vst v4  }
0x325: {  	v7 =	vmul.f32 $6.400000000e+01, v7;
	v4 =	vld [tilespmem:s7+$0xFFFFFFF0];
	[tilespmem:s1+$0xFFFFFF90] =	vst v6;
	s1 =	smov.u32 s7  }
0x326: {  	s7 =	sadd.s32 $0x400, s7;
	v6 =	vld [tilespmem:s1+$0xFFFFFF90];
	v8 =	vmul.f32 $6.400000000e+01, v8;
	[tilespmem:s1+$0x0] =	vst v9  }
0x327: {  	[tilespmem:s1+$0xFFFFFFA0] =	vst v7;
	v5 =	vmul.f32 $6.400000000e+01, v5  }
0x328: {  	[tilespmem:s1+$0xFFFFFFB0] =	vst v8;
	v3 =	vmul.f32 $6.400000000e+01, v3  }
0x329: {  	[tilespmem:s1+$0xFFFFFFC0] =	vst v5;
	v2 =	vmul.f32 $6.400000000e+01, v2  }
0x32a: {  	[tilespmem:s1+$0xFFFFFFD0] =	vst v3;
	v3 =	vmul.f32 $6.400000000e+01, v4  }
0x32b: {  	v4 =	vmul.f32 $6.400000000e+01, v6;
	[tilespmem:s1+$0xFFFFFFE0] =	vst v2  }
0x32c: {  	[tilespmem:s1+$0xFFFFFFF0] =	vst v3  }
0x32d: {  	[tilespmem:s1+$0xFFFFFF90] =	vst v4  }
0x32e: {  	v4 =	vld [tilespmem:s0+$0x0]  }
0x32f: {  	v6 =	vld [tilespmem:s0+$0xFFFFFFA0]  }
0x330: {  	v8 =	vld [tilespmem:s0+$0xFFFFFFB0]  }
0x331: {  	v5 =	vld [tilespmem:s0+$0xFFFFFFC0]  }
0x332: {  	v3 =	vld [tilespmem:s0+$0xFFFFFFD0]  }
0x333: {  	v2 =	vld [tilespmem:s0+$0xFFFFFFE0];
	v9 =	vmul.f32 $6.400000000e+01, v4  }
0x334: {  	v4 =	vld [tilespmem:s0+$0xFFFFFFF0];
	v7 =	vmul.f32 $6.400000000e+01, v6  }
0x335: {  	s8 =	simm.s32 $0x0;
	s7 =	simm.s32 $0x125F0;
	s1 =	simm.s32 $0x12270;
	v6 =	vld [tilespmem:s0+$0xFFFFFF90];
	v8 =	vmul.f32 $6.400000000e+01, v8;
	[tilespmem:s0+$0x0] =	vst v9  }
.LBB2_57:
0x336: {  	v9 =	vld [tilespmem:s7+$0x0];
	s8 =	sadd.s32 $0x8, s8;
	[tilespmem:s0+$0xFFFFFFA0] =	vst v7;
	v5 =	vmul.f32 $6.400000000e+01, v5  }
0x337: {  	v7 =	vld [tilespmem:s7+$0xFFFFFFA0];
	p1 =	slt.u32 s8, $0xB8;
	[tilespmem:s0+$0xFFFFFFB0] =	vst v8;
	v3 =	vmul.f32 $6.400000000e+01, v3  }
0x338: {  	v8 =	vld [tilespmem:s7+$0xFFFFFFB0];
	[tilespmem:s0+$0xFFFFFFC0] =	vst v5;
	v2 =	vmul.f32 $6.400000000e+01, v2  }
.Ltmp27:
0x339: {  	v5 =	vld [tilespmem:s7+$0xFFFFFFC0];
	[tilespmem:s0+$0xFFFFFFD0] =	vst v3;
	v4 =	vmul.f32 $6.400000000e+01, v4;
	(pc) =	sbr.rel @p1 .LBB2_57-.Ltmp27, $4  }
0x33a: {  	v3 =	vld [tilespmem:s7+$0xFFFFFFD0];
	v6 =	vmul.f32 $6.400000000e+01, v6;
	[tilespmem:s0+$0xFFFFFFE0] =	vst v2  }
0x33b: {  	v2 =	vld [tilespmem:s7+$0xFFFFFFE0];
	v9 =	vmul.f32 $6.400000000e+01, v9;
	[tilespmem:s0+$0xFFFFFFF0] =	vst v4  }
0x33c: {  	v7 =	vmul.f32 $6.400000000e+01, v7;
	v4 =	vld [tilespmem:s7+$0xFFFFFFF0];
	[tilespmem:s0+$0xFFFFFF90] =	vst v6;
	s0 =	smov.u32 s7  }
0x33d: {  	s7 =	sadd.s32 $0x400, s7;
	v6 =	vld [tilespmem:s0+$0xFFFFFF90];
	v8 =	vmul.f32 $6.400000000e+01, v8;
	[tilespmem:s0+$0x0] =	vst v9  }
0x33e: {  	[tilespmem:s0+$0xFFFFFFA0] =	vst v7;
	v5 =	vmul.f32 $6.400000000e+01, v5  }
0x33f: {  	[tilespmem:s0+$0xFFFFFFB0] =	vst v8;
	v3 =	vmul.f32 $6.400000000e+01, v3  }
0x340: {  	[tilespmem:s0+$0xFFFFFFC0] =	vst v5;
	v2 =	vmul.f32 $6.400000000e+01, v2  }
0x341: {  	[tilespmem:s0+$0xFFFFFFD0] =	vst v3;
	v3 =	vmul.f32 $6.400000000e+01, v4  }
0x342: {  	v4 =	vmul.f32 $6.400000000e+01, v6;
	[tilespmem:s0+$0xFFFFFFE0] =	vst v2  }
0x343: {  	[tilespmem:s0+$0xFFFFFFF0] =	vst v3  }
0x344: {  	[tilespmem:s0+$0xFFFFFF90] =	vst v4  }
0x345: {  	v4 =	vld [tilespmem:s1+$0x0]  }
0x346: {  	v6 =	vld [tilespmem:s1+$0xFFFFFFA0]  }
0x347: {  	v8 =	vld [tilespmem:s1+$0xFFFFFFB0]  }
0x348: {  	v5 =	vld [tilespmem:s1+$0xFFFFFFC0]  }
0x349: {  	v3 =	vld [tilespmem:s1+$0xFFFFFFD0]  }
0x34a: {  	v2 =	vld [tilespmem:s1+$0xFFFFFFE0];
	v9 =	vmul.f32 $6.400000000e+01, v4  }
0x34b: {  	v4 =	vld [tilespmem:s1+$0xFFFFFFF0];
	v7 =	vmul.f32 $6.400000000e+01, v6  }
0x34c: {  	s8 =	simm.s32 $0x0;
	s7 =	simm.s32 $0x12670;
	s0 =	simm.s32 $0x122F0;
	v6 =	vld [tilespmem:s1+$0xFFFFFF90];
	v8 =	vmul.f32 $6.400000000e+01, v8;
	[tilespmem:s1+$0x0] =	vst v9  }
.LBB2_59:
0x34d: {  	v9 =	vld [tilespmem:s7+$0x0];
	s8 =	sadd.s32 $0x8, s8;
	[tilespmem:s1+$0xFFFFFFA0] =	vst v7;
	v5 =	vmul.f32 $6.400000000e+01, v5  }
0x34e: {  	v7 =	vld [tilespmem:s7+$0xFFFFFFA0];
	p1 =	slt.u32 s8, $0xB8;
	[tilespmem:s1+$0xFFFFFFB0] =	vst v8;
	v3 =	vmul.f32 $6.400000000e+01, v3  }
0x34f: {  	v8 =	vld [tilespmem:s7+$0xFFFFFFB0];
	[tilespmem:s1+$0xFFFFFFC0] =	vst v5;
	v2 =	vmul.f32 $6.400000000e+01, v2  }
.Ltmp28:
0x350: {  	v5 =	vld [tilespmem:s7+$0xFFFFFFC0];
	[tilespmem:s1+$0xFFFFFFD0] =	vst v3;
	v4 =	vmul.f32 $6.400000000e+01, v4;
	(pc) =	sbr.rel @p1 .LBB2_59-.Ltmp28, $4  }
0x351: {  	v3 =	vld [tilespmem:s7+$0xFFFFFFD0];
	v6 =	vmul.f32 $6.400000000e+01, v6;
	[tilespmem:s1+$0xFFFFFFE0] =	vst v2  }
0x352: {  	v2 =	vld [tilespmem:s7+$0xFFFFFFE0];
	v9 =	vmul.f32 $6.400000000e+01, v9;
	[tilespmem:s1+$0xFFFFFFF0] =	vst v4  }
0x353: {  	v7 =	vmul.f32 $6.400000000e+01, v7;
	v4 =	vld [tilespmem:s7+$0xFFFFFFF0];
	[tilespmem:s1+$0xFFFFFF90] =	vst v6;
	s1 =	smov.u32 s7  }
0x354: {  	s7 =	sadd.s32 $0x400, s7;
	v6 =	vld [tilespmem:s1+$0xFFFFFF90];
	v8 =	vmul.f32 $6.400000000e+01, v8;
	[tilespmem:s1+$0x0] =	vst v9  }
0x355: {  	[tilespmem:s1+$0xFFFFFFA0] =	vst v7;
	v5 =	vmul.f32 $6.400000000e+01, v5  }
0x356: {  	[tilespmem:s1+$0xFFFFFFB0] =	vst v8;
	v3 =	vmul.f32 $6.400000000e+01, v3  }
0x357: {  	[tilespmem:s1+$0xFFFFFFC0] =	vst v5;
	v2 =	vmul.f32 $6.400000000e+01, v2  }
0x358: {  	[tilespmem:s1+$0xFFFFFFD0] =	vst v3;
	v3 =	vmul.f32 $6.400000000e+01, v4  }
0x359: {  	v4 =	vmul.f32 $6.400000000e+01, v6;
	[tilespmem:s1+$0xFFFFFFE0] =	vst v2  }
0x35a: {  	[tilespmem:s1+$0xFFFFFFF0] =	vst v3  }
0x35b: {  	[tilespmem:s1+$0xFFFFFF90] =	vst v4  }
0x35c: {  	v4 =	vld [tilespmem:s0+$0x0]  }
0x35d: {  	v6 =	vld [tilespmem:s0+$0xFFFFFFA0]  }
0x35e: {  	v8 =	vld [tilespmem:s0+$0xFFFFFFB0]  }
0x35f: {  	v5 =	vld [tilespmem:s0+$0xFFFFFFC0]  }
0x360: {  	v3 =	vld [tilespmem:s0+$0xFFFFFFD0]  }
0x361: {  	v2 =	vld [tilespmem:s0+$0xFFFFFFE0];
	v9 =	vmul.f32 $6.400000000e+01, v4  }
0x362: {  	v4 =	vld [tilespmem:s0+$0xFFFFFFF0];
	v7 =	vmul.f32 $6.400000000e+01, v6  }
0x363: {  	s8 =	simm.s32 $0x0;
	s7 =	simm.s32 $0x126F0;
	s1 =	simm.s32 $0x12370;
	v6 =	vld [tilespmem:s0+$0xFFFFFF90];
	v8 =	vmul.f32 $6.400000000e+01, v8;
	[tilespmem:s0+$0x0] =	vst v9  }
.LBB2_61:
0x364: {  	v9 =	vld [tilespmem:s7+$0x0];
	s8 =	sadd.s32 $0x8, s8;
	[tilespmem:s0+$0xFFFFFFA0] =	vst v7;
	v5 =	vmul.f32 $6.400000000e+01, v5  }
0x365: {  	v7 =	vld [tilespmem:s7+$0xFFFFFFA0];
	p1 =	slt.u32 s8, $0xB8;
	[tilespmem:s0+$0xFFFFFFB0] =	vst v8;
	v3 =	vmul.f32 $6.400000000e+01, v3  }
0x366: {  	v8 =	vld [tilespmem:s7+$0xFFFFFFB0];
	[tilespmem:s0+$0xFFFFFFC0] =	vst v5;
	v2 =	vmul.f32 $6.400000000e+01, v2  }
.Ltmp29:
0x367: {  	v5 =	vld [tilespmem:s7+$0xFFFFFFC0];
	[tilespmem:s0+$0xFFFFFFD0] =	vst v3;
	v4 =	vmul.f32 $6.400000000e+01, v4;
	(pc) =	sbr.rel @p1 .LBB2_61-.Ltmp29, $4  }
0x368: {  	v3 =	vld [tilespmem:s7+$0xFFFFFFD0];
	v6 =	vmul.f32 $6.400000000e+01, v6;
	[tilespmem:s0+$0xFFFFFFE0] =	vst v2  }
0x369: {  	v2 =	vld [tilespmem:s7+$0xFFFFFFE0];
	v9 =	vmul.f32 $6.400000000e+01, v9;
	[tilespmem:s0+$0xFFFFFFF0] =	vst v4  }
0x36a: {  	v7 =	vmul.f32 $6.400000000e+01, v7;
	v4 =	vld [tilespmem:s7+$0xFFFFFFF0];
	[tilespmem:s0+$0xFFFFFF90] =	vst v6;
	s0 =	smov.u32 s7  }
0x36b: {  	s7 =	sadd.s32 $0x400, s7;
	v6 =	vld [tilespmem:s0+$0xFFFFFF90];
	v8 =	vmul.f32 $6.400000000e+01, v8;
	[tilespmem:s0+$0x0] =	vst v9  }
0x36c: {  	[tilespmem:s0+$0xFFFFFFA0] =	vst v7;
	v5 =	vmul.f32 $6.400000000e+01, v5  }
0x36d: {  	[tilespmem:s0+$0xFFFFFFB0] =	vst v8;
	v3 =	vmul.f32 $6.400000000e+01, v3  }
0x36e: {  	[tilespmem:s0+$0xFFFFFFC0] =	vst v5;
	v2 =	vmul.f32 $6.400000000e+01, v2  }
0x36f: {  	[tilespmem:s0+$0xFFFFFFD0] =	vst v3;
	v3 =	vmul.f32 $6.400000000e+01, v4  }
0x370: {  	v4 =	vmul.f32 $6.400000000e+01, v6;
	[tilespmem:s0+$0xFFFFFFE0] =	vst v2  }
0x371: {  	[tilespmem:s0+$0xFFFFFFF0] =	vst v3  }
0x372: {  	[tilespmem:s0+$0xFFFFFF90] =	vst v4  }
0x373: {  	v4 =	vld [tilespmem:s1+$0x0]  }
0x374: {  	v6 =	vld [tilespmem:s1+$0xFFFFFFA0]  }
0x375: {  	v8 =	vld [tilespmem:s1+$0xFFFFFFB0]  }
0x376: {  	v5 =	vld [tilespmem:s1+$0xFFFFFFC0]  }
0x377: {  	v3 =	vld [tilespmem:s1+$0xFFFFFFD0]  }
0x378: {  	v2 =	vld [tilespmem:s1+$0xFFFFFFE0];
	v9 =	vmul.f32 $6.400000000e+01, v4  }
0x379: {  	v4 =	vld [tilespmem:s1+$0xFFFFFFF0];
	v7 =	vmul.f32 $6.400000000e+01, v6  }
0x37a: {  	s8 =	simm.s32 $0x0;
	s7 =	simm.s32 $0x12770;
	s0 =	simm.s32 $0x123F0;
	v6 =	vld [tilespmem:s1+$0xFFFFFF90];
	v8 =	vmul.f32 $6.400000000e+01, v8;
	[tilespmem:s1+$0x0] =	vst v9  }
.LBB2_63:
0x37b: {  	v9 =	vld [tilespmem:s7+$0x0];
	s8 =	sadd.s32 $0x8, s8;
	[tilespmem:s1+$0xFFFFFFA0] =	vst v7;
	v5 =	vmul.f32 $6.400000000e+01, v5  }
0x37c: {  	v7 =	vld [tilespmem:s7+$0xFFFFFFA0];
	p1 =	slt.u32 s8, $0xB8;
	[tilespmem:s1+$0xFFFFFFB0] =	vst v8;
	v3 =	vmul.f32 $6.400000000e+01, v3  }
0x37d: {  	v8 =	vld [tilespmem:s7+$0xFFFFFFB0];
	[tilespmem:s1+$0xFFFFFFC0] =	vst v5;
	v2 =	vmul.f32 $6.400000000e+01, v2  }
.Ltmp30:
0x37e: {  	v5 =	vld [tilespmem:s7+$0xFFFFFFC0];
	[tilespmem:s1+$0xFFFFFFD0] =	vst v3;
	v4 =	vmul.f32 $6.400000000e+01, v4;
	(pc) =	sbr.rel @p1 .LBB2_63-.Ltmp30, $4  }
0x37f: {  	v3 =	vld [tilespmem:s7+$0xFFFFFFD0];
	v6 =	vmul.f32 $6.400000000e+01, v6;
	[tilespmem:s1+$0xFFFFFFE0] =	vst v2  }
0x380: {  	v2 =	vld [tilespmem:s7+$0xFFFFFFE0];
	v9 =	vmul.f32 $6.400000000e+01, v9;
	[tilespmem:s1+$0xFFFFFFF0] =	vst v4  }
0x381: {  	v7 =	vmul.f32 $6.400000000e+01, v7;
	v4 =	vld [tilespmem:s7+$0xFFFFFFF0];
	[tilespmem:s1+$0xFFFFFF90] =	vst v6;
	s1 =	smov.u32 s7  }
0x382: {  	s7 =	sadd.s32 $0x400, s7;
	v6 =	vld [tilespmem:s1+$0xFFFFFF90];
	v8 =	vmul.f32 $6.400000000e+01, v8;
	[tilespmem:s1+$0x0] =	vst v9  }
0x383: {  	[tilespmem:s1+$0xFFFFFFA0] =	vst v7;
	v5 =	vmul.f32 $6.400000000e+01, v5  }
0x384: {  	[tilespmem:s1+$0xFFFFFFB0] =	vst v8;
	v3 =	vmul.f32 $6.400000000e+01, v3  }
0x385: {  	[tilespmem:s1+$0xFFFFFFC0] =	vst v5;
	v2 =	vmul.f32 $6.400000000e+01, v2  }
0x386: {  	[tilespmem:s1+$0xFFFFFFD0] =	vst v3;
	v3 =	vmul.f32 $6.400000000e+01, v4  }
0x387: {  	v4 =	vmul.f32 $6.400000000e+01, v6;
	[tilespmem:s1+$0xFFFFFFE0] =	vst v2  }
0x388: {  	[tilespmem:s1+$0xFFFFFFF0] =	vst v3  }
0x389: {  	[tilespmem:s1+$0xFFFFFF90] =	vst v4  }
0x38a: {  	v4 =	vld [tilespmem:s0+$0x0]  }
0x38b: {  	v6 =	vld [tilespmem:s0+$0xFFFFFFA0]  }
0x38c: {  	v8 =	vld [tilespmem:s0+$0xFFFFFFB0]  }
0x38d: {  	v5 =	vld [tilespmem:s0+$0xFFFFFFC0]  }
0x38e: {  	v3 =	vld [tilespmem:s0+$0xFFFFFFD0]  }
0x38f: {  	v2 =	vld [tilespmem:s0+$0xFFFFFFE0];
	v9 =	vmul.f32 $6.400000000e+01, v4  }
0x390: {  	v4 =	vld [tilespmem:s0+$0xFFFFFFF0];
	v7 =	vmul.f32 $6.400000000e+01, v6  }
0x391: {  	s7 =	simm.s32 $0x127F0;
	s1 =	simm.s32 $0x0;
	v6 =	vld [tilespmem:s0+$0xFFFFFF90];
	v8 =	vmul.f32 $6.400000000e+01, v8;
	[tilespmem:s0+$0x0] =	vst v9  }
.LBB2_65:
0x392: {  	v9 =	vld [tilespmem:s7+$0x0];
	s1 =	sadd.s32 $0x8, s1;
	[tilespmem:s0+$0xFFFFFFA0] =	vst v7;
	v5 =	vmul.f32 $6.400000000e+01, v5  }
0x393: {  	v7 =	vld [tilespmem:s7+$0xFFFFFFA0];
	p1 =	slt.u32 s1, $0xB8;
	[tilespmem:s0+$0xFFFFFFB0] =	vst v8;
	v3 =	vmul.f32 $6.400000000e+01, v3  }
0x394: {  	v8 =	vld [tilespmem:s7+$0xFFFFFFB0];
	[tilespmem:s0+$0xFFFFFFC0] =	vst v5;
	v2 =	vmul.f32 $6.400000000e+01, v2  }
.Ltmp31:
0x395: {  	v5 =	vld [tilespmem:s7+$0xFFFFFFC0];
	[tilespmem:s0+$0xFFFFFFD0] =	vst v3;
	v4 =	vmul.f32 $6.400000000e+01, v4;
	(pc) =	sbr.rel @p1 .LBB2_65-.Ltmp31, $4  }
0x396: {  	v3 =	vld [tilespmem:s7+$0xFFFFFFD0];
	v6 =	vmul.f32 $6.400000000e+01, v6;
	[tilespmem:s0+$0xFFFFFFE0] =	vst v2  }
0x397: {  	v2 =	vld [tilespmem:s7+$0xFFFFFFE0];
	v9 =	vmul.f32 $6.400000000e+01, v9;
	[tilespmem:s0+$0xFFFFFFF0] =	vst v4  }
0x398: {  	v7 =	vmul.f32 $6.400000000e+01, v7;
	v4 =	vld [tilespmem:s7+$0xFFFFFFF0];
	[tilespmem:s0+$0xFFFFFF90] =	vst v6;
	s0 =	smov.u32 s7  }
0x399: {  	s7 =	sadd.s32 $0x400, s7;
	v6 =	vld [tilespmem:s0+$0xFFFFFF90];
	v8 =	vmul.f32 $6.400000000e+01, v8;
	[tilespmem:s0+$0x0] =	vst v9  }
0x39a: {  	[tilespmem:s0+$0xFFFFFFA0] =	vst v7;
	v5 =	vmul.f32 $6.400000000e+01, v5  }
0x39b: {  	[tilespmem:s0+$0xFFFFFFB0] =	vst v8;
	v3 =	vmul.f32 $6.400000000e+01, v3  }
0x39c: {  	[tilespmem:s0+$0xFFFFFFC0] =	vst v5;
	v2 =	vmul.f32 $6.400000000e+01, v2  }
.Ltmp32:
0x39d: {  	[tilespmem:s0+$0xFFFFFFD0] =	vst v3;
	v3 =	vmul.f32 $6.400000000e+01, v4;
	(pc) =	sbr.rel @p0 .LBB2_68-.Ltmp32, $4  }
0x39e: {  	v63 =	vmul.f32 $6.400000000e+01, v6;
	[tilespmem:s0+$0xFFFFFFE0] =	vst v2  }
0x39f: {  	[tilespmem:s0+$0xFFFFFFF0] =	vst v3  }
0x3a0: {  	s31 =	sadd.s32 s6, s29;
	[tilespmem:s0+$0xFFFFFF90] =	vst v63  }
0x3a1: {  	[hbm4b:s31+s3] =	stream.linear.scatter [tilespmem:s17], [sflag:$0x8], $0x6000, $0x38;
	[tilespmem:$0x1B880] =	vst v63  }
0x3a2: {  	s0 =	sadd.s32 $0x5, s28  }
0x3a3: {  	s1 =	sshrl.u32 s0, $0x2  }
0x3a4: {  	s1 =	sand.u32 $0x38, s1  }
0x3a5: {  	s0 =	sand.u32 $0x1D, s0;
	s1 =	sadd.s32 s2, s1  }
0x3a6: {  	s0 =	smul.u32 $0x6000, s0;
	s1 =	sshrl.u32 s1, $0x3  }
0x3a7: {  	s1 =	smul.u32 $0xC3800, s1  }
.Ltmp33:
0x3a8: {  	_ = 	snop;
	(pc) =	sbr.rel .LBB2_2-.Ltmp33, $4  }
0x3a9: {  	_ =	swait.ge [sflag:s21], $0x6000;
	s0 =	sadd.s32 s0, s1  }
0x3aa: {  	[sflag:s21] =	ssyncset.done $0x0;
	s0 =	sshrl.u32 s0, $0x3  }
0x3ab: {  	s26 =	sadd.s32 $0x1, s26;
	[sflag:s21] =	ssyncadd.s32 $0xFFFFA000;
	s0 =	sadd.s32 s5, s0  }
0x3ac: {  	[tilespmem:s13], [sflag:$0x2] =	stream.linear.gather [hbm4b:s0+s3], $0x6000, $0x38;
	[tilespmem:$0x1B880] =	vst v63  }
.LBB2_68:
0x3ad: {  	_ =	swait.ge [sflag:s20], $0x6000  }
0x3ae: {  	[sflag:s20] =	ssyncset.done $0x0  }
0x3af: {  	[sflag:s20] =	ssyncadd.s32 $0xFFFFA000  }
0x3b0: {  	_ =	swait.ge [sflag:s21], $0x6000  }
0x3b1: {  	[sflag:s21] =	ssyncset.done $0x0  }
0x3b2: {  	[sflag:s21] =	ssyncadd.s32 $0xFFFFA000  }
0x3b3: {  	_ =	swait.ge [sflag:s22], $0x6000  }
0x3b4: {  	[sflag:s22] =	ssyncset.done $0x0  }
0x3b5: {  	[sflag:s22] =	ssyncadd.s32 $0xFFFFA000  }
0x3b6: {  	_ =	swait.ge [sflag:s23], $0x6000  }
0x3b7: {  	[sflag:s23] =	ssyncset.done $0x0  }
0x3b8: {  	s0 =	simm.s32 $0x0;
	s1 =	simm.s32 $0x0;
	[sflag:s23] =	ssyncadd.s32 $0xFFFFA000  }
.LBB2_69:
0x3b9: {  	s7 =	sadd.s32 s4, s1  }
0x3ba: {  	s7 =	smul.u32 $0xC3800, s7;
	_ =	sdelay $0x1  }
0x3bb: {  	s7 =	sshrl.u32 s7, $0x3  }
0x3bc: {  	s8 =	sshll.u32 s1, $0x3;
	s26 =	sadd.s32 $0x18000, s7  }
0x3bd: {  	v2 =	vor.u32 s8, v0;
	s7 =	sadd.s32 s5, s26  }
0x3be: {  	[tilespmem:s24], [sflag:$0x9] =	stream.linear.gather [hbm4b:s7+s0], $0x3800, $0x38;
	[tilespmem:$0x1B880] =	vst v63  }
0x3bf: {  	_ =	swait.ge [sflag:s12], $0x3800  }
0x3c0: {  	[sflag:s12] =	ssyncset.done $0x0  }
0x3c1: {  	[sflag:s12] =	ssyncadd.s32 $0xFFFFC800  }
0x3c2: {  	v2 =	vld.idx.msk [tilespmem:v2+s11+$0x0], $0xffff;
	_ =	sdelay $0x4  }
0x3c3: {  	v2 =	vadd.s32 $0xFFFE8000, v2  }
0x3c4: {  	vm1 =	vlt.u32 v2, $0x6A0  }
0x3c5: {  	vm1 =	vmand vm1, vm0  }
0x3c6: {  	v2 =	vnsel vm1, $0x0, v2  }
0x3c7: {  	v3 =	vshll.u32 v2, $0x3  }
0x3c8: {  	v2 =	vand.u32 $0x7F, v2;
	v3 =	vand.u32 $0xFFFFFC00, v3  }
0x3c9: {  	v2 =	vor.u32 v3, v2  }
0x3ca: {  	v2 =	vor.u32 v1, v2;
	_ =	sdelay $0x4  }
0x3cb: {  	v3 =	vld.idx.msk [tilespmem:v2+s24+$0x0], vm1;
	_ =	sdelay $0x4  }
0x3cc: {  	v4 =	vmul.f32 v3, v3;
	_ =	sdelay $0x1  }
0x3cd: {  	v4 =	vsub.f32 $1.000000000e+00, v4;
	_ =	sdelay $0x1  }
0x3ce: {  	v4 =	vmax.f32 v4, $0.0e+00  }
0x3cf: {  	v5 =	vshra.s32 v4, $0x1;
	v6 =	vmul.f32 $5.000000000e-01, v4  }
0x3d0: {  	v5 =	vsub.s32 $0x5F3759DF, v5  }
0x3d1: {  	v7 =	vmul.f32 v5, v6;
	_ =	sdelay $0x1  }
0x3d2: {  	v7 =	vmul.f32 v5, v7;
	_ =	sdelay $0x1  }
0x3d3: {  	v7 =	vsub.f32 $1.500000000e+00, v7;
	_ =	sdelay $0x1  }
0x3d4: {  	v5 =	vmul.f32 v5, v7;
	_ =	sdelay $0x1  }
0x3d5: {  	v7 =	vmul.f32 v5, v6;
	_ =	sdelay $0x1  }
0x3d6: {  	v7 =	vmul.f32 v7, v5;
	_ =	sdelay $0x1  }
0x3d7: {  	v7 =	vsub.f32 $1.500000000e+00, v7;
	_ =	sdelay $0x1  }
0x3d8: {  	v5 =	vmul.f32 v7, v5;
	_ =	sdelay $0x1  }
0x3d9: {  	v6 =	vmul.f32 v5, v6;
	_ =	sdelay $0x1  }
0x3da: {  	v6 =	vmul.f32 v6, v5;
	_ =	sdelay $0x1  }
0x3db: {  	v6 =	vsub.f32 $1.500000000e+00, v6;
	_ =	sdelay $0x1  }
0x3dc: {  	v5 =	vmul.f32 v6, v5;
	_ =	sdelay $0x1  }
0x3dd: {  	v4 =	vmul.f32 v5, v4;
	_ =	sdelay $0x1  }
0x3de: {  	v3 =	vmul.f32 $8.775825500e-01, v3;
	v4 =	vmul.f32 $-4.794255500e-01, v4;
	_ =	sdelay $0x1  }
0x3df: {  	v3 =	vadd.f32 v4, v3  }
0x3e0: {  	s30 =	sand.u32 $0x60, s0;
	s31 =	sand.u32 $0x3C00, s0  }
0x3e1: {  	s7 =	sor.u32 s30, s31;
	[tilespmem:v2+s24+$0x0] =	vst.idx.msk vm1, v3  }
0x3e2: {  	v2 =	vld [tilespmem:s7+$0x18010]  }
0x3e3: {  	v4 =	vld [tilespmem:s7+$0x18000];
	_ =	sdelay $0x1  }
0x3e4: {  	s9 =	simm.s32 $0x20;
	s8 =	simm.s32 $0x100  }
0x3e5: {  	s10 =	sand.u32 $0x60, s9;
	s28 =	sand.u32 $0x3C00, s8  }
0x3e6: {  	s10 =	sor.u32 s10, s28  }
0x3e7: {  	s28 =	simm.s32 $0x2;
	v3 =	vmul.f32 $6.400000000e+01, v2;
	v2 =	vld [tilespmem:s10+$0x18010];
	v4 =	vmul.f32 $6.400000000e+01, v4  }
.LBB2_70:
0x3e8: {  	s28 =	sadd.s32 $0x2, s28  }
0x3e9: {  	v5 =	vld [tilespmem:s10+$0x18000];
	[tilespmem:s7+$0x18010] =	vst v3;
	p0 =	slt.u32 s28, $0x68  }
.Ltmp34:
0x3ea: {  	[tilespmem:s7+$0x18000] =	vst v4;
	s7 =	smov.u32 s10;
	(pc) =	sbr.rel @p0 .LBB2_70-.Ltmp34, $4  }
0x3eb: {  	s8 =	sadd.s32 $0x100, s8;
	s9 =	sadd.s32 $0x20, s9  }
0x3ec: {  	s10 =	sand.u32 $0x60, s9;
	s29 =	sand.u32 $0x3C00, s8  }
0x3ed: {  	s10 =	sor.u32 s10, s29;
	v3 =	vmul.f32 $6.400000000e+01, v2  }
0x3ee: {  	v2 =	vld [tilespmem:s10+$0x18010];
	v4 =	vmul.f32 $6.400000000e+01, v5  }
0x3ef: {  	v5 =	vld [tilespmem:s10+$0x18000];
	_ =	sdelay $0x3  }
0x3f0: {  	[tilespmem:s7+$0x18010] =	vst v3;
	v2 =	vmul.f32 $6.400000000e+01, v2  }
0x3f1: {  	s30 =	simm.s32 $0x0;
	[tilespmem:s7+$0x18000] =	vst v4;
	v3 =	vmul.f32 $6.400000000e+01, v5  }
0x3f2: {  	s8 =	sand.u32 $0x60, s30;
	s7 =	sand.u32 $0x3C00, s30;
	[tilespmem:s10+$0x18010] =	vst v2  }
0x3f3: {  	s8 =	sor.u32 s8, s7;
	[tilespmem:s10+$0x18000] =	vst v3  }
0x3f4: {  	v2 =	vld [tilespmem:s8+$0x18090]  }
0x3f5: {  	v4 =	vld [tilespmem:s8+$0x18080];
	_ =	sdelay $0x1  }
0x3f6: {  	s9 =	simm.s32 $0x20;
	s7 =	simm.s32 $0x100  }
0x3f7: {  	s31 =	sand.u32 $0x60, s9;
	s28 =	sand.u32 $0x3C00, s7  }
0x3f8: {  	s10 =	sor.u32 s31, s28  }
0x3f9: {  	s29 =	smov.u32 s8;
	s28 =	simm.s32 $0x2;
	v3 =	vmul.f32 $6.400000000e+01, v2;
	v2 =	vld [tilespmem:s10+$0x18090];
	v4 =	vmul.f32 $6.400000000e+01, v4  }
.LBB2_72:
0x3fa: {  	s28 =	sadd.s32 $0x2, s28  }
0x3fb: {  	v5 =	vld [tilespmem:s10+$0x18080];
	[tilespmem:s29+$0x18090] =	vst v3;
	p0 =	slt.u32 s28, $0x68  }
.Ltmp35:
0x3fc: {  	[tilespmem:s29+$0x18080] =	vst v4;
	s29 =	smov.u32 s10;
	(pc) =	sbr.rel @p0 .LBB2_72-.Ltmp35, $4  }
0x3fd: {  	s7 =	sadd.s32 $0x100, s7;
	s9 =	sadd.s32 $0x20, s9  }
0x3fe: {  	s10 =	sand.u32 $0x60, s9;
	s30 =	sand.u32 $0x3C00, s7  }
0x3ff: {  	s10 =	sor.u32 s10, s30;
	v3 =	vmul.f32 $6.400000000e+01, v2  }
0x400: {  	v2 =	vld [tilespmem:s10+$0x18090];
	v4 =	vmul.f32 $6.400000000e+01, v5  }
0x401: {  	v5 =	vld [tilespmem:s10+$0x18080];
	_ =	sdelay $0x3  }
0x402: {  	[tilespmem:s29+$0x18090] =	vst v3;
	v2 =	vmul.f32 $6.400000000e+01, v2  }
0x403: {  	[tilespmem:s29+$0x18080] =	vst v4;
	v3 =	vmul.f32 $6.400000000e+01, v5  }
0x404: {  	[tilespmem:s10+$0x18090] =	vst v2  }
0x405: {  	[tilespmem:s10+$0x18080] =	vst v3  }
0x406: {  	v2 =	vld [tilespmem:s8+$0x18110]  }
0x407: {  	v4 =	vld [tilespmem:s8+$0x18100];
	_ =	sdelay $0x1  }
0x408: {  	s7 =	simm.s32 $0x100;
	s9 =	simm.s32 $0x20  }
0x409: {  	s31 =	sand.u32 $0x60, s9;
	s28 =	sand.u32 $0x3C00, s7  }
0x40a: {  	s10 =	sor.u32 s31, s28  }
0x40b: {  	s28 =	simm.s32 $0x2;
	v3 =	vmul.f32 $6.400000000e+01, v2;
	v2 =	vld [tilespmem:s10+$0x18110];
	v4 =	vmul.f32 $6.400000000e+01, v4  }
.LBB2_74:
0x40c: {  	s28 =	sadd.s32 $0x2, s28  }
0x40d: {  	v5 =	vld [tilespmem:s10+$0x18100];
	[tilespmem:s8+$0x18110] =	vst v3;
	p0 =	slt.u32 s28, $0x68  }
.Ltmp36:
0x40e: {  	[tilespmem:s8+$0x18100] =	vst v4;
	s8 =	smov.u32 s10;
	(pc) =	sbr.rel @p0 .LBB2_74-.Ltmp36, $4  }
0x40f: {  	s7 =	sadd.s32 $0x100, s7;
	s9 =	sadd.s32 $0x20, s9  }
0x410: {  	s10 =	sand.u32 $0x60, s9;
	s29 =	sand.u32 $0x3C00, s7  }
0x411: {  	s10 =	sor.u32 s10, s29;
	v3 =	vmul.f32 $6.400000000e+01, v2  }
0x412: {  	v2 =	vld [tilespmem:s10+$0x18110];
	v4 =	vmul.f32 $6.400000000e+01, v5  }
0x413: {  	v5 =	vld [tilespmem:s10+$0x18100];
	_ =	sdelay $0x3  }
0x414: {  	[tilespmem:s8+$0x18110] =	vst v3;
	v2 =	vmul.f32 $6.400000000e+01, v2  }
0x415: {  	s7 =	simm.s32 $0x0;
	[tilespmem:s8+$0x18100] =	vst v4;
	v3 =	vmul.f32 $6.400000000e+01, v5  }
0x416: {  	s30 =	sand.u32 $0x60, s7;
	s7 =	sand.u32 $0x3C00, s7;
	[tilespmem:s10+$0x18110] =	vst v2  }
0x417: {  	s8 =	sor.u32 s30, s7;
	[tilespmem:s10+$0x18100] =	vst v3  }
0x418: {  	v2 =	vld [tilespmem:s8+$0x18190]  }
0x419: {  	v4 =	vld [tilespmem:s8+$0x18180];
	_ =	sdelay $0x1  }
0x41a: {  	s9 =	simm.s32 $0x20;
	s7 =	simm.s32 $0x100  }
0x41b: {  	s31 =	sand.u32 $0x60, s9;
	s28 =	sand.u32 $0x3C00, s7  }
0x41c: {  	s10 =	sor.u32 s31, s28  }
0x41d: {  	s29 =	smov.u32 s8;
	s28 =	simm.s32 $0x2;
	v3 =	vmul.f32 $6.400000000e+01, v2;
	v2 =	vld [tilespmem:s10+$0x18190];
	v4 =	vmul.f32 $6.400000000e+01, v4  }
.LBB2_76:
0x41e: {  	s28 =	sadd.s32 $0x2, s28  }
0x41f: {  	v5 =	vld [tilespmem:s10+$0x18180];
	[tilespmem:s29+$0x18190] =	vst v3;
	p0 =	slt.u32 s28, $0x68  }
.Ltmp37:
0x420: {  	[tilespmem:s29+$0x18180] =	vst v4;
	s29 =	smov.u32 s10;
	(pc) =	sbr.rel @p0 .LBB2_76-.Ltmp37, $4  }
0x421: {  	s7 =	sadd.s32 $0x100, s7;
	s9 =	sadd.s32 $0x20, s9  }
0x422: {  	s10 =	sand.u32 $0x60, s9;
	s30 =	sand.u32 $0x3C00, s7  }
0x423: {  	s10 =	sor.u32 s10, s30;
	v3 =	vmul.f32 $6.400000000e+01, v2  }
0x424: {  	v2 =	vld [tilespmem:s10+$0x18190];
	v4 =	vmul.f32 $6.400000000e+01, v5  }
0x425: {  	v5 =	vld [tilespmem:s10+$0x18180];
	_ =	sdelay $0x3  }
0x426: {  	[tilespmem:s29+$0x18190] =	vst v3;
	v2 =	vmul.f32 $6.400000000e+01, v2  }
0x427: {  	[tilespmem:s29+$0x18180] =	vst v4;
	v3 =	vmul.f32 $6.400000000e+01, v5  }
0x428: {  	[tilespmem:s10+$0x18190] =	vst v2  }
0x429: {  	[tilespmem:s10+$0x18180] =	vst v3  }
0x42a: {  	v2 =	vld [tilespmem:s8+$0x18210]  }
0x42b: {  	v4 =	vld [tilespmem:s8+$0x18200];
	_ =	sdelay $0x1  }
0x42c: {  	s7 =	simm.s32 $0x100;
	s9 =	simm.s32 $0x20  }
0x42d: {  	s31 =	sand.u32 $0x60, s9;
	s28 =	sand.u32 $0x3C00, s7  }
0x42e: {  	s10 =	sor.u32 s31, s28  }
0x42f: {  	s28 =	simm.s32 $0x2;
	v3 =	vmul.f32 $6.400000000e+01, v2;
	v2 =	vld [tilespmem:s10+$0x18210];
	v4 =	vmul.f32 $6.400000000e+01, v4  }
.LBB2_78:
0x430: {  	s28 =	sadd.s32 $0x2, s28  }
0x431: {  	v5 =	vld [tilespmem:s10+$0x18200];
	[tilespmem:s8+$0x18210] =	vst v3;
	p0 =	slt.u32 s28, $0x68  }
.Ltmp38:
0x432: {  	[tilespmem:s8+$0x18200] =	vst v4;
	s8 =	smov.u32 s10;
	(pc) =	sbr.rel @p0 .LBB2_78-.Ltmp38, $4  }
0x433: {  	s7 =	sadd.s32 $0x100, s7;
	s9 =	sadd.s32 $0x20, s9  }
0x434: {  	s10 =	sand.u32 $0x60, s9;
	s29 =	sand.u32 $0x3C00, s7  }
0x435: {  	s10 =	sor.u32 s10, s29;
	v3 =	vmul.f32 $6.400000000e+01, v2  }
0x436: {  	v2 =	vld [tilespmem:s10+$0x18210];
	v4 =	vmul.f32 $6.400000000e+01, v5  }
0x437: {  	v5 =	vld [tilespmem:s10+$0x18200];
	_ =	sdelay $0x3  }
0x438: {  	[tilespmem:s8+$0x18210] =	vst v3;
	v2 =	vmul.f32 $6.400000000e+01, v2  }
0x439: {  	[tilespmem:s8+$0x18200] =	vst v4;
	s8 =	simm.s32 $0x0;
	v3 =	vmul.f32 $6.400000000e+01, v5  }
0x43a: {  	s7 =	sand.u32 $0x60, s8;
	s9 =	sand.u32 $0x3C00, s8;
	[tilespmem:s10+$0x18210] =	vst v2  }
0x43b: {  	s7 =	sor.u32 s7, s9;
	[tilespmem:s10+$0x18200] =	vst v3  }
0x43c: {  	v2 =	vld [tilespmem:s7+$0x18290]  }
0x43d: {  	v3 =	vld [tilespmem:s7+$0x18280];
	_ =	sdelay $0x1  }
0x43e: {  	s9 =	simm.s32 $0x100;
	s10 =	simm.s32 $0x20  }
0x43f: {  	s29 =	sand.u32 $0x3C00, s9;
	s28 =	sand.u32 $0x60, s10  }
0x440: {  	s28 =	sor.u32 s28, s29  }
0x441: {  	s29 =	simm.s32 $0x2;
	v4 =	vmul.f32 $6.400000000e+01, v2;
	v2 =	vld [tilespmem:s28+$0x18290];
	v3 =	vmul.f32 $6.400000000e+01, v3  }
.LBB2_80:
0x442: {  	s29 =	sadd.s32 $0x2, s29  }
0x443: {  	v5 =	vld [tilespmem:s28+$0x18280];
	[tilespmem:s7+$0x18290] =	vst v4;
	p0 =	slt.u32 s29, $0x68  }
.Ltmp39:
0x444: {  	[tilespmem:s7+$0x18280] =	vst v3;
	s7 =	smov.u32 s28;
	(pc) =	sbr.rel @p0 .LBB2_80-.Ltmp39, $4  }
0x445: {  	s9 =	sadd.s32 $0x100, s9;
	s10 =	sadd.s32 $0x20, s10  }
0x446: {  	s28 =	sand.u32 $0x60, s10;
	s30 =	sand.u32 $0x3C00, s9  }
0x447: {  	s28 =	sor.u32 s28, s30;
	v4 =	vmul.f32 $6.400000000e+01, v2  }
0x448: {  	v2 =	vld [tilespmem:s28+$0x18290];
	v3 =	vmul.f32 $6.400000000e+01, v5  }
0x449: {  	v5 =	vld [tilespmem:s28+$0x18280];
	_ =	sdelay $0x3  }
0x44a: {  	[tilespmem:s7+$0x18290] =	vst v4;
	s8 =	sand.u32 $0x3, s8;
	v2 =	vmul.f32 $6.400000000e+01, v2  }
0x44b: {  	[tilespmem:s7+$0x18280] =	vst v3;
	s10 =	sshll.u32 s8, $0x5;
	v3 =	vmul.f32 $6.400000000e+01, v5  }
0x44c: {  	s7 =	sadd.s32 $0x0, s10;
	[tilespmem:s28+$0x18290] =	vst v2  }
0x44d: {  	[tilespmem:s28+$0x18280] =	vst v3;
	s28 =	sor.u32 $0x300, s7  }
0x44e: {  	s7 =	sor.u32 $0x310, s7;
	v2 =	vld [tilespmem:s28+$0x18000]  }
0x44f: {  	s10 =	simm.s32 $0x1;
	v3 =	vld [tilespmem:s7+$0x18000]  }
0x450: {  	s31 =	sand.u32 $0x3, s10  }
0x451: {  	s8 =	sshll.u32 s31, $0x5  }
0x452: {  	s8 =	sadd.s32 $0x100, s8  }
0x453: {  	s9 =	sor.u32 $0x300, s8  }
0x454: {  	s29 =	simm.s32 $0x2;
	s30 =	simm.s32 $0x100;
	s8 =	sor.u32 $0x310, s8;
	v4 =	vmul.f32 $6.400000000e+01, v2;
	v2 =	vld [tilespmem:s9+$0x18000];
	v3 =	vmul.f32 $6.400000000e+01, v3  }
.LBB2_82:
0x455: {  	s29 =	sadd.s32 $0x2, s29  }
0x456: {  	v5 =	vld [tilespmem:s8+$0x18000];
	s10 =	sadd.s32 $0x1, s10;
	[tilespmem:s28+$0x18000] =	vst v4;
	p0 =	slt.u32 s29, $0x68  }
.Ltmp40:
0x457: {  	s28 =	sand.u32 $0x3, s10;
	[tilespmem:s7+$0x18000] =	vst v3;
	(pc) =	sbr.rel @p0 .LBB2_82-.Ltmp40, $4  }
0x458: {  	s30 =	sadd.s32 $0x100, s30;
	s7 =	sshll.u32 s28, $0x5;
	s28 =	smov.u32 s9  }
0x459: {  	s31 =	sadd.s32 s7, s30;
	s7 =	smov.u32 s8  }
0x45a: {  	s9 =	sor.u32 $0x300, s31;
	s8 =	sor.u32 $0x310, s31;
	v4 =	vmul.f32 $6.400000000e+01, v2  }
0x45b: {  	v2 =	vld [tilespmem:s9+$0x18000];
	v3 =	vmul.f32 $6.400000000e+01, v5  }
0x45c: {  	v5 =	vld [tilespmem:s8+$0x18000];
	_ =	sdelay $0x2  }
0x45d: {  	s10 =	simm.s32 $0x0  }
0x45e: {  	[tilespmem:s28+$0x18000] =	vst v4;
	s10 =	sand.u32 $0x3, s10;
	v2 =	vmul.f32 $6.400000000e+01, v2  }
0x45f: {  	[tilespmem:s7+$0x18000] =	vst v3;
	s10 =	sshll.u32 s10, $0x5;
	v3 =	vmul.f32 $6.400000000e+01, v5  }
0x460: {  	s7 =	sadd.s32 $0x0, s10;
	[tilespmem:s9+$0x18000] =	vst v2  }
0x461: {  	[tilespmem:s8+$0x18000] =	vst v3;
	s8 =	sor.u32 $0x380, s7  }
0x462: {  	s7 =	sor.u32 $0x390, s7;
	v2 =	vld [tilespmem:s8+$0x18000]  }
0x463: {  	s9 =	simm.s32 $0x1;
	v3 =	vld [tilespmem:s7+$0x18000]  }
0x464: {  	s31 =	sand.u32 $0x3, s9  }
0x465: {  	s10 =	sshll.u32 s31, $0x5  }
0x466: {  	s10 =	sadd.s32 $0x100, s10  }
0x467: {  	s30 =	sor.u32 $0x380, s10  }
0x468: {  	s28 =	simm.s32 $0x2;
	s29 =	simm.s32 $0x100;
	s10 =	sor.u32 $0x390, s10;
	v4 =	vmul.f32 $6.400000000e+01, v2;
	v2 =	vld [tilespmem:s30+$0x18000];
	v3 =	vmul.f32 $6.400000000e+01, v3  }
.LBB2_84:
0x469: {  	s28 =	sadd.s32 $0x2, s28  }
0x46a: {  	v5 =	vld [tilespmem:s10+$0x18000];
	s9 =	sadd.s32 $0x1, s9;
	[tilespmem:s8+$0x18000] =	vst v4;
	s8 =	smov.u32 s30;
	p0 =	slt.u32 s28, $0x68  }
.Ltmp41:
0x46b: {  	s30 =	sand.u32 $0x3, s9;
	[tilespmem:s7+$0x18000] =	vst v3;
	(pc) =	sbr.rel @p0 .LBB2_84-.Ltmp41, $4  }
0x46c: {  	s29 =	sadd.s32 $0x100, s29;
	s7 =	smov.u32 s10;
	s30 =	sshll.u32 s30, $0x5  }
0x46d: {  	s10 =	sadd.s32 s30, s29  }
0x46e: {  	s30 =	sor.u32 $0x380, s10;
	s10 =	sor.u32 $0x390, s10;
	v4 =	vmul.f32 $6.400000000e+01, v2  }
0x46f: {  	v2 =	vld [tilespmem:s30+$0x18000];
	v3 =	vmul.f32 $6.400000000e+01, v5  }
0x470: {  	v5 =	vld [tilespmem:s10+$0x18000];
	_ =	sdelay $0x3  }
0x471: {  	[tilespmem:s8+$0x18000] =	vst v4;
	v2 =	vmul.f32 $6.400000000e+01, v2  }
0x472: {  	s1 =	sadd.s32 $0x1, s1;
	[tilespmem:s7+$0x18000] =	vst v3;
	v3 =	vmul.f32 $6.400000000e+01, v5  }
0x473: {  	p0 =	sne.s32 s1, $0x4;
	[tilespmem:s30+$0x18000] =	vst v2  }
.Ltmp42:
0x474: {  	s31 =	sadd.s32 s6, s26;
	[tilespmem:s10+$0x18000] =	vst v3;
	(pc) =	sbr.rel @p0 .LBB2_69-.Ltmp42, $4  }
0x475: {  	[hbm4b:s31+s3] =	stream.linear.scatter [tilespmem:s24], [sflag:$0x9], $0x3800, $0x38;
	[tilespmem:$0x1B880] =	vst v63  }
0x476: {  	_ =	swait.ge [sflag:s12], $0x3800  }
0x477: {  	[sflag:s12] =	ssyncset.done $0x0  }
0x478: {  	[sflag:s12] =	ssyncadd.s32 $0xFFFFC800  }
0x479: {  	s25 =	sadd.s32 $0x1, s25;
	s0 =	rddreg [dreg:$0x6]  }
0x47a: {  	p0 =	sne.s32 s25, s0  }
.Ltmp43:
0x47b: {  	_ = 	snop;
	(pc) =	sbr.rel @p0 .LBB2_1-.Ltmp43, $1  }
0x47c: {  	_ =	sdelay $0x3  }
0x47d: {  	_ =	sfence.sel $0x180000  }
0x47e: {  	[bflag:$0x0] =	sbarrier.arrive $0xFFFF  }
0x47f: {  	_ =	strace $0x90000047  }
0x480: {  	s0 =	stileid.u32;
	[bflag:$0x2] =	sbarrier.arrive $0xFFFF  }
0x481: {  	p0 =	sne.s32 s0, $0x0;
	s0 =	rddreg [dreg:$0x2]  }
0x482: {  	s0 =	sadd.s32 @!p0 $0x100000, s0  }
0x483: {  	[sflag:s0] =	ssyncadd.tile.s32 @!p0 $0x1;
	_ =	shalt  }
.Lfunc_end2:
_tile_overlayer_lowered:
.L_overlay_start_2:
0x484: {  	(tag) =	ssettag $0x2  }
0x485: {  	s0 =	rddreg [dreg:$0x0];
	s2 =	stileid.u32  }
0x486: {  	s1 =	rddreg [dreg:$0x1];
	p0 =	sne.s32 s2, $0x0  }
0x487: {  	s3 =	rddreg [dreg:$0x2];
	[bflag:$0x3] =	sbarrier.arrive $0xFFFF;
	s2 =	simm.s32 @!p0 $0x1C09  }
0x488: {  	[timem:s3], [sflag:s2] =	dma.local @!p0 [hbm:s0], s1  }
0x489: {  	s0 =	simm.s32 @!p0 $0x9  }
0x48a: {  	_ =	swait.ge @!p0 [sflag:s0], s1  }
0x48b: {  	s1 =	ssub.s32 @!p0 $0x0, s1;
	[sflag:s0] =	ssyncset.done @!p0 $0x0  }
0x48c: {  	[sflag:s0] =	ssyncadd.s32 @!p0 s1  }
0x48d: {  	[bflag:$0x3] =	sbarrier.arrive $0xFFFF  }
0x48e: {  	_ =	shalt  }

</sc_bundles>
